<compile_context>
chip_gen: v7x
topology: tpu7x:2x2x1
jax: 0.10.2.dev20260603
libtpu: 0.0.44.dev20260713+nightly
codegen_flags: <defaults>
</compile_context>

<pallas_src>
import functools

import jax
import jax.numpy as jnp
from jax import lax
from jax.experimental import pallas as pl
from jax.experimental.pallas import tpu as pltpu
from jax.experimental.pallas import tpu_sc as plsc

_KP_EXTENT = 1.0
_BN_EPS = 1e-5
_LEAKY_SLOPE = 0.2

_HIGH = lax.Precision.HIGHEST


def _sc_gather(table, idx_flat, row_w):
    nh = idx_flat.shape[0]
    nw = 32
    b_per_w = nh // nw
    chunk = 400
    assert b_per_w % chunk == 0 and b_per_w % 8 == 0

    mesh = plsc.VectorSubcoreMesh(core_axis_name="c", subcore_axis_name="s")

    @functools.partial(
        pl.kernel,
        mesh=mesh,
        out_type=jax.ShapeDtypeStruct((nh, row_w), jnp.float32),
        scratch_types=[
            pltpu.VMEM((chunk,), jnp.int32),
            pltpu.VMEM((chunk, row_w), jnp.float32),
            pltpu.SemaphoreType.DMA,
        ],
    )
    def gather_kernel(table_hbm, idx_hbm, out_hbm, idx_v, rows_v, sem):
        wid = lax.axis_index("s") * 2 + lax.axis_index("c")
        base = wid * b_per_w

        @pl.loop(0, b_per_w, step=chunk)
        def _(off):
            b0 = base + off
            pltpu.sync_copy(idx_hbm.at[pl.ds(b0, chunk)], idx_v)
            pltpu.async_copy(table_hbm.at[idx_v], rows_v, sem).wait()
            pltpu.sync_copy(rows_v, out_hbm.at[pl.ds(b0, chunk)])

    return gather_kernel(table, idx_flat)


def _main_body(nk, h, b, nxp_ref, posrepT_ref, kpc_ref, wstack_ref,
               out_ref, stats_ref, sk_ref):
    i = pl.program_id(0)
    w_i = lax.bitcast_convert_type(nxp_ref[:, 0:64], jnp.int32)
    lo = lax.bitcast_convert_type(w_i << 16, jnp.float32)
    hi = lax.bitcast_convert_type(w_i & jnp.int32(-65536), jnp.float32)
    nx = jnp.concatenate([lo, hi], axis=1)

    srow = lax.broadcasted_iota(jnp.int32, (16, 128), 0)
    slane = lax.broadcasted_iota(jnp.int32, (16, 128), 1)
    emat = jnp.where((slane == srow + 64) | (slane == srow + 80)
                     | (slane == srow + 96), 1.0, 0.0)
    nposT = lax.dot_general(emat, nxp_ref[...],
                            dimension_numbers=(((1,), (1,)), ((), ())),
                            preferred_element_type=jnp.float32)
    relT = nposT - posrepT_ref[...]
    sh = (16, relT.shape[1])
    dx = jnp.broadcast_to(relT[0:1, :], sh) - kpc_ref[:, 0:1]
    dy = jnp.broadcast_to(relT[1:2, :], sh) - kpc_ref[:, 1:2]
    dz = jnp.broadcast_to(relT[2:3, :], sh) - kpc_ref[:, 2:3]
    sqT = dx * dx + dy * dy + dz * dz
    wtsT = jnp.maximum(0.0, 1.0 - jnp.sqrt(sqT) / _KP_EXTENT)
    krow = lax.broadcasted_iota(jnp.int32, (16, 1), 0)
    wtsT = jnp.where(krow < nk, wtsT, 0.0)

    nxb = nx.astype(jnp.bfloat16)
    sub8 = lax.broadcasted_iota(jnp.int32, (128, 256), 0) % 8
    lane32 = lax.broadcasted_iota(jnp.int32, (128, 256), 1) // 32
    keep = sub8 == lane32
    ngroups = (b * h) // 256
    for g in range(ngroups):
        wg = wtsT[:, g * 256:(g + 1) * 256]
        wrep = jnp.broadcast_to(wg[:, None, :], (16, 8, 256)).reshape(128, 256)
        wblk = jnp.where(keep, wrep, 0.0).astype(jnp.bfloat16)
        wf = lax.dot(wblk, nxb[g * 256:(g + 1) * 256, :],
                     preferred_element_type=jnp.float32)
        for k in range(16):
            sk_ref[g * 8:(g + 1) * 8, k * 128:(k + 1) * 128] = (
                wf[k * 8:(k + 1) * 8, :])

    acc = lax.dot(sk_ref[...].astype(jnp.bfloat16), wstack_ref[...],
                  preferred_element_type=jnp.float32)

    out_ref[...] = acc

    @pl.when(i == 0)
    def _():
        stats_ref[...] = jnp.zeros_like(stats_ref)

    stats_ref[0:1, :] = stats_ref[0:1, :] + jnp.sum(acc, axis=0, keepdims=True)
    stats_ref[1:2, :] = stats_ref[1:2, :] + jnp.sum(acc * acc, axis=0,
                                                    keepdims=True)


def _bn_body(n, chunks, raw_ref, stats_ref, gamma_ref, beta_ref, out_ref):
    raw = raw_ref[...]
    stats = jnp.sum(stats_ref[...].reshape(chunks, 8, 128), axis=0)
    mean = stats[0:1, :] * (1.0 / n)
    var = stats[1:2, :] * (1.0 / n) - mean * mean
    a = gamma_ref[...] * lax.rsqrt(var + _BN_EPS)
    shift = beta_ref[...] - mean * a
    y = raw * a + shift
    out_ref[...] = jnp.where(y >= 0.0, y, _LEAKY_SLOPE * y)


def kernel(pos, x, idx_neighbour, kernel_points, weight, gamma, beta):
    n, h = idx_neighbour.shape
    nk = kernel_points.shape[0]
    nh = n * h

    posp = jnp.pad(pos, ((0, 0), (0, 16 - pos.shape[1])))
    xu = lax.bitcast_convert_type(x.astype(jnp.bfloat16),
                                  jnp.uint16).astype(jnp.uint32)
    xw = lax.bitcast_convert_type(xu[:, 0::2] | (xu[:, 1::2] << 16),
                                  jnp.float32)
    posp_hi = posp.astype(jnp.bfloat16).astype(jnp.float32)
    posp_lo = (posp - posp_hi).astype(jnp.bfloat16).astype(jnp.float32)
    posp_l2 = (posp - posp_hi - posp_lo).astype(jnp.bfloat16).astype(
        jnp.float32)
    table = jnp.pad(jnp.concatenate([xw, posp_hi, posp_lo, posp_l2], axis=1),
                    ((0, 0), (0, 16)))
    idx_flat = idx_neighbour.reshape(nh)
    posrepT = jnp.repeat(posp.at[:, 3].set(-1.0).T[:, :, None], h,
                         axis=2).reshape(16, nh)
    kpc = jnp.zeros((16, 128), jnp.float32).at[:nk, 0:3].set(kernel_points)
    perm = jnp.concatenate([jnp.arange(0, 128, 2), jnp.arange(1, 128, 2)])
    wstack = jnp.zeros((16, 128, 128), jnp.float32).at[:nk].set(
        weight[:, perm, :]).reshape(16 * 128, 128).astype(jnp.bfloat16)

    nxp = _sc_gather(table, idx_flat, 128)

    b = 200
    grid = n // b
    out_raw, stats = pl.pallas_call(
        functools.partial(_main_body, nk, h, b),
        grid=(grid,),
        in_specs=[
            pl.BlockSpec((b * h, 128), lambda i: (i, 0)),
            pl.BlockSpec((16, b * h), lambda i: (0, i)),
            pl.BlockSpec((16, 128), lambda i: (0, 0)),
            pl.BlockSpec((16 * 128, 128), lambda i: (0, 0)),
        ],
        out_specs=[
            pl.BlockSpec((b, 128), lambda i: (i, 0)),
            pl.BlockSpec((8, 128), lambda i: (0, 0)),
        ],
        out_shape=[
            jax.ShapeDtypeStruct((n, 128), jnp.float32),
            jax.ShapeDtypeStruct((8, 128), jnp.float32),
        ],
        scratch_shapes=[pltpu.VMEM((b, 16 * 128), jnp.float32)],
    )(nxp, posrepT, kpc, wstack)

    out = pl.pallas_call(
        functools.partial(_bn_body, float(n), 1),
        in_specs=[
            pl.BlockSpec((n, 128), lambda: (0, 0)),
            pl.BlockSpec((8, 128), lambda: (0, 0)),
            pl.BlockSpec((1, 128), lambda: (0, 0)),
            pl.BlockSpec((1, 128), lambda: (0, 0)),
        ],
        out_specs=pl.BlockSpec((n, 128), lambda: (0, 0)),
        out_shape=jax.ShapeDtypeStruct((n, 128), jnp.float32),
    )(out_raw, stats, gamma.reshape(1, 128), beta.reshape(1, 128))
    return out

# --- scband reference (transcript-rebuilt; emitter-appended) ---
"""Pipeline reference for scband-simple-block-25005299597957 (READ-ONLY COPY).

The authoritative reference and input builder live on the scoring server;
editing this copy changes nothing except your own understanding.
"""

import jax, jax.numpy as jnp
import numpy as np

N = 10000          # number of points
H = 32             # max_num_neighbors
K = 15             # number of kernel points (KPConv default)
IN_CH = 128
OUT_CH = 128
KP_EXTENT = 1.0
RADIUS = 1.0
BN_EPS = 1e-5
LEAKY_SLOPE = 0.2


def setup_inputs(seed: int = 0) -> dict:
    key = jax.random.key(seed)
    k1, k2, k3, k4, k5 = jax.random.split(key, 5)
    pos = jax.random.normal(k1, (N, 3), dtype=jnp.float32)
    x = jax.random.normal(k2, (N, IN_CH), dtype=jnp.float32)
    idx_neighbour = jax.random.randint(k3, (N, H), 0, N, dtype=jnp.int32)
    # fixed kernel point dispositions inside the ball of radius RADIUS
    kernel_points = jax.random.uniform(k4, (K, 3), minval=-1.0, maxval=1.0, dtype=jnp.float32) * RADIUS
    # KPConv weights: one [in, out] matrix per kernel point
    weight = jax.random.normal(k5, (K, IN_CH, OUT_CH), dtype=jnp.float32) / np.sqrt(IN_CH * K)
    gamma = jnp.ones((OUT_CH,), dtype=jnp.float32)
    beta = jnp.zeros((OUT_CH,), dtype=jnp.float32)
    return {"pos": pos, "x": x, "idx_neighbour": idx_neighbour,
            "kernel_points": kernel_points, "weight": weight,
            "gamma": gamma, "beta": beta}


def reference(pos, x, idx_neighbour, kernel_points, weight, gamma, beta):
    # --- KPConv (partial dense, query points == support points, no stride) ---
    neighb_pos = jnp.take(pos, idx_neighbour, axis=0)          # [N, H, 3] gather
    rel = neighb_pos - pos[:, None, :]                          # [N, H, 3]
    # distance of each relative neighbor position to each kernel point
    diff = rel[:, :, None, :] - kernel_points[None, None, :, :]  # [N, H, K, 3]
    sq_dist = jnp.sum(diff * diff, axis=-1)                      # [N, H, K]
    # linear influence: max(0, 1 - d / kp_extent)
    all_weights = jnp.maximum(0.0, 1.0 - jnp.sqrt(sq_dist) / KP_EXTENT)  # [N, H, K]
    neighb_x = jnp.take(x, idx_neighbour, axis=0)                # [N, H, IN_CH] gather
    # aggregate neighbor features per kernel point
    weighted_feats = jnp.einsum('nhk,nhi->nki', all_weights, neighb_x)   # [N, K, IN_CH]
    out = jnp.einsum('nki,kio->no', weighted_feats, weight)      # [N, OUT_CH]
    # --- BatchNorm1d (training-mode statistics over points) ---
    mean = jnp.mean(out, axis=0)
    var = jnp.var(out, axis=0)
    out = (out - mean) / jnp.sqrt(var + BN_EPS) * gamma + beta
    # --- LeakyReLU(0.2) ---
    out = jnp.where(out >= 0, out, LEAKY_SLOPE * out)
    return out

if __name__ == "__main__":
    import jax
    _d = setup_inputs()
    print(jax.jit(kernel)(*tuple(_d.values())))

</pallas_src>

<mosaic_0001>
#map = affine_map<(d0, d1) -> (0, 0)>
#map1 = affine_map<(d0, d1) -> (0)>
module attributes {stable_mosaic.version = 14 : i64} {
  func.func @gather_kernel(%arg0: i32, %arg1: i32, %arg2: memref<10000x128xf32, #tpu.memory_space<hbm>>, %arg3: memref<320000xi32, #tpu.memory_space<hbm>>, %arg4: memref<320000x128xf32, #tpu.memory_space<hbm>>, %arg5: memref<400xi32, #tpu.memory_space<vmem>>, %arg6: memref<400x128xf32, #tpu.memory_space<vmem>>, %arg7: memref<!tpu.dma_semaphore, #tpu.memory_space<semaphore_mem>>) attributes {dimension_semantics = [#tpu.dimension_semantics<core_parallel>, #tpu.dimension_semantics<subcore_parallel>], iteration_bounds = array<i64: 2, 16>, scalar_prefetch = 0 : i64, scratch_operands = 3 : i64, tpu.core_type = #tpu.core_type<sc_vector_subcore>, window_params = [{transform_indices = #map}, {transform_indices = #map1}, {transform_indices = #map}]} {
    %mul3A = arith.constant 2 : i32
    %mul3A_0 = arith.muli %arg1, %mul3A : i32
    %add3A = arith.addi %mul3A_0, %arg0 : i32
    %mul3A_1 = arith.constant 10000 : i32
    %mul3A_2 = arith.muli %add3A, %mul3A_1 : i32
    %scan3A = arith.constant 0 : i32
    %scan3A_3 = arith.constant 25 : i32
    %scan3A_4 = arith.addi %scan3A, %scan3A_3 : i32
    %scan3A_5 = arith.constant 1 : i32
    scf.for %scan3A_7 = %scan3A to %scan3A_4 step %scan3A_5  : i32 {
      %mul3A_8 = arith.constant 400 : i32
      %mul3A_9 = arith.muli %scan3A_7, %mul3A_8 : i32
      %add3A_10 = arith.constant 0 : i32
      %add3A_11 = arith.addi %add3A_10, %mul3A_9 : i32
      %add3A_12 = arith.addi %mul3A_2, %add3A_11 : i32
      "tpu.region"() ({
        %run_scoped3A = tpu.sem_alloc : memref<!tpu.dma_semaphore, #tpu.memory_space<semaphore_mem>>
        %dma_start3A_17 = tpu.memref_slice %arg3[%add3A_12] : memref<320000xi32, #tpu.memory_space<hbm>> -> memref<400xi32, #tpu.memory_space<hbm>>
        %dma_start3A_18 = tpu.memref_slice %arg3[%add3A_12] : memref<320000xi32, #tpu.memory_space<hbm>> -> memref<400xi32, #tpu.memory_space<hbm>>
        tpu.enqueue_dma source(%dma_start3A_18 : memref<400xi32, #tpu.memory_space<hbm>>) target(%arg5 : memref<400xi32, #tpu.memory_space<vmem>>) target_semaphore(%run_scoped3A : memref<!tpu.dma_semaphore, #tpu.memory_space<semaphore_mem>>)
        %dma_wait3A_19 = tpu.memref_slice %arg3[%add3A_12] : memref<320000xi32, #tpu.memory_space<hbm>> -> memref<400xi32, #tpu.memory_space<hbm>>
        %dma_wait3A_20 = tpu.memref_slice %arg3[%add3A_12] : memref<320000xi32, #tpu.memory_space<hbm>> -> memref<400xi32, #tpu.memory_space<hbm>>
        tpu.wait_dma2 semaphore(%run_scoped3A : memref<!tpu.dma_semaphore, #tpu.memory_space<semaphore_mem>>) src(%dma_wait3A_20 : memref<400xi32, #tpu.memory_space<hbm>>) dst(%arg5 : memref<400xi32, #tpu.memory_space<vmem>>)
        tpu.yield
      }) : () -> ()
      %dma_start3A = arith.constant 0 : i32
      %dma_start3A_13 = arith.constant 0 : i32
      %dma_start3A_14 = tpu.memref_slice %arg2[%dma_start3A, %dma_start3A_13] : memref<10000x128xf32, #tpu.memory_space<hbm>> -> memref<10000x128xf32, #tpu.memory_space<hbm>>
      tpu.enqueue_indirect_dma source(%dma_start3A_14 : memref<10000x128xf32, #tpu.memory_space<hbm>>) target(%arg6 : memref<400x128xf32, #tpu.memory_space<vmem>>) offsets(%arg5 : memref<400xi32, #tpu.memory_space<vmem>>) semaphore(%arg7 : memref<!tpu.dma_semaphore, #tpu.memory_space<semaphore_mem>>)
      %dma_wait3A = arith.constant 0 : i32
      %dma_wait3A_15 = arith.constant 0 : i32
      %dma_wait3A_16 = tpu.memref_slice %arg2[%dma_wait3A, %dma_wait3A_15] : memref<10000x128xf32, #tpu.memory_space<hbm>> -> memref<10000x128xf32, #tpu.memory_space<hbm>>
      tpu.wait_indirect_dma semaphore(%arg7 : memref<!tpu.dma_semaphore, #tpu.memory_space<semaphore_mem>>) src(%dma_wait3A_16 : memref<10000x128xf32, #tpu.memory_space<hbm>>) dst(%arg6 : memref<400x128xf32, #tpu.memory_space<vmem>>)
      "tpu.region"() ({
        %run_scoped3A = tpu.sem_alloc : memref<!tpu.dma_semaphore, #tpu.memory_space<semaphore_mem>>
        %dma_start3A_17 = arith.constant 0 : i32
        %dma_start3A_18 = tpu.memref_slice %arg4[%add3A_12, %dma_start3A_17] : memref<320000x128xf32, #tpu.memory_space<hbm>> -> memref<400x128xf32, #tpu.memory_space<hbm>>
        %dma_start3A_19 = arith.constant 0 : i32
        %dma_start3A_20 = tpu.memref_slice %arg4[%add3A_12, %dma_start3A_19] : memref<320000x128xf32, #tpu.memory_space<hbm>> -> memref<400x128xf32, #tpu.memory_space<hbm>>
        tpu.enqueue_dma source(%arg6 : memref<400x128xf32, #tpu.memory_space<vmem>>) target(%dma_start3A_20 : memref<400x128xf32, #tpu.memory_space<hbm>>) target_semaphore(%run_scoped3A : memref<!tpu.dma_semaphore, #tpu.memory_space<semaphore_mem>>)
        %dma_wait3A_21 = arith.constant 0 : i32
        %dma_wait3A_22 = tpu.memref_slice %arg4[%add3A_12, %dma_wait3A_21] : memref<320000x128xf32, #tpu.memory_space<hbm>> -> memref<400x128xf32, #tpu.memory_space<hbm>>
        %dma_wait3A_23 = arith.constant 0 : i32
        %dma_wait3A_24 = tpu.memref_slice %arg4[%add3A_12, %dma_wait3A_23] : memref<320000x128xf32, #tpu.memory_space<hbm>> -> memref<400x128xf32, #tpu.memory_space<hbm>>
        tpu.wait_dma2 semaphore(%run_scoped3A : memref<!tpu.dma_semaphore, #tpu.memory_space<semaphore_mem>>) src(%arg6 : memref<400x128xf32, #tpu.memory_space<vmem>>) dst(%dma_wait3A_24 : memref<400x128xf32, #tpu.memory_space<hbm>>)
        tpu.yield
      }) : () -> ()
    }
    %scan3A_6 = arith.constant 25 : i32
    return
  }
}

module attributes {stable_mosaic.version = 14 : i64} {
  func.func @_main_body(%arg0: i32, %arg1: memref<6400x128xf32, #tpu.memory_space<vmem>>, %arg2: memref<16x6400xf32, #tpu.memory_space<vmem>>, %arg3: memref<16x128xf32, #tpu.memory_space<vmem>>, %arg4: memref<2048x128xbf16, #tpu.memory_space<vmem>>, %arg5: memref<200x128xf32, #tpu.memory_space<vmem>>, %arg6: memref<8x128xf32, #tpu.memory_space<vmem>>, %arg7: memref<200x2048xf32, #tpu.memory_space<vmem>>) attributes {dimension_semantics = [#tpu.dimension_semantics<arbitrary>], iteration_bounds = array<i64: 50>, scalar_prefetch = 0 : i64, scratch_operands = 1 : i64, tpu.core_type = #tpu.core_type<tc>, window_params = [{transform_indices = @transform_0, window_bounds = array<i64: 6400, 128>}, {transform_indices = @transform_1, window_bounds = array<i64: 16, 6400>}, {pipeline_mode = #tpu.pipeline_mode<synchronous>, transform_indices = @transform_2, window_bounds = array<i64: 16, 128>}, {pipeline_mode = #tpu.pipeline_mode<synchronous>, transform_indices = @transform_3, window_bounds = array<i64: 2048, 128>}, {transform_indices = @transform_4, window_bounds = array<i64: 200, 128>}, {pipeline_mode = #tpu.pipeline_mode<synchronous>, transform_indices = @transform_5, window_bounds = array<i64: 8, 128>}]} {
    %get3A = arith.constant 0 : index
    %get3A_0 = arith.constant 0 : index
    %get3A_1 = vector.load %arg1[%get3A, %get3A_0] : memref<6400x128xf32, #tpu.memory_space<vmem>>, vector<6400x64xf32>
    %bitcast_convert_type3A = tpu.bitcast %get3A_1 : vector<6400x64xf32> -> vector<6400x64xi32>
    %shift_left3A = arith.constant 16 : i32
    %shift_left3A_2 = vector.broadcast %shift_left3A : i32 to vector<6400x64xi32>
    %shift_left3A_3 = arith.shli %bitcast_convert_type3A, %shift_left3A_2 : vector<6400x64xi32>
    %bitcast_convert_type3A_4 = tpu.bitcast %shift_left3A_3 : vector<6400x64xi32> -> vector<6400x64xf32>
    %and3A = arith.constant -65536 : i32
    %and3A_5 = vector.broadcast %and3A : i32 to vector<6400x64xi32>
    %and3A_6 = arith.andi %bitcast_convert_type3A, %and3A_5 : vector<6400x64xi32>
    %bitcast_convert_type3A_7 = tpu.bitcast %and3A_6 : vector<6400x64xi32> -> vector<6400x64xf32>
    %concatenate3A = tpu.concatenate %bitcast_convert_type3A_4, %bitcast_convert_type3A_7 in 1 : vector<6400x64xf32>, vector<6400x64xf32> -> vector<6400x128xf32>
    %iota3A = tpu.iota {dimensions = array<i32: 0>} : vector<16x128xi32>
    %iota3A_8 = tpu.iota {dimensions = array<i32: 1>} : vector<16x128xi32>
    %add3A = arith.constant 64 : i32
    %add3A_9 = vector.broadcast %add3A : i32 to vector<16x128xi32>
    %add3A_10 = arith.addi %iota3A, %add3A_9 : vector<16x128xi32>
    %eq3A = arith.cmpi eq, %iota3A_8, %add3A_10 : vector<16x128xi32>
    %add3A_11 = arith.constant 80 : i32
    %add3A_12 = vector.broadcast %add3A_11 : i32 to vector<16x128xi32>
    %add3A_13 = arith.addi %iota3A, %add3A_12 : vector<16x128xi32>
    %eq3A_14 = arith.cmpi eq, %iota3A_8, %add3A_13 : vector<16x128xi32>
    %or3A = arith.ori %eq3A, %eq3A_14 : vector<16x128xi1>
    %add3A_15 = arith.constant 96 : i32
    %add3A_16 = vector.broadcast %add3A_15 : i32 to vector<16x128xi32>
    %add3A_17 = arith.addi %iota3A, %add3A_16 : vector<16x128xi32>
    %eq3A_18 = arith.cmpi eq, %iota3A_8, %add3A_17 : vector<16x128xi32>
    %or3A_19 = arith.ori %or3A, %eq3A_18 : vector<16x128xi1>
    %jit3A = arith.constant 1.000000e+00 : f32
    %jit3A_20 = arith.constant 0.000000e+00 : f32
    %broadcast_in_dim3A = vector.broadcast %jit3A : f32 to vector<16x128xf32>
    %broadcast_in_dim3A_21 = vector.broadcast %jit3A_20 : f32 to vector<16x128xf32>
    %select_n3A = arith.select %or3A_19, %broadcast_in_dim3A, %broadcast_in_dim3A_21 : vector<16x128xi1>, vector<16x128xf32>
    %get3A_22 = arith.constant 0 : index
    %get3A_23 = arith.constant 0 : index
    %get3A_24 = vector.load %arg1[%get3A_22, %get3A_23] : memref<6400x128xf32, #tpu.memory_space<vmem>>, vector<6400x128xf32>
    %dot_general3A = arith.constant dense<0.000000e+00> : vector<16x6400xf32>
    %dot_general3A_25 = tpu.matmul %select_n3A, %get3A_24, %dot_general3A {dimension_numbers = #tpu.dot_dimension_numbers<[1], [1], [0], [0], [0, 0, 1, 0], [], []>, transpose_lhs_hint = false} : vector<16x128xf32>, vector<6400x128xf32>, vector<16x6400xf32> -> vector<16x6400xf32>
    %get3A_26 = arith.constant 0 : index
    %get3A_27 = arith.constant 0 : index
    %get3A_28 = vector.load %arg2[%get3A_26, %get3A_27] : memref<16x6400xf32, #tpu.memory_space<vmem>>, vector<16x6400xf32>
    %sub3A = arith.subf %dot_general3A_25, %get3A_28 : vector<16x6400xf32>
    %slice3A = vector.extract_strided_slice %sub3A {offsets = [0, 0], sizes = [1, 6400], strides = [1, 1]} : vector<16x6400xf32> to vector<1x6400xf32>
    %broadcast_in_dim3A_29 = vector.shape_cast %slice3A : vector<1x6400xf32> to vector<1x6400xf32>
    %broadcast_in_dim3A_30 = vector.broadcast %broadcast_in_dim3A_29 : vector<1x6400xf32> to vector<16x6400xf32>
    %get3A_31 = arith.constant 0 : index
    %get3A_32 = arith.constant 0 : index
    %get3A_33 = vector.load %arg3[%get3A_31, %get3A_32] : memref<16x128xf32, #tpu.memory_space<vmem>>, vector<16x1xf32>
    %sub3A_34 = vector.broadcast %get3A_33 : vector<16x1xf32> to vector<16x6400xf32>
    %sub3A_35 = arith.subf %broadcast_in_dim3A_30, %sub3A_34 : vector<16x6400xf32>
    %slice3A_36 = vector.extract_strided_slice %sub3A {offsets = [1, 0], sizes = [1, 6400], strides = [1, 1]} : vector<16x6400xf32> to vector<1x6400xf32>
    %broadcast_in_dim3A_37 = vector.shape_cast %slice3A_36 : vector<1x6400xf32> to vector<1x6400xf32>
    %broadcast_in_dim3A_38 = vector.broadcast %broadcast_in_dim3A_37 : vector<1x6400xf32> to vector<16x6400xf32>
    %get3A_39 = arith.constant 0 : index
    %get3A_40 = arith.constant 1 : index
    %get3A_41 = vector.load %arg3[%get3A_39, %get3A_40] : memref<16x128xf32, #tpu.memory_space<vmem>>, vector<16x1xf32>
    %sub3A_42 = vector.broadcast %get3A_41 : vector<16x1xf32> to vector<16x6400xf32>
    %sub3A_43 = arith.subf %broadcast_in_dim3A_38, %sub3A_42 : vector<16x6400xf32>
    %slice3A_44 = vector.extract_strided_slice %sub3A {offsets = [2, 0], sizes = [1, 6400], strides = [1, 1]} : vector<16x6400xf32> to vector<1x6400xf32>
    %broadcast_in_dim3A_45 = vector.shape_cast %slice3A_44 : vector<1x6400xf32> to vector<1x6400xf32>
    %broadcast_in_dim3A_46 = vector.broadcast %broadcast_in_dim3A_45 : vector<1x6400xf32> to vector<16x6400xf32>
    %get3A_47 = arith.constant 0 : index
    %get3A_48 = arith.constant 2 : index
    %get3A_49 = vector.load %arg3[%get3A_47, %get3A_48] : memref<16x128xf32, #tpu.memory_space<vmem>>, vector<16x1xf32>
    %sub3A_50 = vector.broadcast %get3A_49 : vector<16x1xf32> to vector<16x6400xf32>
    %sub3A_51 = arith.subf %broadcast_in_dim3A_46, %sub3A_50 : vector<16x6400xf32>
    %mul3A = arith.mulf %sub3A_35, %sub3A_35 : vector<16x6400xf32>
    %mul3A_52 = arith.mulf %sub3A_43, %sub3A_43 : vector<16x6400xf32>
    %add3A_53 = arith.addf %mul3A, %mul3A_52 : vector<16x6400xf32>
    %mul3A_54 = arith.mulf %sub3A_51, %sub3A_51 : vector<16x6400xf32>
    %add3A_55 = arith.addf %add3A_53, %mul3A_54 : vector<16x6400xf32>
    %sqrt3A = math.sqrt %add3A_55 : vector<16x6400xf32>
    %div3A = arith.constant 1.000000e+00 : f32
    %div3A_56 = vector.broadcast %div3A : f32 to vector<16x6400xf32>
    %div3A_57 = arith.divf %sqrt3A, %div3A_56 : vector<16x6400xf32>
    %sub3A_58 = arith.constant 1.000000e+00 : f32
    %sub3A_59 = vector.broadcast %sub3A_58 : f32 to vector<16x6400xf32>
    %sub3A_60 = arith.subf %sub3A_59, %div3A_57 : vector<16x6400xf32>
    %max3A = arith.constant 0.000000e+00 : f32
    %max3A_61 = vector.broadcast %max3A : f32 to vector<16x6400xf32>
    %max3A_62 = arith.maximumf %max3A_61, %sub3A_60 : vector<16x6400xf32>
    %iota3A_63 = tpu.iota {dimensions = array<i32: 0>} : vector<16x1xi32>
    %lt3A = arith.constant 15 : i32
    %lt3A_64 = vector.broadcast %lt3A : i32 to vector<16x1xi32>
    %lt3A_65 = arith.cmpi slt, %iota3A_63, %lt3A_64 : vector<16x1xi32>
    %jit3A_66 = arith.constant 0.000000e+00 : f32
    %broadcast_in_dim3A_67 = vector.shape_cast %lt3A_65 : vector<16x1xi1> to vector<16x1xi1>
    %broadcast_in_dim3A_68 = vector.broadcast %broadcast_in_dim3A_67 : vector<16x1xi1> to vector<16x6400xi1>
    %broadcast_in_dim3A_69 = vector.broadcast %jit3A_66 : f32 to vector<16x6400xf32>
    %select_n3A_70 = arith.select %broadcast_in_dim3A_68, %max3A_62, %broadcast_in_dim3A_69 : vector<16x6400xi1>, vector<16x6400xf32>
    %convert_element_type3A = arith.truncf %concatenate3A : vector<6400x128xf32> to vector<6400x128xbf16>
    %iota3A_71 = tpu.iota {dimensions = array<i32: 0>} : vector<128x256xi32>
    %jit3A_72 = arith.constant 8 : i32
    %eq3A_73 = arith.constant 0 : i32
    %eq3A_74 = arith.cmpi eq, %jit3A_72, %eq3A_73 : i32
    %jit3A_75 = arith.constant 1 : i32
    %select_n3A_76 = arith.select %eq3A_74, %jit3A_75, %jit3A_72 : i32
    %rem3A = vector.broadcast %select_n3A_76 : i32 to vector<128x256xi32>
    %rem3A_77 = arith.remsi %iota3A_71, %rem3A : vector<128x256xi32>
    %ne3A = arith.constant 0 : i32
    %ne3A_78 = vector.broadcast %ne3A : i32 to vector<128x256xi32>
    %ne3A_79 = arith.cmpi ne, %rem3A_77, %ne3A_78 : vector<128x256xi32>
    %lt3A_80 = arith.constant 0 : i32
    %lt3A_81 = vector.broadcast %lt3A_80 : i32 to vector<128x256xi32>
    %lt3A_82 = arith.cmpi slt, %rem3A_77, %lt3A_81 : vector<128x256xi32>
    %lt3A_83 = arith.constant 0 : i32
    %lt3A_84 = arith.cmpi slt, %select_n3A_76, %lt3A_83 : i32
    %ne3A_85 = vector.broadcast %lt3A_84 : i1 to vector<128x256xi1>
    %ne3A_86 = vector.broadcast %ne3A_85 : vector<128x256xi1> to vector<128x256xi1>
    %ne3A_87 = arith.xori %lt3A_82, %ne3A_86 : vector<128x256xi1>
    %and3A_88 = arith.andi %ne3A_87, %ne3A_79 : vector<128x256xi1>
    %add3A_89 = vector.broadcast %select_n3A_76 : i32 to vector<128x256xi32>
    %add3A_90 = arith.addi %rem3A_77, %add3A_89 : vector<128x256xi32>
    %select_n3A_91 = arith.select %and3A_88, %add3A_90, %rem3A_77 : vector<128x256xi1>, vector<128x256xi32>
    %iota3A_92 = tpu.iota {dimensions = array<i32: 1>} : vector<128x256xi32>
    %jit3A_93 = arith.constant 32 : i32
    %div3A_94 = vector.broadcast %jit3A_93 : i32 to vector<128x256xi32>
    %div3A_95 = arith.divsi %iota3A_92, %div3A_94 : vector<128x256xi32>
    %sign3A = arith.constant 0 : i32
    %sign3A_96 = vector.broadcast %sign3A : i32 to vector<128x256xi32>
    %sign3A_97 = arith.cmpi sgt, %iota3A_92, %sign3A_96 : vector<128x256xi32>
    %sign3A_98 = arith.extui %sign3A_97 : vector<128x256xi1> to vector<128x256xi32>
    %sign3A_99 = arith.constant 0 : i32
    %sign3A_100 = vector.broadcast %sign3A_99 : i32 to vector<128x256xi32>
    %sign3A_101 = arith.cmpi slt, %iota3A_92, %sign3A_100 : vector<128x256xi32>
    %sign3A_102 = arith.extui %sign3A_101 : vector<128x256xi1> to vector<128x256xi32>
    %sign3A_103 = arith.subi %sign3A_98, %sign3A_102 : vector<128x256xi32>
    %sign3A_104 = arith.constant 0 : i32
    %sign3A_105 = arith.cmpi sgt, %jit3A_93, %sign3A_104 : i32
    %sign3A_106 = arith.extui %sign3A_105 : i1 to i32
    %sign3A_107 = arith.constant 0 : i32
    %sign3A_108 = arith.cmpi slt, %jit3A_93, %sign3A_107 : i32
    %sign3A_109 = arith.extui %sign3A_108 : i1 to i32
    %sign3A_110 = arith.subi %sign3A_106, %sign3A_109 : i32
    %ne3A_111 = vector.broadcast %sign3A_110 : i32 to vector<128x256xi32>
    %ne3A_112 = arith.cmpi ne, %sign3A_103, %ne3A_111 : vector<128x256xi32>
    %rem3A_113 = vector.broadcast %jit3A_93 : i32 to vector<128x256xi32>
    %rem3A_114 = arith.remsi %iota3A_92, %rem3A_113 : vector<128x256xi32>
    %ne3A_115 = arith.constant 0 : i32
    %ne3A_116 = vector.broadcast %ne3A_115 : i32 to vector<128x256xi32>
    %ne3A_117 = arith.cmpi ne, %rem3A_114, %ne3A_116 : vector<128x256xi32>
    %and3A_118 = arith.andi %ne3A_112, %ne3A_117 : vector<128x256xi1>
    %sub3A_119 = arith.constant 1 : i32
    %sub3A_120 = vector.broadcast %sub3A_119 : i32 to vector<128x256xi32>
    %sub3A_121 = arith.subi %div3A_95, %sub3A_120 : vector<128x256xi32>
    %select_n3A_122 = arith.select %and3A_118, %sub3A_121, %div3A_95 : vector<128x256xi1>, vector<128x256xi32>
    %eq3A_123 = arith.cmpi eq, %select_n3A_91, %select_n3A_122 : vector<128x256xi32>
    %slice3A_124 = vector.extract_strided_slice %select_n3A_70 {offsets = [0, 0], sizes = [16, 256], strides = [1, 1]} : vector<16x6400xf32> to vector<16x256xf32>
    %broadcast_in_dim3A_125 = vector.shape_cast %slice3A_124 : vector<16x256xf32> to vector<16x1x256xf32>
    %broadcast_in_dim3A_126 = vector.shape_cast %broadcast_in_dim3A_125 : vector<16x1x256xf32> to vector<16x1x256xf32>
    %broadcast_in_dim3A_127 = vector.broadcast %broadcast_in_dim3A_126 : vector<16x1x256xf32> to vector<16x8x256xf32>
    %reshape3A = vector.shape_cast %broadcast_in_dim3A_127 : vector<16x8x256xf32> to vector<128x256xf32>
    %jit3A_128 = arith.constant 0.000000e+00 : f32
    %broadcast_in_dim3A_129 = vector.broadcast %jit3A_128 : f32 to vector<128x256xf32>
    %select_n3A_130 = arith.select %eq3A_123, %reshape3A, %broadcast_in_dim3A_129 : vector<128x256xi1>, vector<128x256xf32>
    %convert_element_type3A_131 = arith.truncf %select_n3A_130 : vector<128x256xf32> to vector<128x256xbf16>
    %slice3A_132 = vector.extract_strided_slice %convert_element_type3A {offsets = [0, 0], sizes = [256, 128], strides = [1, 1]} : vector<6400x128xbf16> to vector<256x128xbf16>
    %dot_general3A_133 = arith.constant dense<0.000000e+00> : vector<128x128xf32>
    %dot_general3A_134 = tpu.matmul %convert_element_type3A_131, %slice3A_132, %dot_general3A_133 {dimension_numbers = #tpu.dot_dimension_numbers<[1], [0], [0], [1], [0, 0, 1, 1], [], []>, transpose_lhs_hint = false} : vector<128x256xbf16>, vector<256x128xbf16>, vector<128x128xf32> -> vector<128x128xf32>
    %slice3A_135 = vector.extract_strided_slice %dot_general3A_134 {offsets = [0, 0], sizes = [8, 128], strides = [1, 1]} : vector<128x128xf32> to vector<8x128xf32>
    %swap3A = arith.constant 0 : index
    %swap3A_136 = arith.constant 0 : index
    %swap3A_137 = vector.load %arg7[%swap3A, %swap3A_136] : memref<200x2048xf32, #tpu.memory_space<vmem>>, vector<8x128xf32>
    tpu.vector_store %arg7[%swap3A, %swap3A_136], %slice3A_135 {strides = array<i32>} : memref<200x2048xf32, #tpu.memory_space<vmem>>, vector<8x128xf32>,
    %slice3A_138 = vector.extract_strided_slice %dot_general3A_134 {offsets = [8, 0], sizes = [8, 128], strides = [1, 1]} : vector<128x128xf32> to vector<8x128xf32>
    %swap3A_139 = arith.constant 0 : index
    %swap3A_140 = arith.constant 128 : index
    %swap3A_141 = vector.load %arg7[%swap3A_139, %swap3A_140] : memref<200x2048xf32, #tpu.memory_space<vmem>>, vector<8x128xf32>
    tpu.vector_store %arg7[%swap3A_139, %swap3A_140], %slice3A_138 {strides = array<i32>} : memref<200x2048xf32, #tpu.memory_space<vmem>>, vector<8x128xf32>,
    %slice3A_142 = vector.extract_strided_slice %dot_general3A_134 {offsets = [16, 0], sizes = [8, 128], strides = [1, 1]} : vector<128x128xf32> to vector<8x128xf32>
    %swap3A_143 = arith.constant 0 : index
    %swap3A_144 = arith.constant 256 : index
    %swap3A_145 = vector.load %arg7[%swap3A_143, %swap3A_144] : memref<200x2048xf32, #tpu.memory_space<vmem>>, vector<8x128xf32>
    tpu.vector_store %arg7[%swap3A_143, %swap3A_144], %slice3A_142 {strides = array<i32>} : memref<200x2048xf32, #tpu.memory_space<vmem>>, vector<8x128xf32>,
    %slice3A_146 = vector.extract_strided_slice %dot_general3A_134 {offsets = [24, 0], sizes = [8, 128], strides = [1, 1]} : vector<128x128xf32> to vector<8x128xf32>
    %swap3A_147 = arith.constant 0 : index
    %swap3A_148 = arith.constant 384 : index
    %swap3A_149 = vector.load %arg7[%swap3A_147, %swap3A_148] : memref<200x2048xf32, #tpu.memory_space<vmem>>, vector<8x128xf32>
    tpu.vector_store %arg7[%swap3A_147, %swap3A_148], %slice3A_146 {strides = array<i32>} : memref<200x2048xf32, #tpu.memory_space<vmem>>, vector<8x128xf32>,
    %slice3A_150 = vector.extract_strided_slice %dot_general3A_134 {offsets = [32, 0], sizes = [8, 128], strides = [1, 1]} : vector<128x128xf32> to vector<8x128xf32>
    %swap3A_151 = arith.constant 0 : index
    %swap3A_152 = arith.constant 512 : index
    %swap3A_153 = vector.load %arg7[%swap3A_151, %swap3A_152] : memref<200x2048xf32, #tpu.memory_space<vmem>>, vector<8x128xf32>
    tpu.vector_store %arg7[%swap3A_151, %swap3A_152], %slice3A_150 {strides = array<i32>} : memref<200x2048xf32, #tpu.memory_space<vmem>>, vector<8x128xf32>,
    %slice3A_154 = vector.extract_strided_slice %dot_general3A_134 {offsets = [40, 0], sizes = [8, 128], strides = [1, 1]} : vector<128x128xf32> to vector<8x128xf32>
    %swap3A_155 = arith.constant 0 : index
    %swap3A_156 = arith.constant 640 : index
    %swap3A_157 = vector.load %arg7[%swap3A_155, %swap3A_156] : memref<200x2048xf32, #tpu.memory_space<vmem>>, vector<8x128xf32>
    tpu.vector_store %arg7[%swap3A_155, %swap3A_156], %slice3A_154 {strides = array<i32>} : memref<200x2048xf32, #tpu.memory_space<vmem>>, vector<8x128xf32>,
    %slice3A_158 = vector.extract_strided_slice %dot_general3A_134 {offsets = [48, 0], sizes = [8, 128], strides = [1, 1]} : vector<128x128xf32> to vector<8x128xf32>
    %swap3A_159 = arith.constant 0 : index
    %swap3A_160 = arith.constant 768 : index
    %swap3A_161 = vector.load %arg7[%swap3A_159, %swap3A_160] : memref<200x2048xf32, #tpu.memory_space<vmem>>, vector<8x128xf32>
    tpu.vector_store %arg7[%swap3A_159, %swap3A_160], %slice3A_158 {strides = array<i32>} : memref<200x2048xf32, #tpu.memory_space<vmem>>, vector<8x128xf32>,
    %slice3A_162 = vector.extract_strided_slice %dot_general3A_134 {offsets = [56, 0], sizes = [8, 128], strides = [1, 1]} : vector<128x128xf32> to vector<8x128xf32>
    %swap3A_163 = arith.constant 0 : index
    %swap3A_164 = arith.constant 896 : index
    %swap3A_165 = vector.load %arg7[%swap3A_163, %swap3A_164] : memref<200x2048xf32, #tpu.memory_space<vmem>>, vector<8x128xf32>
    tpu.vector_store %arg7[%swap3A_163, %swap3A_164], %slice3A_162 {strides = array<i32>} : memref<200x2048xf32, #tpu.memory_space<vmem>>, vector<8x128xf32>,
    %slice3A_166 = vector.extract_strided_slice %dot_general3A_134 {offsets = [64, 0], sizes = [8, 128], strides = [1, 1]} : vector<128x128xf32> to vector<8x128xf32>
    %swap3A_167 = arith.constant 0 : index
    %swap3A_168 = arith.constant 1024 : index
    %swap3A_169 = vector.load %arg7[%swap3A_167, %swap3A_168] : memref<200x2048xf32, #tpu.memory_space<vmem>>, vector<8x128xf32>
    tpu.vector_store %arg7[%swap3A_167, %swap3A_168], %slice3A_166 {strides = array<i32>} : memref<200x2048xf32, #tpu.memory_space<vmem>>, vector<8x128xf32>,
    %slice3A_170 = vector.extract_strided_slice %dot_general3A_134 {offsets = [72, 0], sizes = [8, 128], strides = [1, 1]} : vector<128x128xf32> to vector<8x128xf32>
    %swap3A_171 = arith.constant 0 : index
    %swap3A_172 = arith.constant 1152 : index
    %swap3A_173 = vector.load %arg7[%swap3A_171, %swap3A_172] : memref<200x2048xf32, #tpu.memory_space<vmem>>, vector<8x128xf32>
    tpu.vector_store %arg7[%swap3A_171, %swap3A_172], %slice3A_170 {strides = array<i32>} : memref<200x2048xf32, #tpu.memory_space<vmem>>, vector<8x128xf32>,
    %slice3A_174 = vector.extract_strided_slice %dot_general3A_134 {offsets = [80, 0], sizes = [8, 128], strides = [1, 1]} : vector<128x128xf32> to vector<8x128xf32>
    %swap3A_175 = arith.constant 0 : index
    %swap3A_176 = arith.constant 1280 : index
    %swap3A_177 = vector.load %arg7[%swap3A_175, %swap3A_176] : memref<200x2048xf32, #tpu.memory_space<vmem>>, vector<8x128xf32>
    tpu.vector_store %arg7[%swap3A_175, %swap3A_176], %slice3A_174 {strides = array<i32>} : memref<200x2048xf32, #tpu.memory_space<vmem>>, vector<8x128xf32>,
    %slice3A_178 = vector.extract_strided_slice %dot_general3A_134 {offsets = [88, 0], sizes = [8, 128], strides = [1, 1]} : vector<128x128xf32> to vector<8x128xf32>
    %swap3A_179 = arith.constant 0 : index
    %swap3A_180 = arith.constant 1408 : index
    %swap3A_181 = vector.load %arg7[%swap3A_179, %swap3A_180] : memref<200x2048xf32, #tpu.memory_space<vmem>>, vector<8x128xf32>
    tpu.vector_store %arg7[%swap3A_179, %swap3A_180], %slice3A_178 {strides = array<i32>} : memref<200x2048xf32, #tpu.memory_space<vmem>>, vector<8x128xf32>,
    %slice3A_182 = vector.extract_strided_slice %dot_general3A_134 {offsets = [96, 0], sizes = [8, 128], strides = [1, 1]} : vector<128x128xf32> to vector<8x128xf32>
    %swap3A_183 = arith.constant 0 : index
    %swap3A_184 = arith.constant 1536 : index
    %swap3A_185 = vector.load %arg7[%swap3A_183, %swap3A_184] : memref<200x2048xf32, #tpu.memory_space<vmem>>, vector<8x128xf32>
    tpu.vector_store %arg7[%swap3A_183, %swap3A_184], %slice3A_182 {strides = array<i32>} : memref<200x2048xf32, #tpu.memory_space<vmem>>, vector<8x128xf32>,
    %slice3A_186 = vector.extract_strided_slice %dot_general3A_134 {offsets = [104, 0], sizes = [8, 128], strides = [1, 1]} : vector<128x128xf32> to vector<8x128xf32>
    %swap3A_187 = arith.constant 0 : index
    %swap3A_188 = arith.constant 1664 : index
    %swap3A_189 = vector.load %arg7[%swap3A_187, %swap3A_188] : memref<200x2048xf32, #tpu.memory_space<vmem>>, vector<8x128xf32>
    tpu.vector_store %arg7[%swap3A_187, %swap3A_188], %slice3A_186 {strides = array<i32>} : memref<200x2048xf32, #tpu.memory_space<vmem>>, vector<8x128xf32>,
    %slice3A_190 = vector.extract_strided_slice %dot_general3A_134 {offsets = [112, 0], sizes = [8, 128], strides = [1, 1]} : vector<128x128xf32> to vector<8x128xf32>
    %swap3A_191 = arith.constant 0 : index
    %swap3A_192 = arith.constant 1792 : index
    %swap3A_193 = vector.load %arg7[%swap3A_191, %swap3A_192] : memref<200x2048xf32, #tpu.memory_space<vmem>>, vector<8x128xf32>
    tpu.vector_store %arg7[%swap3A_191, %swap3A_192], %slice3A_190 {strides = array<i32>} : memref<200x2048xf32, #tpu.memory_space<vmem>>, vector<8x128xf32>,
    %slice3A_194 = vector.extract_strided_slice %dot_general3A_134 {offsets = [120, 0], sizes = [8, 128], strides = [1, 1]} : vector<128x128xf32> to vector<8x128xf32>
    %swap3A_195 = arith.constant 0 : index
    %swap3A_196 = arith.constant 1920 : index
    %swap3A_197 = vector.load %arg7[%swap3A_195, %swap3A_196] : memref<200x2048xf32, #tpu.memory_space<vmem>>, vector<8x128xf32>
    tpu.vector_store %arg7[%swap3A_195, %swap3A_196], %slice3A_194 {strides = array<i32>} : memref<200x2048xf32, #tpu.memory_space<vmem>>, vector<8x128xf32>,
    %slice3A_198 = vector.extract_strided_slice %select_n3A_70 {offsets = [0, 256], sizes = [16, 256], strides = [1, 1]} : vector<16x6400xf32> to vector<16x256xf32>
    %broadcast_in_dim3A_199 = vector.shape_cast %slice3A_198 : vector<16x256xf32> to vector<16x1x256xf32>
    %broadcast_in_dim3A_200 = vector.shape_cast %broadcast_in_dim3A_199 : vector<16x1x256xf32> to vector<16x1x256xf32>
    %broadcast_in_dim3A_201 = vector.broadcast %broadcast_in_dim3A_200 : vector<16x1x256xf32> to vector<16x8x256xf32>
    %reshape3A_202 = vector.shape_cast %broadcast_in_dim3A_201 : vector<16x8x256xf32> to vector<128x256xf32>
    %jit3A_203 = arith.constant 0.000000e+00 : f32
    %broadcast_in_dim3A_204 = vector.broadcast %jit3A_203 : f32 to vector<128x256xf32>
    %select_n3A_205 = arith.select %eq3A_123, %reshape3A_202, %broadcast_in_dim3A_204 : vector<128x256xi1>, vector<128x256xf32>
    %convert_element_type3A_206 = arith.truncf %select_n3A_205 : vector<128x256xf32> to vector<128x256xbf16>
    %slice3A_207 = vector.extract_strided_slice %convert_element_type3A {offsets = [256, 0], sizes = [256, 128], strides = [1, 1]} : vector<6400x128xbf16> to vector<256x128xbf16>
    %dot_general3A_208 = arith.constant dense<0.000000e+00> : vector<128x128xf32>
    %dot_general3A_209 = tpu.matmul %convert_element_type3A_206, %slice3A_207, %dot_general3A_208 {dimension_numbers = #tpu.dot_dimension_numbers<[1], [0], [0], [1], [0, 0, 1, 1], [], []>, transpose_lhs_hint = false} : vector<128x256xbf16>, vector<256x128xbf16>, vector<128x128xf32> -> vector<128x128xf32>
    %slice3A_210 = vector.extract_strided_slice %dot_general3A_209 {offsets = [0, 0], sizes = [8, 128], strides = [1, 1]} : vector<128x128xf32> to vector<8x128xf32>
    %swap3A_211 = arith.constant 8 : index
    %swap3A_212 = arith.constant 0 : index
    %swap3A_213 = vector.load %arg7[%swap3A_211, %swap3A_212] : memref<200x2048xf32, #tpu.memory_space<vmem>>, vector<8x128xf32>
    tpu.vector_store %arg7[%swap3A_211, %swap3A_212], %slice3A_210 {strides = array<i32>} : memref<200x2048xf32, #tpu.memory_space<vmem>>, vector<8x128xf32>,
    %slice3A_214 = vector.extract_strided_slice %dot_general3A_209 {offsets = [8, 0], sizes = [8, 128], strides = [1, 1]} : vector<128x128xf32> to vector<8x128xf32>
    %swap3A_215 = arith.constant 8 : index
    %swap3A_216 = arith.constant 128 : index
    %swap3A_217 = vector.load %arg7[%swap3A_215, %swap3A_216] : memref<200x2048xf32, #tpu.memory_space<vmem>>, vector<8x128xf32>
    tpu.vector_store %arg7[%swap3A_215, %swap3A_216], %slice3A_214 {strides = array<i32>} : memref<200x2048xf32, #tpu.memory_space<vmem>>, vector<8x128xf32>,
    %slice3A_218 = vector.extract_strided_slice %dot_general3A_209 {offsets = [16, 0], sizes = [8, 128], strides = [1, 1]} : vector<128x128xf32> to vector<8x128xf32>
    %swap3A_219 = arith.constant 8 : index
    %swap3A_220 = arith.constant 256 : index
    %swap3A_221 = vector.load %arg7[%swap3A_219, %swap3A_220] : memref<200x2048xf32, #tpu.memory_space<vmem>>, vector<8x128xf32>
    tpu.vector_store %arg7[%swap3A_219, %swap3A_220], %slice3A_218 {strides = array<i32>} : memref<200x2048xf32, #tpu.memory_space<vmem>>, vector<8x128xf32>,
    %slice3A_222 = vector.extract_strided_slice %dot_general3A_209 {offsets = [24, 0], sizes = [8, 128], strides = [1, 1]} : vector<128x128xf32> to vector<8x128xf32>
    %swap3A_223 = arith.constant 8 : index
    %swap3A_224 = arith.constant 384 : index
    %swap3A_225 = vector.load %arg7[%swap3A_223, %swap3A_224] : memref<200x2048xf32, #tpu.memory_space<vmem>>, vector<8x128xf32>
    tpu.vector_store %arg7[%swap3A_223, %swap3A_224], %slice3A_222 {strides = array<i32>} : memref<200x2048xf32, #tpu.memory_space<vmem>>, vector<8x128xf32>,
    %slice3A_226 = vector.extract_strided_slice %dot_general3A_209 {offsets = [32, 0], sizes = [8, 128], strides = [1, 1]} : vector<128x128xf32> to vector<8x128xf32>
    %swap3A_227 = arith.constant 8 : index
    %swap3A_228 = arith.constant 512 : index
    %swap3A_229 = vector.load %arg7[%swap3A_227, %swap3A_228] : memref<200x2048xf32, #tpu.memory_space<vmem>>, vector<8x128xf32>
    tpu.vector_store %arg7[%swap3A_227, %swap3A_228], %slice3A_226 {strides = array<i32>} : memref<200x2048xf32, #tpu.memory_space<vmem>>, vector<8x128xf32>,
    %slice3A_230 = vector.extract_strided_slice %dot_general3A_209 {offsets = [40, 0], sizes = [8, 128], strides = [1, 1]} : vector<128x128xf32> to vector<8x128xf32>
    %swap3A_231 = arith.constant 8 : index
    %swap3A_232 = arith.constant 640 : index
    %swap3A_233 = vector.load %arg7[%swap3A_231, %swap3A_232] : memref<200x2048xf32, #tpu.memory_space<vmem>>, vector<8x128xf32>
    tpu.vector_store %arg7[%swap3A_231, %swap3A_232], %slice3A_230 {strides = array<i32>} : memref<200x2048xf32, #tpu.memory_space<vmem>>, vector<8x128xf32>,
    %slice3A_234 = vector.extract_strided_slice %dot_general3A_209 {offsets = [48, 0], sizes = [8, 128], strides = [1, 1]} : vector<128x128xf32> to vector<8x128xf32>
    %swap3A_235 = arith.constant 8 : index
    %swap3A_236 = arith.constant 768 : index
    %swap3A_237 = vector.load %arg7[%swap3A_235, %swap3A_236] : memref<200x2048xf32, #tpu.memory_space<vmem>>, vector<8x128xf32>
    tpu.vector_store %arg7[%swap3A_235, %swap3A_236], %slice3A_234 {strides = array<i32>} : memref<200x2048xf32, #tpu.memory_space<vmem>>, vector<8x128xf32>,
    %slice3A_238 = vector.extract_strided_slice %dot_general3A_209 {offsets = [56, 0], sizes = [8, 128], strides = [1, 1]} : vector<128x128xf32> to vector<8x128xf32>
    %swap3A_239 = arith.constant 8 : index
    %swap3A_240 = arith.constant 896 : index
    %swap3A_241 = vector.load %arg7[%swap3A_239, %swap3A_240] : memref<200x2048xf32, #tpu.memory_space<vmem>>, vector<8x128xf32>
    tpu.vector_store %arg7[%swap3A_239, %swap3A_240], %slice3A_238 {strides = array<i32>} : memref<200x2048xf32, #tpu.memory_space<vmem>>, vector<8x128xf32>,
    %slice3A_242 = vector.extract_strided_slice %dot_general3A_209 {offsets = [64, 0], sizes = [8, 128], strides = [1, 1]} : vector<128x128xf32> to vector<8x128xf32>
    %swap3A_243 = arith.constant 8 : index
    %swap3A_244 = arith.constant 1024 : index
    %swap3A_245 = vector.load %arg7[%swap3A_243, %swap3A_244] : memref<200x2048xf32, #tpu.memory_space<vmem>>, vector<8x128xf32>
    tpu.vector_store %arg7[%swap3A_243, %swap3A_244], %slice3A_242 {strides = array<i32>} : memref<200x2048xf32, #tpu.memory_space<vmem>>, vector<8x128xf32>,
    %slice3A_246 = vector.extract_strided_slice %dot_general3A_209 {offsets = [72, 0], sizes = [8, 128], strides = [1, 1]} : vector<128x128xf32> to vector<8x128xf32>
    %swap3A_247 = arith.constant 8 : index
    %swap3A_248 = arith.constant 1152 : index
    %swap3A_249 = vector.load %arg7[%swap3A_247, %swap3A_248] : memref<200x2048xf32, #tpu.memory_space<vmem>>, vector<8x128xf32>
    tpu.vector_store %arg7[%swap3A_247, %swap3A_248], %slice3A_246 {strides = array<i32>} : memref<200x2048xf32, #tpu.memory_space<vmem>>, vector<8x128xf32>,
    %slice3A_250 = vector.extract_strided_slice %dot_general3A_209 {offsets = [80, 0], sizes = [8, 128], strides = [1, 1]} : vector<128x128xf32> to vector<8x128xf32>
    %swap3A_251 = arith.constant 8 : index
    %swap3A_252 = arith.constant 1280 : index
    %swap3A_253 = vector.load %arg7[%swap3A_251, %swap3A_252] : memref<200x2048xf32, #tpu.memory_space<vmem>>, vector<8x128xf32>
    tpu.vector_store %arg7[%swap3A_251, %swap3A_252], %slice3A_250 {strides = array<i32>} : memref<200x2048xf32, #tpu.memory_space<vmem>>, vector<8x128xf32>,
    %slice3A_254 = vector.extract_strided_slice %dot_general3A_209 {offsets = [88, 0], sizes = [8, 128], strides = [1, 1]} : vector<128x128xf32> to vector<8x128xf32>
    %swap3A_255 = arith.constant 8 : index
    %swap3A_256 = arith.constant 1408 : index
    %swap3A_257 = vector.load %arg7[%swap3A_255, %swap3A_256] : memref<200x2048xf32, #tpu.memory_space<vmem>>, vector<8x128xf32>
    tpu.vector_store %arg7[%swap3A_255, %swap3A_256], %slice3A_254 {strides = array<i32>} : memref<200x2048xf32, #tpu.memory_space<vmem>>, vector<8x128xf32>,
    %slice3A_258 = vector.extract_strided_slice %dot_general3A_209 {offsets = [96, 0], sizes = [8, 128], strides = [1, 1]} : vector<128x128xf32> to vector<8x128xf32>
    %swap3A_259 = arith.constant 8 : index
    %swap3A_260 = arith.constant 1536 : index
    %swap3A_261 = vector.load %arg7[%swap3A_259, %swap3A_260] : memref<200x2048xf32, #tpu.memory_space<vmem>>, vector<8x128xf32>
    tpu.vector_store %arg7[%swap3A_259, %swap3A_260], %slice3A_258 {strides = array<i32>} : memref<200x2048xf32, #tpu.memory_space<vmem>>, vector<8x128xf32>,
    %slice3A_262 = vector.extract_strided_slice %dot_general3A_209 {offsets = [104, 0], sizes = [8, 128], strides = [1, 1]} : vector<128x128xf32> to vector<8x128xf32>
    %swap3A_263 = arith.constant 8 : index
    %swap3A_264 = arith.constant 1664 : index
    %swap3A_265 = vector.load %arg7[%swap3A_263, %swap3A_264] : memref<200x2048xf32, #tpu.memory_space<vmem>>, vector<8x128xf32>
    tpu.vector_store %arg7[%swap3A_263, %swap3A_264], %slice3A_262 {strides = array<i32>} : memref<200x2048xf32, #tpu.memory_space<vmem>>, vector<8x128xf32>,
    %slice3A_266 = vector.extract_strided_slice %dot_general3A_209 {offsets = [112, 0], sizes = [8, 128], strides = [1, 1]} : vector<128x128xf32> to vector<8x128xf32>
    %swap3A_267 = arith.constant 8 : index
    %swap3A_268 = arith.constant 1792 : index
    %swap3A_269 = vector.load %arg7[%swap3A_267, %swap3A_268] : memref<200x2048xf32, #tpu.memory_space<vmem>>, vector<8x128xf32>
    tpu.vector_store %arg7[%swap3A_267, %swap3A_268], %slice3A_266 {strides = array<i32>} : memref<200x2048xf32, #tpu.memory_space<vmem>>, vector<8x128xf32>,
    %slice3A_270 = vector.extract_strided_slice %dot_general3A_209 {offsets = [120, 0], sizes = [8, 128], strides = [1, 1]} : vector<128x128xf32> to vector<8x128xf32>
    %swap3A_271 = arith.constant 8 : index
    %swap3A_272 = arith.constant 1920 : index
    %swap3A_273 = vector.load %arg7[%swap3A_271, %swap3A_272] : memref<200x2048xf32, #tpu.memory_space<vmem>>, vector<8x128xf32>
    tpu.vector_store %arg7[%swap3A_271, %swap3A_272], %slice3A_270 {strides = array<i32>} : memref<200x2048xf32, #tpu.memory_space<vmem>>, vector<8x128xf32>,
    %slice3A_274 = vector.extract_strided_slice %select_n3A_70 {offsets = [0, 512], sizes = [16, 256], strides = [1, 1]} : vector<16x6400xf32> to vector<16x256xf32>
    %broadcast_in_dim3A_275 = vector.shape_cast %slice3A_274 : vector<16x256xf32> to vector<16x1x256xf32>
    %broadcast_in_dim3A_276 = vector.shape_cast %broadcast_in_dim3A_275 : vector<16x1x256xf32> to vector<16x1x256xf32>
    %broadcast_in_dim3A_277 = vector.broadcast %broadcast_in_dim3A_276 : vector<16x1x256xf32> to vector<16x8x256xf32>
    %reshape3A_278 = vector.shape_cast %broadcast_in_dim3A_277 : vector<16x8x256xf32> to vector<128x256xf32>
    %jit3A_279 = arith.constant 0.000000e+00 : f32
    %broadcast_in_dim3A_280 = vector.broadcast %jit3A_279 : f32 to vector<128x256xf32>
    %select_n3A_281 = arith.select %eq3A_123, %reshape3A_278, %broadcast_in_dim3A_280 : vector<128x256xi1>, vector<128x256xf32>
    %convert_element_type3A_282 = arith.truncf %select_n3A_281 : vector<128x256xf32> to vector<128x256xbf16>
    %slice3A_283 = vector.extract_strided_slice %convert_element_type3A {offsets = [512, 0], sizes = [256, 128], strides = [1, 1]} : vector<6400x128xbf16> to vector<256x128xbf16>
    %dot_general3A_284 = arith.constant dense<0.000000e+00> : vector<128x128xf32>
    %dot_general3A_285 = tpu.matmul %convert_element_type3A_282, %slice3A_283, %dot_general3A_284 {dimension_numbers = #tpu.dot_dimension_numbers<[1], [0], [0], [1], [0, 0, 1, 1], [], []>, transpose_lhs_hint = false} : vector<128x256xbf16>, vector<256x128xbf16>, vector<128x128xf32> -> vector<128x128xf32>
    %slice3A_286 = vector.extract_strided_slice %dot_general3A_285 {offsets = [0, 0], sizes = [8, 128], strides = [1, 1]} : vector<128x128xf32> to vector<8x128xf32>
    %swap3A_287 = arith.constant 16 : index
    %swap3A_288 = arith.constant 0 : index
    %swap3A_289 = vector.load %arg7[%swap3A_287, %swap3A_288] : memref<200x2048xf32, #tpu.memory_space<vmem>>, vector<8x128xf32>
    tpu.vector_store %arg7[%swap3A_287, %swap3A_288], %slice3A_286 {strides = array<i32>} : memref<200x2048xf32, #tpu.memory_space<vmem>>, vector<8x128xf32>,
    %slice3A_290 = vector.extract_strided_slice %dot_general3A_285 {offsets = [8, 0], sizes = [8, 128], strides = [1, 1]} : vector<128x128xf32> to vector<8x128xf32>
    %swap3A_291 = arith.constant 16 : index
    %swap3A_292 = arith.constant 128 : index
    %swap3A_293 = vector.load %arg7[%swap3A_291, %swap3A_292] : memref<200x2048xf32, #tpu.memory_space<vmem>>, vector<8x128xf32>
    tpu.vector_store %arg7[%swap3A_291, %swap3A_292], %slice3A_290 {strides = array<i32>} : memref<200x2048xf32, #tpu.memory_space<vmem>>, vector<8x128xf32>,
    %slice3A_294 = vector.extract_strided_slice %dot_general3A_285 {offsets = [16, 0], sizes = [8, 128], strides = [1, 1]} : vector<128x128xf32> to vector<8x128xf32>
    %swap3A_295 = arith.constant 16 : index
    %swap3A_296 = arith.constant 256 : index
    %swap3A_297 = vector.load %arg7[%swap3A_295, %swap3A_296] : memref<200x2048xf32, #tpu.memory_space<vmem>>, vector<8x128xf32>
    tpu.vector_store %arg7[%swap3A_295, %swap3A_296], %slice3A_294 {strides = array<i32>} : memref<200x2048xf32, #tpu.memory_space<vmem>>, vector<8x128xf32>,
    %slice3A_298 = vector.extract_strided_slice %dot_general3A_285 {offsets = [24, 0], sizes = [8, 128], strides = [1, 1]} : vector<128x128xf32> to vector<8x128xf32>
    %swap3A_299 = arith.constant 16 : index
    %swap3A_300 = arith.constant 384 : index
    %swap3A_301 = vector.load %arg7[%swap3A_299, %swap3A_300] : memref<200x2048xf32, #tpu.memory_space<vmem>>, vector<8x128xf32>
    tpu.vector_store %arg7[%swap3A_299, %swap3A_300], %slice3A_298 {strides = array<i32>} : memref<200x2048xf32, #tpu.memory_space<vmem>>, vector<8x128xf32>,
    %slice3A_302 = vector.extract_strided_slice %dot_general3A_285 {offsets = [32, 0], sizes = [8, 128], strides = [1, 1]} : vector<128x128xf32> to vector<8x128xf32>
    %swap3A_303 = arith.constant 16 : index
    %swap3A_304 = arith.constant 512 : index
    %swap3A_305 = vector.load %arg7[%swap3A_303, %swap3A_304] : memref<200x2048xf32, #tpu.memory_space<vmem>>, vector<8x128xf32>
    tpu.vector_store %arg7[%swap3A_303, %swap3A_304], %slice3A_302 {strides = array<i32>} : memref<200x2048xf32, #tpu.memory_space<vmem>>, vector<8x128xf32>,
    %slice3A_306 = vector.extract_strided_slice %dot_general3A_285 {offsets = [40, 0], sizes = [8, 128], strides = [1, 1]} : vector<128x128xf32> to vector<8x128xf32>
    %swap3A_307 = arith.constant 16 : index
    %swap3A_308 = arith.constant 640 : index
    %swap3A_309 = vector.load %arg7[%swap3A_307, %swap3A_308] : memref<200x2048xf32, #tpu.memory_space<vmem>>, vector<8x128xf32>
    tpu.vector_store %arg7[%swap3A_307, %swap3A_308], %slice3A_306 {strides = array<i32>} : memref<200x2048xf32, #tpu.memory_space<vmem>>, vector<8x128xf32>,
    %slice3A_310 = vector.extract_strided_slice %dot_general3A_285 {offsets = [48, 0], sizes = [8, 128], strides = [1, 1]} : vector<128x128xf32> to vector<8x128xf32>
    %swap3A_311 = arith.constant 16 : index
    %swap3A_312 = arith.constant 768 : index
    %swap3A_313 = vector.load %arg7[%swap3A_311, %swap3A_312] : memref<200x2048xf32, #tpu.memory_space<vmem>>, vector<8x128xf32>
    tpu.vector_store %arg7[%swap3A_311, %swap3A_312], %slice3A_310 {strides = array<i32>} : memref<200x2048xf32, #tpu.memory_space<vmem>>, vector<8x128xf32>,
    %slice3A_314 = vector.extract_strided_slice %dot_general3A_285 {offsets = [56, 0], sizes = [8, 128], strides = [1, 1]} : vector<128x128xf32> to vector<8x128xf32>
    %swap3A_315 = arith.constant 16 : index
    %swap3A_316 = arith.constant 896 : index
    %swap3A_317 = vector.load %arg7[%swap3A_315, %swap3A_316] : memref<200x2048xf32, #tpu.memory_space<vmem>>, vector<8x128xf32>
    tpu.vector_store %arg7[%swap3A_315, %swap3A_316], %slice3A_314 {strides = array<i32>} : memref<200x2048xf32, #tpu.memory_space<vmem>>, vector<8x128xf32>,
    %slice3A_318 = vector.extract_strided_slice %dot_general3A_285 {offsets = [64, 0], sizes = [8, 128], strides = [1, 1]} : vector<128x128xf32> to vector<8x128xf32>
    %swap3A_319 = arith.constant 16 : index
    %swap3A_320 = arith.constant 1024 : index
    %swap3A_321 = vector.load %arg7[%swap3A_319, %swap3A_320] : memref<200x2048xf32, #tpu.memory_space<vmem>>, vector<8x128xf32>
    tpu.vector_store %arg7[%swap3A_319, %swap3A_320], %slice3A_318 {strides = array<i32>} : memref<200x2048xf32, #tpu.memory_space<vmem>>, vector<8x128xf32>,
    %slice3A_322 = vector.extract_strided_slice %dot_general3A_285 {offsets = [72, 0], sizes = [8, 128], strides = [1, 1]} : vector<128x128xf32> to vector<8x128xf32>
    %swap3A_323 = arith.constant 16 : index
    %swap3A_324 = arith.constant 1152 : index
    %swap3A_325 = vector.load %arg7[%swap3A_323, %swap3A_324] : memref<200x2048xf32, #tpu.memory_space<vmem>>, vector<8x128xf32>
    tpu.vector_store %arg7[%swap3A_323, %swap3A_324], %slice3A_322 {strides = array<i32>} : memref<200x2048xf32, #tpu.memory_space<vmem>>, vector<8x128xf32>,
    %slice3A_326 = vector.extract_strided_slice %dot_general3A_285 {offsets = [80, 0], sizes = [8, 128], strides = [1, 1]} : vector<128x128xf32> to vector<8x128xf32>
    %swap3A_327 = arith.constant 16 : index
    %swap3A_328 = arith.constant 1280 : index
    %swap3A_329 = vector.load %arg7[%swap3A_327, %swap3A_328] : memref<200x2048xf32, #tpu.memory_space<vmem>>, vector<8x128xf32>
    tpu.vector_store %arg7[%swap3A_327, %swap3A_328], %slice3A_326 {strides = array<i32>} : memref<200x2048xf32, #tpu.memory_space<vmem>>, vector<8x128xf32>,
    %slice3A_330 = vector.extract_strided_slice %dot_general3A_285 {offsets = [88, 0], sizes = [8, 128], strides = [1, 1]} : vector<128x128xf32> to vector<8x128xf32>
    %swap3A_331 = arith.constant 16 : index
    %swap3A_332 = arith.constant 1408 : index
    %swap3A_333 = vector.load %arg7[%swap3A_331, %swap3A_332] : memref<200x2048xf32, #tpu.memory_space<vmem>>, vector<8x128xf32>
    tpu.vector_store %arg7[%swap3A_331, %swap3A_332], %slice3A_330 {strides = array<i32>} : memref<200x2048xf32, #tpu.memory_space<vmem>>, vector<8x128xf32>,
    %slice3A_334 = vector.extract_strided_slice %dot_general3A_285 {offsets = [96, 0], sizes = [8, 128], strides = [1, 1]} : vector<128x128xf32> to vector<8x128xf32>
    %swap3A_335 = arith.constant 16 : index
    %swap3A_336 = arith.constant 1536 : index
    %swap3A_337 = vector.load %arg7[%swap3A_335, %swap3A_336] : memref<200x2048xf32, #tpu.memory_space<vmem>>, vector<8x128xf32>
    tpu.vector_store %arg7[%swap3A_335, %swap3A_336], %slice3A_334 {strides = array<i32>} : memref<200x2048xf32, #tpu.memory_space<vmem>>, vector<8x128xf32>,
    %slice3A_338 = vector.extract_strided_slice %dot_general3A_285 {offsets = [104, 0], sizes = [8, 128], strides = [1, 1]} : vector<128x128xf32> to vector<8x128xf32>
    %swap3A_339 = arith.constant 16 : index
    %swap3A_340 = arith.constant 1664 : index
    %swap3A_341 = vector.load %arg7[%swap3A_339, %swap3A_340] : memref<200x2048xf32, #tpu.memory_space<vmem>>, vector<8x128xf32>
    tpu.vector_store %arg7[%swap3A_339, %swap3A_340], %slice3A_338 {strides = array<i32>} : memref<200x2048xf32, #tpu.memory_space<vmem>>, vector<8x128xf32>,
    %slice3A_342 = vector.extract_strided_slice %dot_general3A_285 {offsets = [112, 0], sizes = [8, 128], strides = [1, 1]} : vector<128x128xf32> to vector<8x128xf32>
    %swap3A_343 = arith.constant 16 : index
    %swap3A_344 = arith.constant 1792 : index
    %swap3A_345 = vector.load %arg7[%swap3A_343, %swap3A_344] : memref<200x2048xf32, #tpu.memory_space<vmem>>, vector<8x128xf32>
    tpu.vector_store %arg7[%swap3A_343, %swap3A_344], %slice3A_342 {strides = array<i32>} : memref<200x2048xf32, #tpu.memory_space<vmem>>, vector<8x128xf32>,
    %slice3A_346 = vector.extract_strided_slice %dot_general3A_285 {offsets = [120, 0], sizes = [8, 128], strides = [1, 1]} : vector<128x128xf32> to vector<8x128xf32>
    %swap3A_347 = arith.constant 16 : index
    %swap3A_348 = arith.constant 1920 : index
    %swap3A_349 = vector.load %arg7[%swap3A_347, %swap3A_348] : memref<200x2048xf32, #tpu.memory_space<vmem>>, vector<8x128xf32>
    tpu.vector_store %arg7[%swap3A_347, %swap3A_348], %slice3A_346 {strides = array<i32>} : memref<200x2048xf32, #tpu.memory_space<vmem>>, vector<8x128xf32>,
    %slice3A_350 = vector.extract_strided_slice %select_n3A_70 {offsets = [0, 768], sizes = [16, 256], strides = [1, 1]} : vector<16x6400xf32> to vector<16x256xf32>
    %broadcast_in_dim3A_351 = vector.shape_cast %slice3A_350 : vector<16x256xf32> to vector<16x1x256xf32>
    %broadcast_in_dim3A_352 = vector.shape_cast %broadcast_in_dim3A_351 : vector<16x1x256xf32> to vector<16x1x256xf32>
    %broadcast_in_dim3A_353 = vector.broadcast %broadcast_in_dim3A_352 : vector<16x1x256xf32> to vector<16x8x256xf32>
    %reshape3A_354 = vector.shape_cast %broadcast_in_dim3A_353 : vector<16x8x256xf32> to vector<128x256xf32>
    %jit3A_355 = arith.constant 0.000000e+00 : f32
    %broadcast_in_dim3A_356 = vector.broadcast %jit3A_355 : f32 to vector<128x256xf32>
    %select_n3A_357 = arith.select %eq3A_123, %reshape3A_354, %broadcast_in_dim3A_356 : vector<128x256xi1>, vector<128x256xf32>
    %convert_element_type3A_358 = arith.truncf %select_n3A_357 : vector<128x256xf32> to vector<128x256xbf16>
    %slice3A_359 = vector.extract_strided_slice %convert_element_type3A {offsets = [768, 0], sizes = [256, 128], strides = [1, 1]} : vector<6400x128xbf16> to vector<256x128xbf16>
    %dot_general3A_360 = arith.constant dense<0.000000e+00> : vector<128x128xf32>
    %dot_general3A_361 = tpu.matmul %convert_element_type3A_358, %slice3A_359, %dot_general3A_360 {dimension_numbers = #tpu.dot_dimension_numbers<[1], [0], [0], [1], [0, 0, 1, 1], [], []>, transpose_lhs_hint = false} : vector<128x256xbf16>, vector<256x128xbf16>, vector<128x128xf32> -> vector<128x128xf32>
    %slice3A_362 = vector.extract_strided_slice %dot_general3A_361 {offsets = [0, 0], sizes = [8, 128], strides = [1, 1]} : vector<128x128xf32> to vector<8x128xf32>
    %swap3A_363 = arith.constant 24 : index
    %swap3A_364 = arith.constant 0 : index
    %swap3A_365 = vector.load %arg7[%swap3A_363, %swap3A_364] : memref<200x2048xf32, #tpu.memory_space<vmem>>, vector<8x128xf32>
    tpu.vector_store %arg7[%swap3A_363, %swap3A_364], %slice3A_362 {strides = array<i32>} : memref<200x2048xf32, #tpu.memory_space<vmem>>, vector<8x128xf32>,
    %slice3A_366 = vector.extract_strided_slice %dot_general3A_361 {offsets = [8, 0], sizes = [8, 128], strides = [1, 1]} : vector<128x128xf32> to vector<8x128xf32>
    %swap3A_367 = arith.constant 24 : index
    %swap3A_368 = arith.constant 128 : index
    %swap3A_369 = vector.load %arg7[%swap3A_367, %swap3A_368] : memref<200x2048xf32, #tpu.memory_space<vmem>>, vector<8x128xf32>
    tpu.vector_store %arg7[%swap3A_367, %swap3A_368], %slice3A_366 {strides = array<i32>} : memref<200x2048xf32, #tpu.memory_space<vmem>>, vector<8x128xf32>,
    %slice3A_370 = vector.extract_strided_slice %dot_general3A_361 {offsets = [16, 0], sizes = [8, 128], strides = [1, 1]} : vector<128x128xf32> to vector<8x128xf32>
    %swap3A_371 = arith.constant 24 : index
    %swap3A_372 = arith.constant 256 : index
    %swap3A_373 = vector.load %arg7[%swap3A_371, %swap3A_372] : memref<200x2048xf32, #tpu.memory_space<vmem>>, vector<8x128xf32>
    tpu.vector_store %arg7[%swap3A_371, %swap3A_372], %slice3A_370 {strides = array<i32>} : memref<200x2048xf32, #tpu.memory_space<vmem>>, vector<8x128xf32>,
    %slice3A_374 = vector.extract_strided_slice %dot_general3A_361 {offsets = [24, 0], sizes = [8, 128], strides = [1, 1]} : vector<128x128xf32> to vector<8x128xf32>
    %swap3A_375 = arith.constant 24 : index
    %swap3A_376 = arith.constant 384 : index
    %swap3A_377 = vector.load %arg7[%swap3A_375, %swap3A_376] : memref<200x2048xf32, #tpu.memory_space<vmem>>, vector<8x128xf32>
    tpu.vector_store %arg7[%swap3A_375, %swap3A_376], %slice3A_374 {strides = array<i32>} : memref<200x2048xf32, #tpu.memory_space<vmem>>, vector<8x128xf32>,
    %slice3A_378 = vector.extract_strided_slice %dot_general3A_361 {offsets = [32, 0], sizes = [8, 128], strides = [1, 1]} : vector<128x128xf32> to vector<8x128xf32>
    %swap3A_379 = arith.constant 24 : index
    %swap3A_380 = arith.constant 512 : index
    %swap3A_381 = vector.load %arg7[%swap3A_379, %swap3A_380] : memref<200x2048xf32, #tpu.memory_space<vmem>>, vector<8x128xf32>
    tpu.vector_store %arg7[%swap3A_379, %swap3A_380], %slice3A_378 {strides = array<i32>} : memref<200x2048xf32, #tpu.memory_space<vmem>>, vector<8x128xf32>,
    %slice3A_382 = vector.extract_strided_slice %dot_general3A_361 {offsets = [40, 0], sizes = [8, 128], strides = [1, 1]} : vector<128x128xf32> to vector<8x128xf32>
    %swap3A_383 = arith.constant 24 : index
    %swap3A_384 = arith.constant 640 : index
    %swap3A_385 = vector.load %arg7[%swap3A_383, %swap3A_384] : memref<200x2048xf32, #tpu.memory_space<vmem>>, vector<8x128xf32>
    tpu.vector_store %arg7[%swap3A_383, %swap3A_384], %slice3A_382 {strides = array<i32>} : memref<200x2048xf32, #tpu.memory_space<vmem>>, vector<8x128xf32>,
    %slice3A_386 = vector.extract_strided_slice %dot_general3A_361 {offsets = [48, 0], sizes = [8, 128], strides = [1, 1]} : vector<128x128xf32> to vector<8x128xf32>
    %swap3A_387 = arith.constant 24 : index
    %swap3A_388 = arith.constant 768 : index
    %swap3A_389 = vector.load %arg7[%swap3A_387, %swap3A_388] : memref<200x2048xf32, #tpu.memory_space<vmem>>, vector<8x128xf32>
    tpu.vector_store %arg7[%swap3A_387, %swap3A_388], %slice3A_386 {strides = array<i32>} : memref<200x2048xf32, #tpu.memory_space<vmem>>, vector<8x128xf32>,
    %slice3A_390 = vector.extract_strided_slice %dot_general3A_361 {offsets = [56, 0], sizes = [8, 128], strides = [1, 1]} : vector<128x128xf32> to vector<8x128xf32>
    %swap3A_391 = arith.constant 24 : index
    %swap3A_392 = arith.constant 896 : index
    %swap3A_393 = vector.load %arg7[%swap3A_391, %swap3A_392] : memref<200x2048xf32, #tpu.memory_space<vmem>>, vector<8x128xf32>
    tpu.vector_store %arg7[%swap3A_391, %swap3A_392], %slice3A_390 {strides = array<i32>} : memref<200x2048xf32, #tpu.memory_space<vmem>>, vector<8x128xf32>,
    %slice3A_394 = vector.extract_strided_slice %dot_general3A_361 {offsets = [64, 0], sizes = [8, 128], strides = [1, 1]} : vector<128x128xf32> to vector<8x128xf32>
    %swap3A_395 = arith.constant 24 : index
    %swap3A_396 = arith.constant 1024 : index
    %swap3A_397 = vector.load %arg7[%swap3A_395, %swap3A_396] : memref<200x2048xf32, #tpu.memory_space<vmem>>, vector<8x128xf32>
    tpu.vector_store %arg7[%swap3A_395, %swap3A_396], %slice3A_394 {strides = array<i32>} : memref<200x2048xf32, #tpu.memory_space<vmem>>, vector<8x128xf32>,
    %slice3A_398 = vector.extract_strided_slice %dot_general3A_361 {offsets = [72, 0], sizes = [8, 128], strides = [1, 1]} : vector<128x128xf32> to vector<8x128xf32>
    %swap3A_399 = arith.constant 24 : index
    %swap3A_400 = arith.constant 1152 : index
    %swap3A_401 = vector.load %arg7[%swap3A_399, %swap3A_400] : memref<200x2048xf32, #tpu.memory_space<vmem>>, vector<8x128xf32>
    tpu.vector_store %arg7[%swap3A_399, %swap3A_400], %slice3A_398 {strides = array<i32>} : memref<200x2048xf32, #tpu.memory_space<vmem>>, vector<8x128xf32>,
    %slice3A_402 = vector.extract_strided_slice %dot_general3A_361 {offsets = [80, 0], sizes = [8, 128], strides = [1, 1]} : vector<128x128xf32> to vector<8x128xf32>
    %swap3A_403 = arith.constant 24 : index
    %swap3A_404 = arith.constant 1280 : index
    %swap3A_405 = vector.load %arg7[%swap3A_403, %swap3A_404] : memref<200x2048xf32, #tpu.memory_space<vmem>>, vector<8x128xf32>
    tpu.vector_store %arg7[%swap3A_403, %swap3A_404], %slice3A_402 {strides = array<i32>} : memref<200x2048xf32, #tpu.memory_space<vmem>>, vector<8x128xf32>,
    %slice3A_406 = vector.extract_strided_slice %dot_general3A_361 {offsets = [88, 0], sizes = [8, 128], strides = [1, 1]} : vector<128x128xf32> to vector<8x128xf32>
    %swap3A_407 = arith.constant 24 : index
    %swap3A_408 = arith.constant 1408 : index
    %swap3A_409 = vector.load %arg7[%swap3A_407, %swap3A_408] : memref<200x2048xf32, #tpu.memory_space<vmem>>, vector<8x128xf32>
    tpu.vector_store %arg7[%swap3A_407, %swap3A_408], %slice3A_406 {strides = array<i32>} : memref<200x2048xf32, #tpu.memory_space<vmem>>, vector<8x128xf32>,
    %slice3A_410 = vector.extract_strided_slice %dot_general3A_361 {offsets = [96, 0], sizes = [8, 128], strides = [1, 1]} : vector<128x128xf32> to vector<8x128xf32>
    %swap3A_411 = arith.constant 24 : index
    %swap3A_412 = arith.constant 1536 : index
    %swap3A_413 = vector.load %arg7[%swap3A_411, %swap3A_412] : memref<200x2048xf32, #tpu.memory_space<vmem>>, vector<8x128xf32>
    tpu.vector_store %arg7[%swap3A_411, %swap3A_412], %slice3A_410 {strides = array<i32>} : memref<200x2048xf32, #tpu.memory_space<vmem>>, vector<8x128xf32>,
    %slice3A_414 = vector.extract_strided_slice %dot_general3A_361 {offsets = [104, 0], sizes = [8, 128], strides = [1, 1]} : vector<128x128xf32> to vector<8x128xf32>
    %swap3A_415 = arith.constant 24 : index
    %swap3A_416 = arith.constant 1664 : index
    %swap3A_417 = vector.load %arg7[%swap3A_415, %swap3A_416] : memref<200x2048xf32, #tpu.memory_space<vmem>>, vector<8x128xf32>
    tpu.vector_store %arg7[%swap3A_415, %swap3A_416], %slice3A_414 {strides = array<i32>} : memref<200x2048xf32, #tpu.memory_space<vmem>>, vector<8x128xf32>,
    %slice3A_418 = vector.extract_strided_slice %dot_general3A_361 {offsets = [112, 0], sizes = [8, 128], strides = [1, 1]} : vector<128x128xf32> to vector<8x128xf32>
    %swap3A_419 = arith.constant 24 : index
    %swap3A_420 = arith.constant 1792 : index
    %swap3A_421 = vector.load %arg7[%swap3A_419, %swap3A_420] : memref<200x2048xf32, #tpu.memory_space<vmem>>, vector<8x128xf32>
    tpu.vector_store %arg7[%swap3A_419, %swap3A_420], %slice3A_418 {strides = array<i32>} : memref<200x2048xf32, #tpu.memory_space<vmem>>, vector<8x128xf32>,
    %slice3A_422 = vector.extract_strided_slice %dot_general3A_361 {offsets = [120, 0], sizes = [8, 128], strides = [1, 1]} : vector<128x128xf32> to vector<8x128xf32>
    %swap3A_423 = arith.constant 24 : index
    %swap3A_424 = arith.constant 1920 : index
    %swap3A_425 = vector.load %arg7[%swap3A_423, %swap3A_424] : memref<200x2048xf32, #tpu.memory_space<vmem>>, vector<8x128xf32>
    tpu.vector_store %arg7[%swap3A_423, %swap3A_424], %slice3A_422 {strides = array<i32>} : memref<200x2048xf32, #tpu.memory_space<vmem>>, vector<8x128xf32>,
    %slice3A_426 = vector.extract_strided_slice %select_n3A_70 {offsets = [0, 1024], sizes = [16, 256], strides = [1, 1]} : vector<16x6400xf32> to vector<16x256xf32>
    %broadcast_in_dim3A_427 = vector.shape_cast %slice3A_426 : vector<16x256xf32> to vector<16x1x256xf32>
    %broadcast_in_dim3A_428 = vector.shape_cast %broadcast_in_dim3A_427 : vector<16x1x256xf32> to vector<16x1x256xf32>
    %broadcast_in_dim3A_429 = vector.broadcast %broadcast_in_dim3A_428 : vector<16x1x256xf32> to vector<16x8x256xf32>
    %reshape3A_430 = vector.shape_cast %broadcast_in_dim3A_429 : vector<16x8x256xf32> to vector<128x256xf32>
    %jit3A_431 = arith.constant 0.000000e+00 : f32
    %broadcast_in_dim3A_432 = vector.broadcast %jit3A_431 : f32 to vector<128x256xf32>
    %select_n3A_433 = arith.select %eq3A_123, %reshape3A_430, %broadcast_in_dim3A_432 : vector<128x256xi1>, vector<128x256xf32>
    %convert_element_type3A_434 = arith.truncf %select_n3A_433 : vector<128x256xf32> to vector<128x256xbf16>
    %slice3A_435 = vector.extract_strided_slice %convert_element_type3A {offsets = [1024, 0], sizes = [256, 128], strides = [1, 1]} : vector<6400x128xbf16> to vector<256x128xbf16>
    %dot_general3A_436 = arith.constant dense<0.000000e+00> : vector<128x128xf32>
    %dot_general3A_437 = tpu.matmul %convert_element_type3A_434, %slice3A_435, %dot_general3A_436 {dimension_numbers = #tpu.dot_dimension_numbers<[1], [0], [0], [1], [0, 0, 1, 1], [], []>, transpose_lhs_hint = false} : vector<128x256xbf16>, vector<256x128xbf16>, vector<128x128xf32> -> vector<128x128xf32>
    %slice3A_438 = vector.extract_strided_slice %dot_general3A_437 {offsets = [0, 0], sizes = [8, 128], strides = [1, 1]} : vector<128x128xf32> to vector<8x128xf32>
    %swap3A_439 = arith.constant 32 : index
    %swap3A_440 = arith.constant 0 : index
    %swap3A_441 = vector.load %arg7[%swap3A_439, %swap3A_440] : memref<200x2048xf32, #tpu.memory_space<vmem>>, vector<8x128xf32>
    tpu.vector_store %arg7[%swap3A_439, %swap3A_440], %slice3A_438 {strides = array<i32>} : memref<200x2048xf32, #tpu.memory_space<vmem>>, vector<8x128xf32>,
    %slice3A_442 = vector.extract_strided_slice %dot_general3A_437 {offsets = [8, 0], sizes = [8, 128], strides = [1, 1]} : vector<128x128xf32> to vector<8x128xf32>
    %swap3A_443 = arith.constant 32 : index
    %swap3A_444 = arith.constant 128 : index
    %swap3A_445 = vector.load %arg7[%swap3A_443, %swap3A_444] : memref<200x2048xf32, #tpu.memory_space<vmem>>, vector<8x128xf32>
    tpu.vector_store %arg7[%swap3A_443, %swap3A_444], %slice3A_442 {strides = array<i32>} : memref<200x2048xf32, #tpu.memory_space<vmem>>, vector<8x128xf32>,
    %slice3A_446 = vector.extract_strided_slice %dot_general3A_437 {offsets = [16, 0], sizes = [8, 128], strides = [1, 1]} : vector<128x128xf32> to vector<8x128xf32>
    %swap3A_447 = arith.constant 32 : index
    %swap3A_448 = arith.constant 256 : index
    %swap3A_449 = vector.load %arg7[%swap3A_447, %swap3A_448] : memref<200x2048xf32, #tpu.memory_space<vmem>>, vector<8x128xf32>
    tpu.vector_store %arg7[%swap3A_447, %swap3A_448], %slice3A_446 {strides = array<i32>} : memref<200x2048xf32, #tpu.memory_space<vmem>>, vector<8x128xf32>,
    %slice3A_450 = vector.extract_strided_slice %dot_general3A_437 {offsets = [24, 0], sizes = [8, 128], strides = [1, 1]} : vector<128x128xf32> to vector<8x128xf32>
    %swap3A_451 = arith.constant 32 : index
    %swap3A_452 = arith.constant 384 : index
    %swap3A_453 = vector.load %arg7[%swap3A_451, %swap3A_452] : memref<200x2048xf32, #tpu.memory_space<vmem>>, vector<8x128xf32>
    tpu.vector_store %arg7[%swap3A_451, %swap3A_452], %slice3A_450 {strides = array<i32>} : memref<200x2048xf32, #tpu.memory_space<vmem>>, vector<8x128xf32>,
    %slice3A_454 = vector.extract_strided_slice %dot_general3A_437 {offsets = [32, 0], sizes = [8, 128], strides = [1, 1]} : vector<128x128xf32> to vector<8x128xf32>
    %swap3A_455 = arith.constant 32 : index
    %swap3A_456 = arith.constant 512 : index
    %swap3A_457 = vector.load %arg7[%swap3A_455, %swap3A_456] : memref<200x2048xf32, #tpu.memory_space<vmem>>, vector<8x128xf32>
    tpu.vector_store %arg7[%swap3A_455, %swap3A_456], %slice3A_454 {strides = array<i32>} : memref<200x2048xf32, #tpu.memory_space<vmem>>, vector<8x128xf32>,
    %slice3A_458 = vector.extract_strided_slice %dot_general3A_437 {offsets = [40, 0], sizes = [8, 128], strides = [1, 1]} : vector<128x128xf32> to vector<8x128xf32>
    %swap3A_459 = arith.constant 32 : index
    %swap3A_460 = arith.constant 640 : index
    %swap3A_461 = vector.load %arg7[%swap3A_459, %swap3A_460] : memref<200x2048xf32, #tpu.memory_space<vmem>>, vector<8x128xf32>
    tpu.vector_store %arg7[%swap3A_459, %swap3A_460], %slice3A_458 {strides = array<i32>} : memref<200x2048xf32, #tpu.memory_space<vmem>>, vector<8x128xf32>,
    %slice3A_462 = vector.extract_strided_slice %dot_general3A_437 {offsets = [48, 0], sizes = [8, 128], strides = [1, 1]} : vector<128x128xf32> to vector<8x128xf32>
    %swap3A_463 = arith.constant 32 : index
    %swap3A_464 = arith.constant 768 : index
    %swap3A_465 = vector.load %arg7[%swap3A_463, %swap3A_464] : memref<200x2048xf32, #tpu.memory_space<vmem>>, vector<8x128xf32>
    tpu.vector_store %arg7[%swap3A_463, %swap3A_464], %slice3A_462 {strides = array<i32>} : memref<200x2048xf32, #tpu.memory_space<vmem>>, vector<8x128xf32>,
    %slice3A_466 = vector.extract_strided_slice %dot_general3A_437 {offsets = [56, 0], sizes = [8, 128], strides = [1, 1]} : vector<128x128xf32> to vector<8x128xf32>
    %swap3A_467 = arith.constant 32 : index
    %swap3A_468 = arith.constant 896 : index
    %swap3A_469 = vector.load %arg7[%swap3A_467, %swap3A_468] : memref<200x2048xf32, #tpu.memory_space<vmem>>, vector<8x128xf32>
    tpu.vector_store %arg7[%swap3A_467, %swap3A_468], %slice3A_466 {strides = array<i32>} : memref<200x2048xf32, #tpu.memory_space<vmem>>, vector<8x128xf32>,
    %slice3A_470 = vector.extract_strided_slice %dot_general3A_437 {offsets = [64, 0], sizes = [8, 128], strides = [1, 1]} : vector<128x128xf32> to vector<8x128xf32>
    %swap3A_471 = arith.constant 32 : index
    %swap3A_472 = arith.constant 1024 : index
    %swap3A_473 = vector.load %arg7[%swap3A_471, %swap3A_472] : memref<200x2048xf32, #tpu.memory_space<vmem>>, vector<8x128xf32>
    tpu.vector_store %arg7[%swap3A_471, %swap3A_472], %slice3A_470 {strides = array<i32>} : memref<200x2048xf32, #tpu.memory_space<vmem>>, vector<8x128xf32>,
    %slice3A_474 = vector.extract_strided_slice %dot_general3A_437 {offsets = [72, 0], sizes = [8, 128], strides = [1, 1]} : vector<128x128xf32> to vector<8x128xf32>
    %swap3A_475 = arith.constant 32 : index
    %swap3A_476 = arith.constant 1152 : index
    %swap3A_477 = vector.load %arg7[%swap3A_475, %swap3A_476] : memref<200x2048xf32, #tpu.memory_space<vmem>>, vector<8x128xf32>
    tpu.vector_store %arg7[%swap3A_475, %swap3A_476], %slice3A_474 {strides = array<i32>} : memref<200x2048xf32, #tpu.memory_space<vmem>>, vector<8x128xf32>,
    %slice3A_478 = vector.extract_strided_slice %dot_general3A_437 {offsets = [80, 0], sizes = [8, 128], strides = [1, 1]} : vector<128x128xf32> to vector<8x128xf32>
    %swap3A_479 = arith.constant 32 : index
    %swap3A_480 = arith.constant 1280 : index
    %swap3A_481 = vector.load %arg7[%swap3A_479, %swap3A_480] : memref<200x2048xf32, #tpu.memory_space<vmem>>, vector<8x128xf32>
    tpu.vector_store %arg7[%swap3A_479, %swap3A_480], %slice3A_478 {strides = array<i32>} : memref<200x2048xf32, #tpu.memory_space<vmem>>, vector<8x128xf32>,
    %slice3A_482 = vector.extract_strided_slice %dot_general3A_437 {offsets = [88, 0], sizes = [8, 128], strides = [1, 1]} : vector<128x128xf32> to vector<8x128xf32>
    %swap3A_483 = arith.constant 32 : index
    %swap3A_484 = arith.constant 1408 : index
    %swap3A_485 = vector.load %arg7[%swap3A_483, %swap3A_484] : memref<200x2048xf32, #tpu.memory_space<vmem>>, vector<8x128xf32>
    tpu.vector_store %arg7[%swap3A_483, %swap3A_484], %slice3A_482 {strides = array<i32>} : memref<200x2048xf32, #tpu.memory_space<vmem>>, vector<8x128xf32>,
    %slice3A_486 = vector.extract_strided_slice %dot_general3A_437 {offsets = [96, 0], sizes = [8, 128], strides = [1, 1]} : vector<128x128xf32> to vector<8x128xf32>
    %swap3A_487 = arith.constant 32 : index
    %swap3A_488 = arith.constant 1536 : index
    %swap3A_489 = vector.load %arg7[%swap3A_487, %swap3A_488] : memref<200x2048xf32, #tpu.memory_space<vmem>>, vector<8x128xf32>
    tpu.vector_store %arg7[%swap3A_487, %swap3A_488], %slice3A_486 {strides = array<i32>} : memref<200x2048xf32, #tpu.memory_space<vmem>>, vector<8x128xf32>,
    %slice3A_490 = vector.extract_strided_slice %dot_general3A_437 {offsets = [104, 0], sizes = [8, 128], strides = [1, 1]} : vector<128x128xf32> to vector<8x128xf32>
    %swap3A_491 = arith.constant 32 : index
    %swap3A_492 = arith.constant 1664 : index
    %swap3A_493 = vector.load %arg7[%swap3A_491, %swap3A_492] : memref<200x2048xf32, #tpu.memory_space<vmem>>, vector<8x128xf32>
    tpu.vector_store %arg7[%swap3A_491, %swap3A_492], %slice3A_490 {strides = array<i32>} : memref<200x2048xf32, #tpu.memory_space<vmem>>, vector<8x128xf32>,
    %slice3A_494 = vector.extract_strided_slice %dot_general3A_437 {offsets = [112, 0], sizes = [8, 128], strides = [1, 1]} : vector<128x128xf32> to vector<8x128xf32>
    %swap3A_495 = arith.constant 32 : index
    %swap3A_496 = arith.constant 1792 : index
    %swap3A_497 = vector.load %arg7[%swap3A_495, %swap3A_496] : memref<200x2048xf32, #tpu.memory_space<vmem>>, vector<8x128xf32>
    tpu.vector_store %arg7[%swap3A_495, %swap3A_496], %slice3A_494 {strides = array<i32>} : memref<200x2048xf32, #tpu.memory_space<vmem>>, vector<8x128xf32>,
    %slice3A_498 = vector.extract_strided_slice %dot_general3A_437 {offsets = [120, 0], sizes = [8, 128], strides = [1, 1]} : vector<128x128xf32> to vector<8x128xf32>
    %swap3A_499 = arith.constant 32 : index
    %swap3A_500 = arith.constant 1920 : index
    %swap3A_501 = vector.load %arg7[%swap3A_499, %swap3A_500] : memref<200x2048xf32, #tpu.memory_space<vmem>>, vector<8x128xf32>
    tpu.vector_store %arg7[%swap3A_499, %swap3A_500], %slice3A_498 {strides = array<i32>} : memref<200x2048xf32, #tpu.memory_space<vmem>>, vector<8x128xf32>,
    %slice3A_502 = vector.extract_strided_slice %select_n3A_70 {offsets = [0, 1280], sizes = [16, 256], strides = [1, 1]} : vector<16x6400xf32> to vector<16x256xf32>
    %broadcast_in_dim3A_503 = vector.shape_cast %slice3A_502 : vector<16x256xf32> to vector<16x1x256xf32>
    %broadcast_in_dim3A_504 = vector.shape_cast %broadcast_in_dim3A_503 : vector<16x1x256xf32> to vector<16x1x256xf32>
    %broadcast_in_dim3A_505 = vector.broadcast %broadcast_in_dim3A_504 : vector<16x1x256xf32> to vector<16x8x256xf32>
    %reshape3A_506 = vector.shape_cast %broadcast_in_dim3A_505 : vector<16x8x256xf32> to vector<128x256xf32>
    %jit3A_507 = arith.constant 0.000000e+00 : f32
    %broadcast_in_dim3A_508 = vector.broadcast %jit3A_507 : f32 to vector<128x256xf32>
    %select_n3A_509 = arith.select %eq3A_123, %reshape3A_506, %broadcast_in_dim3A_508 : vector<128x256xi1>, vector<128x256xf32>
    %convert_element_type3A_510 = arith.truncf %select_n3A_509 : vector<128x256xf32> to vector<128x256xbf16>
    %slice3A_511 = vector.extract_strided_slice %convert_element_type3A {offsets = [1280, 0], sizes = [256, 128], strides = [1, 1]} : vector<6400x128xbf16> to vector<256x128xbf16>
    %dot_general3A_512 = arith.constant dense<0.000000e+00> : vector<128x128xf32>
    %dot_general3A_513 = tpu.matmul %convert_element_type3A_510, %slice3A_511, %dot_general3A_512 {dimension_numbers = #tpu.dot_dimension_numbers<[1], [0], [0], [1], [0, 0, 1, 1], [], []>, transpose_lhs_hint = false} : vector<128x256xbf16>, vector<256x128xbf16>, vector<128x128xf32> -> vector<128x128xf32>
    %slice3A_514 = vector.extract_strided_slice %dot_general3A_513 {offsets = [0, 0], sizes = [8, 128], strides = [1, 1]} : vector<128x128xf32> to vector<8x128xf32>
    %swap3A_515 = arith.constant 40 : index
    %swap3A_516 = arith.constant 0 : index
    %swap3A_517 = vector.load %arg7[%swap3A_515, %swap3A_516] : memref<200x2048xf32, #tpu.memory_space<vmem>>, vector<8x128xf32>
    tpu.vector_store %arg7[%swap3A_515, %swap3A_516], %slice3A_514 {strides = array<i32>} : memref<200x2048xf32, #tpu.memory_space<vmem>>, vector<8x128xf32>,
    %slice3A_518 = vector.extract_strided_slice %dot_general3A_513 {offsets = [8, 0], sizes = [8, 128], strides = [1, 1]} : vector<128x128xf32> to vector<8x128xf32>
    %swap3A_519 = arith.constant 40 : index
    %swap3A_520 = arith.constant 128 : index
    %swap3A_521 = vector.load %arg7[%swap3A_519, %swap3A_520] : memref<200x2048xf32, #tpu.memory_space<vmem>>, vector<8x128xf32>
    tpu.vector_store %arg7[%swap3A_519, %swap3A_520], %slice3A_518 {strides = array<i32>} : memref<200x2048xf32, #tpu.memory_space<vmem>>, vector<8x128xf32>,
    %slice3A_522 = vector.extract_strided_slice %dot_general3A_513 {offsets = [16, 0], sizes = [8, 128], strides = [1, 1]} : vector<128x128xf32> to vector<8x128xf32>
    %swap3A_523 = arith.constant 40 : index
    %swap3A_524 = arith.constant 256 : index
    %swap3A_525 = vector.load %arg7[%swap3A_523, %swap3A_524] : memref<200x2048xf32, #tpu.memory_space<vmem>>, vector<8x128xf32>
    tpu.vector_store %arg7[%swap3A_523, %swap3A_524], %slice3A_522 {strides = array<i32>} : memref<200x2048xf32, #tpu.memory_space<vmem>>, vector<8x128xf32>,
    %slice3A_526 = vector.extract_strided_slice %dot_general3A_513 {offsets = [24, 0], sizes = [8, 128], strides = [1, 1]} : vector<128x128xf32> to vector<8x128xf32>
    %swap3A_527 = arith.constant 40 : index
    %swap3A_528 = arith.constant 384 : index
    %swap3A_529 = vector.load %arg7[%swap3A_527, %swap3A_528] : memref<200x2048xf32, #tpu.memory_space<vmem>>, vector<8x128xf32>
    tpu.vector_store %arg7[%swap3A_527, %swap3A_528], %slice3A_526 {strides = array<i32>} : memref<200x2048xf32, #tpu.memory_space<vmem>>, vector<8x128xf32>,
    %slice3A_530 = vector.extract_strided_slice %dot_general3A_513 {offsets = [32, 0], sizes = [8, 128], strides = [1, 1]} : vector<128x128xf32> to vector<8x128xf32>
    %swap3A_531 = arith.constant 40 : index
    %swap3A_532 = arith.constant 512 : index
    %swap3A_533 = vector.load %arg7[%swap3A_531, %swap3A_532] : memref<200x2048xf32, #tpu.memory_space<vmem>>, vector<8x128xf32>
    tpu.vector_store %arg7[%swap3A_531, %swap3A_532], %slice3A_530 {strides = array<i32>} : memref<200x2048xf32, #tpu.memory_space<vmem>>, vector<8x128xf32>,
    %slice3A_534 = vector.extract_strided_slice %dot_general3A_513 {offsets = [40, 0], sizes = [8, 128], strides = [1, 1]} : vector<128x128xf32> to vector<8x128xf32>
    %swap3A_535 = arith.constant 40 : index
    %swap3A_536 = arith.constant 640 : index
    %swap3A_537 = vector.load %arg7[%swap3A_535, %swap3A_536] : memref<200x2048xf32, #tpu.memory_space<vmem>>, vector<8x128xf32>
    tpu.vector_store %arg7[%swap3A_535, %swap3A_536], %slice3A_534 {strides = array<i32>} : memref<200x2048xf32, #tpu.memory_space<vmem>>, vector<8x128xf32>,
    %slice3A_538 = vector.extract_strided_slice %dot_general3A_513 {offsets = [48, 0], sizes = [8, 128], strides = [1, 1]} : vector<128x128xf32> to vector<8x128xf32>
    %swap3A_539 = arith.constant 40 : index
    %swap3A_540 = arith.constant 768 : index
    %swap3A_541 = vector.load %arg7[%swap3A_539, %swap3A_540] : memref<200x2048xf32, #tpu.memory_space<vmem>>, vector<8x128xf32>
    tpu.vector_store %arg7[%swap3A_539, %swap3A_540], %slice3A_538 {strides = array<i32>} : memref<200x2048xf32, #tpu.memory_space<vmem>>, vector<8x128xf32>,
    %slice3A_542 = vector.extract_strided_slice %dot_general3A_513 {offsets = [56, 0], sizes = [8, 128], strides = [1, 1]} : vector<128x128xf32> to vector<8x128xf32>
    %swap3A_543 = arith.constant 40 : index
    %swap3A_544 = arith.constant 896 : index
    %swap3A_545 = vector.load %arg7[%swap3A_543, %swap3A_544] : memref<200x2048xf32, #tpu.memory_space<vmem>>, vector<8x128xf32>
    tpu.vector_store %arg7[%swap3A_543, %swap3A_544], %slice3A_542 {strides = array<i32>} : memref<200x2048xf32, #tpu.memory_space<vmem>>, vector<8x128xf32>,
    %slice3A_546 = vector.extract_strided_slice %dot_general3A_513 {offsets = [64, 0], sizes = [8, 128], strides = [1, 1]} : vector<128x128xf32> to vector<8x128xf32>
    %swap3A_547 = arith.constant 40 : index
    %swap3A_548 = arith.constant 1024 : index
    %swap3A_549 = vector.load %arg7[%swap3A_547, %swap3A_548] : memref<200x2048xf32, #tpu.memory_space<vmem>>, vector<8x128xf32>
    tpu.vector_store %arg7[%swap3A_547, %swap3A_548], %slice3A_546 {strides = array<i32>} : memref<200x2048xf32, #tpu.memory_space<vmem>>, vector<8x128xf32>,
    %slice3A_550 = vector.extract_strided_slice %dot_general3A_513 {offsets = [72, 0], sizes = [8, 128], strides = [1, 1]} : vector<128x128xf32> to vector<8x128xf32>
    %swap3A_551 = arith.constant 40 : index
    %swap3A_552 = arith.constant 1152 : index
    %swap3A_553 = vector.load %arg7[%swap3A_551, %swap3A_552] : memref<200x2048xf32, #tpu.memory_space<vmem>>, vector<8x128xf32>
    tpu.vector_store %arg7[%swap3A_551, %swap3A_552], %slice3A_550 {strides = array<i32>} : memref<200x2048xf32, #tpu.memory_space<vmem>>, vector<8x128xf32>,
    %slice3A_554 = vector.extract_strided_slice %dot_general3A_513 {offsets = [80, 0], sizes = [8, 128], strides = [1, 1]} : vector<128x128xf32> to vector<8x128xf32>
    %swap3A_555 = arith.constant 40 : index
    %swap3A_556 = arith.constant 1280 : index
    %swap3A_557 = vector.load %arg7[%swap3A_555, %swap3A_556] : memref<200x2048xf32, #tpu.memory_space<vmem>>, vector<8x128xf32>
    tpu.vector_store %arg7[%swap3A_555, %swap3A_556], %slice3A_554 {strides = array<i32>} : memref<200x2048xf32, #tpu.memory_space<vmem>>, vector<8x128xf32>,
    %slice3A_558 = vector.extract_strided_slice %dot_general3A_513 {offsets = [88, 0], sizes = [8, 128], strides = [1, 1]} : vector<128x128xf32> to vector<8x128xf32>
    %swap3A_559 = arith.constant 40 : index
    %swap3A_560 = arith.constant 1408 : index
    %swap3A_561 = vector.load %arg7[%swap3A_559, %swap3A_560] : memref<200x2048xf32, #tpu.memory_space<vmem>>, vector<8x128xf32>
    tpu.vector_store %arg7[%swap3A_559, %swap3A_560], %slice3A_558 {strides = array<i32>} : memref<200x2048xf32, #tpu.memory_space<vmem>>, vector<8x128xf32>,
    %slice3A_562 = vector.extract_strided_slice %dot_general3A_513 {offsets = [96, 0], sizes = [8, 128], strides = [1, 1]} : vector<128x128xf32> to vector<8x128xf32>
    %swap3A_563 = arith.constant 40 : index
    %swap3A_564 = arith.constant 1536 : index
    %swap3A_565 = vector.load %arg7[%swap3A_563, %swap3A_564] : memref<200x2048xf32, #tpu.memory_space<vmem>>, vector<8x128xf32>
    tpu.vector_store %arg7[%swap3A_563, %swap3A_564], %slice3A_562 {strides = array<i32>} : memref<200x2048xf32, #tpu.memory_space<vmem>>, vector<8x128xf32>,
    %slice3A_566 = vector.extract_strided_slice %dot_general3A_513 {offsets = [104, 0], sizes = [8, 128], strides = [1, 1]} : vector<128x128xf32> to vector<8x128xf32>
    %swap3A_567 = arith.constant 40 : index
    %swap3A_568 = arith.constant 1664 : index
    %swap3A_569 = vector.load %arg7[%swap3A_567, %swap3A_568] : memref<200x2048xf32, #tpu.memory_space<vmem>>, vector<8x128xf32>
    tpu.vector_store %arg7[%swap3A_567, %swap3A_568], %slice3A_566 {strides = array<i32>} : memref<200x2048xf32, #tpu.memory_space<vmem>>, vector<8x128xf32>,
    %slice3A_570 = vector.extract_strided_slice %dot_general3A_513 {offsets = [112, 0], sizes = [8, 128], strides = [1, 1]} : vector<128x128xf32> to vector<8x128xf32>
    %swap3A_571 = arith.constant 40 : index
    %swap3A_572 = arith.constant 1792 : index
    %swap3A_573 = vector.load %arg7[%swap3A_571, %swap3A_572] : memref<200x2048xf32, #tpu.memory_space<vmem>>, vector<8x128xf32>
    tpu.vector_store %arg7[%swap3A_571, %swap3A_572], %slice3A_570 {strides = array<i32>} : memref<200x2048xf32, #tpu.memory_space<vmem>>, vector<8x128xf32>,
    %slice3A_574 = vector.extract_strided_slice %dot_general3A_513 {offsets = [120, 0], sizes = [8, 128], strides = [1, 1]} : vector<128x128xf32> to vector<8x128xf32>
    %swap3A_575 = arith.constant 40 : index
    %swap3A_576 = arith.constant 1920 : index
    %swap3A_577 = vector.load %arg7[%swap3A_575, %swap3A_576] : memref<200x2048xf32, #tpu.memory_space<vmem>>, vector<8x128xf32>
    tpu.vector_store %arg7[%swap3A_575, %swap3A_576], %slice3A_574 {strides = array<i32>} : memref<200x2048xf32, #tpu.memory_space<vmem>>, vector<8x128xf32>,
    %slice3A_578 = vector.extract_strided_slice %select_n3A_70 {offsets = [0, 1536], sizes = [16, 256], strides = [1, 1]} : vector<16x6400xf32> to vector<16x256xf32>
    %broadcast_in_dim3A_579 = vector.shape_cast %slice3A_578 : vector<16x256xf32> to vector<16x1x256xf32>
    %broadcast_in_dim3A_580 = vector.shape_cast %broadcast_in_dim3A_579 : vector<16x1x256xf32> to vector<16x1x256xf32>
    %broadcast_in_dim3A_581 = vector.broadcast %broadcast_in_dim3A_580 : vector<16x1x256xf32> to vector<16x8x256xf32>
    %reshape3A_582 = vector.shape_cast %broadcast_in_dim3A_581 : vector<16x8x256xf32> to vector<128x256xf32>
    %jit3A_583 = arith.constant 0.000000e+00 : f32
    %broadcast_in_dim3A_584 = vector.broadcast %jit3A_583 : f32 to vector<128x256xf32>
    %select_n3A_585 = arith.select %eq3A_123, %reshape3A_582, %broadcast_in_dim3A_584 : vector<128x256xi1>, vector<128x256xf32>
    %convert_element_type3A_586 = arith.truncf %select_n3A_585 : vector<128x256xf32> to vector<128x256xbf16>
    %slice3A_587 = vector.extract_strided_slice %convert_element_type3A {offsets = [1536, 0], sizes = [256, 128], strides = [1, 1]} : vector<6400x128xbf16> to vector<256x128xbf16>
    %dot_general3A_588 = arith.constant dense<0.000000e+00> : vector<128x128xf32>
    %dot_general3A_589 = tpu.matmul %convert_element_type3A_586, %slice3A_587, %dot_general3A_588 {dimension_numbers = #tpu.dot_dimension_numbers<[1], [0], [0], [1], [0, 0, 1, 1], [], []>, transpose_lhs_hint = false} : vector<128x256xbf16>, vector<256x128xbf16>, vector<128x128xf32> -> vector<128x128xf32>
    %slice3A_590 = vector.extract_strided_slice %dot_general3A_589 {offsets = [0, 0], sizes = [8, 128], strides = [1, 1]} : vector<128x128xf32> to vector<8x128xf32>
    %swap3A_591 = arith.constant 48 : index
    %swap3A_592 = arith.constant 0 : index
    %swap3A_593 = vector.load %arg7[%swap3A_591, %swap3A_592] : memref<200x2048xf32, #tpu.memory_space<vmem>>, vector<8x128xf32>
    tpu.vector_store %arg7[%swap3A_591, %swap3A_592], %slice3A_590 {strides = array<i32>} : memref<200x2048xf32, #tpu.memory_space<vmem>>, vector<8x128xf32>,
    %slice3A_594 = vector.extract_strided_slice %dot_general3A_589 {offsets = [8, 0], sizes = [8, 128], strides = [1, 1]} : vector<128x128xf32> to vector<8x128xf32>
    %swap3A_595 = arith.constant 48 : index
    %swap3A_596 = arith.constant 128 : index
    %swap3A_597 = vector.load %arg7[%swap3A_595, %swap3A_596] : memref<200x2048xf32, #tpu.memory_space<vmem>>, vector<8x128xf32>
    tpu.vector_store %arg7[%swap3A_595, %swap3A_596], %slice3A_594 {strides = array<i32>} : memref<200x2048xf32, #tpu.memory_space<vmem>>, vector<8x128xf32>,
    %slice3A_598 = vector.extract_strided_slice %dot_general3A_589 {offsets = [16, 0], sizes = [8, 128], strides = [1, 1]} : vector<128x128xf32> to vector<8x128xf32>
    %swap3A_599 = arith.constant 48 : index
    %swap3A_600 = arith.constant 256 : index
    %swap3A_601 = vector.load %arg7[%swap3A_599, %swap3A_600] : memref<200x2048xf32, #tpu.memory_space<vmem>>, vector<8x128xf32>
    tpu.vector_store %arg7[%swap3A_599, %swap3A_600], %slice3A_598 {strides = array<i32>} : memref<200x2048xf32, #tpu.memory_space<vmem>>, vector<8x128xf32>,
    %slice3A_602 = vector.extract_strided_slice %dot_general3A_589 {offsets = [24, 0], sizes = [8, 128], strides = [1, 1]} : vector<128x128xf32> to vector<8x128xf32>
    %swap3A_603 = arith.constant 48 : index
    %swap3A_604 = arith.constant 384 : index
    %swap3A_605 = vector.load %arg7[%swap3A_603, %swap3A_604] : memref<200x2048xf32, #tpu.memory_space<vmem>>, vector<8x128xf32>
    tpu.vector_store %arg7[%swap3A_603, %swap3A_604], %slice3A_602 {strides = array<i32>} : memref<200x2048xf32, #tpu.memory_space<vmem>>, vector<8x128xf32>,
    %slice3A_606 = vector.extract_strided_slice %dot_general3A_589 {offsets = [32, 0], sizes = [8, 128], strides = [1, 1]} : vector<128x128xf32> to vector<8x128xf32>
    %swap3A_607 = arith.constant 48 : index
    %swap3A_608 = arith.constant 512 : index
    %swap3A_609 = vector.load %arg7[%swap3A_607, %swap3A_608] : memref<200x2048xf32, #tpu.memory_space<vmem>>, vector<8x128xf32>
    tpu.vector_store %arg7[%swap3A_607, %swap3A_608], %slice3A_606 {strides = array<i32>} : memref<200x2048xf32, #tpu.memory_space<vmem>>, vector<8x128xf32>,
    %slice3A_610 = vector.extract_strided_slice %dot_general3A_589 {offsets = [40, 0], sizes = [8, 128], strides = [1, 1]} : vector<128x128xf32> to vector<8x128xf32>
    %swap3A_611 = arith.constant 48 : index
    %swap3A_612 = arith.constant 640 : index
    %swap3A_613 = vector.load %arg7[%swap3A_611, %swap3A_612] : memref<200x2048xf32, #tpu.memory_space<vmem>>, vector<8x128xf32>
    tpu.vector_store %arg7[%swap3A_611, %swap3A_612], %slice3A_610 {strides = array<i32>} : memref<200x2048xf32, #tpu.memory_space<vmem>>, vector<8x128xf32>,
    %slice3A_614 = vector.extract_strided_slice %dot_general3A_589 {offsets = [48, 0], sizes = [8, 128], strides = [1, 1]} : vector<128x128xf32> to vector<8x128xf32>
    %swap3A_615 = arith.constant 48 : index
    %swap3A_616 = arith.constant 768 : index
    %swap3A_617 = vector.load %arg7[%swap3A_615, %swap3A_616] : memref<200x2048xf32, #tpu.memory_space<vmem>>, vector<8x128xf32>
    tpu.vector_store %arg7[%swap3A_615, %swap3A_616], %slice3A_614 {strides = array<i32>} : memref<200x2048xf32, #tpu.memory_space<vmem>>, vector<8x128xf32>,
    %slice3A_618 = vector.extract_strided_slice %dot_general3A_589 {offsets = [56, 0], sizes = [8, 128], strides = [1, 1]} : vector<128x128xf32> to vector<8x128xf32>
    %swap3A_619 = arith.constant 48 : index
    %swap3A_620 = arith.constant 896 : index
    %swap3A_621 = vector.load %arg7[%swap3A_619, %swap3A_620] : memref<200x2048xf32, #tpu.memory_space<vmem>>, vector<8x128xf32>
    tpu.vector_store %arg7[%swap3A_619, %swap3A_620], %slice3A_618 {strides = array<i32>} : memref<200x2048xf32, #tpu.memory_space<vmem>>, vector<8x128xf32>,
    %slice3A_622 = vector.extract_strided_slice %dot_general3A_589 {offsets = [64, 0], sizes = [8, 128], strides = [1, 1]} : vector<128x128xf32> to vector<8x128xf32>
    %swap3A_623 = arith.constant 48 : index
    %swap3A_624 = arith.constant 1024 : index
    %swap3A_625 = vector.load %arg7[%swap3A_623, %swap3A_624] : memref<200x2048xf32, #tpu.memory_space<vmem>>, vector<8x128xf32>
    tpu.vector_store %arg7[%swap3A_623, %swap3A_624], %slice3A_622 {strides = array<i32>} : memref<200x2048xf32, #tpu.memory_space<vmem>>, vector<8x128xf32>,
    %slice3A_626 = vector.extract_strided_slice %dot_general3A_589 {offsets = [72, 0], sizes = [8, 128], strides = [1, 1]} : vector<128x128xf32> to vector<8x128xf32>
    %swap3A_627 = arith.constant 48 : index
    %swap3A_628 = arith.constant 1152 : index
    %swap3A_629 = vector.load %arg7[%swap3A_627, %swap3A_628] : memref<200x2048xf32, #tpu.memory_space<vmem>>, vector<8x128xf32>
    tpu.vector_store %arg7[%swap3A_627, %swap3A_628], %slice3A_626 {strides = array<i32>} : memref<200x2048xf32, #tpu.memory_space<vmem>>, vector<8x128xf32>,
    %slice3A_630 = vector.extract_strided_slice %dot_general3A_589 {offsets = [80, 0], sizes = [8, 128], strides = [1, 1]} : vector<128x128xf32> to vector<8x128xf32>
    %swap3A_631 = arith.constant 48 : index
    %swap3A_632 = arith.constant 1280 : index
    %swap3A_633 = vector.load %arg7[%swap3A_631, %swap3A_632] : memref<200x2048xf32, #tpu.memory_space<vmem>>, vector<8x128xf32>
    tpu.vector_store %arg7[%swap3A_631, %swap3A_632], %slice3A_630 {strides = array<i32>} : memref<200x2048xf32, #tpu.memory_space<vmem>>, vector<8x128xf32>,
    %slice3A_634 = vector.extract_strided_slice %dot_general3A_589 {offsets = [88, 0], sizes = [8, 128], strides = [1, 1]} : vector<128x128xf32> to vector<8x128xf32>
    %swap3A_635 = arith.constant 48 : index
    %swap3A_636 = arith.constant 1408 : index
    %swap3A_637 = vector.load %arg7[%swap3A_635, %swap3A_636] : memref<200x2048xf32, #tpu.memory_space<vmem>>, vector<8x128xf32>
    tpu.vector_store %arg7[%swap3A_635, %swap3A_636], %slice3A_634 {strides = array<i32>} : memref<200x2048xf32, #tpu.memory_space<vmem>>, vector<8x128xf32>,
    %slice3A_638 = vector.extract_strided_slice %dot_general3A_589 {offsets = [96, 0], sizes = [8, 128], strides = [1, 1]} : vector<128x128xf32> to vector<8x128xf32>
    %swap3A_639 = arith.constant 48 : index
    %swap3A_640 = arith.constant 1536 : index
    %swap3A_641 = vector.load %arg7[%swap3A_639, %swap3A_640] : memref<200x2048xf32, #tpu.memory_space<vmem>>, vector<8x128xf32>
    tpu.vector_store %arg7[%swap3A_639, %swap3A_640], %slice3A_638 {strides = array<i32>} : memref<200x2048xf32, #tpu.memory_space<vmem>>, vector<8x128xf32>,
    %slice3A_642 = vector.extract_strided_slice %dot_general3A_589 {offsets = [104, 0], sizes = [8, 128], strides = [1, 1]} : vector<128x128xf32> to vector<8x128xf32>
    %swap3A_643 = arith.constant 48 : index
    %swap3A_644 = arith.constant 1664 : index
    %swap3A_645 = vector.load %arg7[%swap3A_643, %swap3A_644] : memref<200x2048xf32, #tpu.memory_space<vmem>>, vector<8x128xf32>
    tpu.vector_store %arg7[%swap3A_643, %swap3A_644], %slice3A_642 {strides = array<i32>} : memref<200x2048xf32, #tpu.memory_space<vmem>>, vector<8x128xf32>,
    %slice3A_646 = vector.extract_strided_slice %dot_general3A_589 {offsets = [112, 0], sizes = [8, 128], strides = [1, 1]} : vector<128x128xf32> to vector<8x128xf32>
    %swap3A_647 = arith.constant 48 : index
    %swap3A_648 = arith.constant 1792 : index
    %swap3A_649 = vector.load %arg7[%swap3A_647, %swap3A_648] : memref<200x2048xf32, #tpu.memory_space<vmem>>, vector<8x128xf32>
    tpu.vector_store %arg7[%swap3A_647, %swap3A_648], %slice3A_646 {strides = array<i32>} : memref<200x2048xf32, #tpu.memory_space<vmem>>, vector<8x128xf32>,
    %slice3A_650 = vector.extract_strided_slice %dot_general3A_589 {offsets = [120, 0], sizes = [8, 128], strides = [1, 1]} : vector<128x128xf32> to vector<8x128xf32>
    %swap3A_651 = arith.constant 48 : index
    %swap3A_652 = arith.constant 1920 : index
    %swap3A_653 = vector.load %arg7[%swap3A_651, %swap3A_652] : memref<200x2048xf32, #tpu.memory_space<vmem>>, vector<8x128xf32>
    tpu.vector_store %arg7[%swap3A_651, %swap3A_652], %slice3A_650 {strides = array<i32>} : memref<200x2048xf32, #tpu.memory_space<vmem>>, vector<8x128xf32>,
    %slice3A_654 = vector.extract_strided_slice %select_n3A_70 {offsets = [0, 1792], sizes = [16, 256], strides = [1, 1]} : vector<16x6400xf32> to vector<16x256xf32>
    %broadcast_in_dim3A_655 = vector.shape_cast %slice3A_654 : vector<16x256xf32> to vector<16x1x256xf32>
    %broadcast_in_dim3A_656 = vector.shape_cast %broadcast_in_dim3A_655 : vector<16x1x256xf32> to vector<16x1x256xf32>
    %broadcast_in_dim3A_657 = vector.broadcast %broadcast_in_dim3A_656 : vector<16x1x256xf32> to vector<16x8x256xf32>
    %reshape3A_658 = vector.shape_cast %broadcast_in_dim3A_657 : vector<16x8x256xf32> to vector<128x256xf32>
    %jit3A_659 = arith.constant 0.000000e+00 : f32
    %broadcast_in_dim3A_660 = vector.broadcast %jit3A_659 : f32 to vector<128x256xf32>
    %select_n3A_661 = arith.select %eq3A_123, %reshape3A_658, %broadcast_in_dim3A_660 : vector<128x256xi1>, vector<128x256xf32>
    %convert_element_type3A_662 = arith.truncf %select_n3A_661 : vector<128x256xf32> to vector<128x256xbf16>
    %slice3A_663 = vector.extract_strided_slice %convert_element_type3A {offsets = [1792, 0], sizes = [256, 128], strides = [1, 1]} : vector<6400x128xbf16> to vector<256x128xbf16>
    %dot_general3A_664 = arith.constant dense<0.000000e+00> : vector<128x128xf32>
    %dot_general3A_665 = tpu.matmul %convert_element_type3A_662, %slice3A_663, %dot_general3A_664 {dimension_numbers = #tpu.dot_dimension_numbers<[1], [0], [0], [1], [0, 0, 1, 1], [], []>, transpose_lhs_hint = false} : vector<128x256xbf16>, vector<256x128xbf16>, vector<128x128xf32> -> vector<128x128xf32>
    %slice3A_666 = vector.extract_strided_slice %dot_general3A_665 {offsets = [0, 0], sizes = [8, 128], strides = [1, 1]} : vector<128x128xf32> to vector<8x128xf32>
    %swap3A_667 = arith.constant 56 : index
    %swap3A_668 = arith.constant 0 : index
    %swap3A_669 = vector.load %arg7[%swap3A_667, %swap3A_668] : memref<200x2048xf32, #tpu.memory_space<vmem>>, vector<8x128xf32>
    tpu.vector_store %arg7[%swap3A_667, %swap3A_668], %slice3A_666 {strides = array<i32>} : memref<200x2048xf32, #tpu.memory_space<vmem>>, vector<8x128xf32>,
    %slice3A_670 = vector.extract_strided_slice %dot_general3A_665 {offsets = [8, 0], sizes = [8, 128], strides = [1, 1]} : vector<128x128xf32> to vector<8x128xf32>
    %swap3A_671 = arith.constant 56 : index
    %swap3A_672 = arith.constant 128 : index
    %swap3A_673 = vector.load %arg7[%swap3A_671, %swap3A_672] : memref<200x2048xf32, #tpu.memory_space<vmem>>, vector<8x128xf32>
    tpu.vector_store %arg7[%swap3A_671, %swap3A_672], %slice3A_670 {strides = array<i32>} : memref<200x2048xf32, #tpu.memory_space<vmem>>, vector<8x128xf32>,
    %slice3A_674 = vector.extract_strided_slice %dot_general3A_665 {offsets = [16, 0], sizes = [8, 128], strides = [1, 1]} : vector<128x128xf32> to vector<8x128xf32>
    %swap3A_675 = arith.constant 56 : index
    %swap3A_676 = arith.constant 256 : index
    %swap3A_677 = vector.load %arg7[%swap3A_675, %swap3A_676] : memref<200x2048xf32, #tpu.memory_space<vmem>>, vector<8x128xf32>
    tpu.vector_store %arg7[%swap3A_675, %swap3A_676], %slice3A_674 {strides = array<i32>} : memref<200x2048xf32, #tpu.memory_space<vmem>>, vector<8x128xf32>,
    %slice3A_678 = vector.extract_strided_slice %dot_general3A_665 {offsets = [24, 0], sizes = [8, 128], strides = [1, 1]} : vector<128x128xf32> to vector<8x128xf32>
    %swap3A_679 = arith.constant 56 : index
    %swap3A_680 = arith.constant 384 : index
    %swap3A_681 = vector.load %arg7[%swap3A_679, %swap3A_680] : memref<200x2048xf32, #tpu.memory_space<vmem>>, vector<8x128xf32>
    tpu.vector_store %arg7[%swap3A_679, %swap3A_680], %slice3A_678 {strides = array<i32>} : memref<200x2048xf32, #tpu.memory_space<vmem>>, vector<8x128xf32>,
    %slice3A_682 = vector.extract_strided_slice %dot_general3A_665 {offsets = [32, 0], sizes = [8, 128], strides = [1, 1]} : vector<128x128xf32> to vector<8x128xf32>
    %swap3A_683 = arith.constant 56 : index
    %swap3A_684 = arith.constant 512 : index
    %swap3A_685 = vector.load %arg7[%swap3A_683, %swap3A_684] : memref<200x2048xf32, #tpu.memory_space<vmem>>, vector<8x128xf32>
    tpu.vector_store %arg7[%swap3A_683, %swap3A_684], %slice3A_682 {strides = array<i32>} : memref<200x2048xf32, #tpu.memory_space<vmem>>, vector<8x128xf32>,
    %slice3A_686 = vector.extract_strided_slice %dot_general3A_665 {offsets = [40, 0], sizes = [8, 128], strides = [1, 1]} : vector<128x128xf32> to vector<8x128xf32>
    %swap3A_687 = arith.constant 56 : index
    %swap3A_688 = arith.constant 640 : index
    %swap3A_689 = vector.load %arg7[%swap3A_687, %swap3A_688] : memref<200x2048xf32, #tpu.memory_space<vmem>>, vector<8x128xf32>
    tpu.vector_store %arg7[%swap3A_687, %swap3A_688], %slice3A_686 {strides = array<i32>} : memref<200x2048xf32, #tpu.memory_space<vmem>>, vector<8x128xf32>,
    %slice3A_690 = vector.extract_strided_slice %dot_general3A_665 {offsets = [48, 0], sizes = [8, 128], strides = [1, 1]} : vector<128x128xf32> to vector<8x128xf32>
    %swap3A_691 = arith.constant 56 : index
    %swap3A_692 = arith.constant 768 : index
    %swap3A_693 = vector.load %arg7[%swap3A_691, %swap3A_692] : memref<200x2048xf32, #tpu.memory_space<vmem>>, vector<8x128xf32>
    tpu.vector_store %arg7[%swap3A_691, %swap3A_692], %slice3A_690 {strides = array<i32>} : memref<200x2048xf32, #tpu.memory_space<vmem>>, vector<8x128xf32>,
    %slice3A_694 = vector.extract_strided_slice %dot_general3A_665 {offsets = [56, 0], sizes = [8, 128], strides = [1, 1]} : vector<128x128xf32> to vector<8x128xf32>
    %swap3A_695 = arith.constant 56 : index
    %swap3A_696 = arith.constant 896 : index
    %swap3A_697 = vector.load %arg7[%swap3A_695, %swap3A_696] : memref<200x2048xf32, #tpu.memory_space<vmem>>, vector<8x128xf32>
    tpu.vector_store %arg7[%swap3A_695, %swap3A_696], %slice3A_694 {strides = array<i32>} : memref<200x2048xf32, #tpu.memory_space<vmem>>, vector<8x128xf32>,
    %slice3A_698 = vector.extract_strided_slice %dot_general3A_665 {offsets = [64, 0], sizes = [8, 128], strides = [1, 1]} : vector<128x128xf32> to vector<8x128xf32>
    %swap3A_699 = arith.constant 56 : index
    %swap3A_700 = arith.constant 1024 : index
    %swap3A_701 = vector.load %arg7[%swap3A_699, %swap3A_700] : memref<200x2048xf32, #tpu.memory_space<vmem>>, vector<8x128xf32>
    tpu.vector_store %arg7[%swap3A_699, %swap3A_700], %slice3A_698 {strides = array<i32>} : memref<200x2048xf32, #tpu.memory_space<vmem>>, vector<8x128xf32>,
    %slice3A_702 = vector.extract_strided_slice %dot_general3A_665 {offsets = [72, 0], sizes = [8, 128], strides = [1, 1]} : vector<128x128xf32> to vector<8x128xf32>
    %swap3A_703 = arith.constant 56 : index
    %swap3A_704 = arith.constant 1152 : index
    %swap3A_705 = vector.load %arg7[%swap3A_703, %swap3A_704] : memref<200x2048xf32, #tpu.memory_space<vmem>>, vector<8x128xf32>
    tpu.vector_store %arg7[%swap3A_703, %swap3A_704], %slice3A_702 {strides = array<i32>} : memref<200x2048xf32, #tpu.memory_space<vmem>>, vector<8x128xf32>,
    %slice3A_706 = vector.extract_strided_slice %dot_general3A_665 {offsets = [80, 0], sizes = [8, 128], strides = [1, 1]} : vector<128x128xf32> to vector<8x128xf32>
    %swap3A_707 = arith.constant 56 : index
    %swap3A_708 = arith.constant 1280 : index
    %swap3A_709 = vector.load %arg7[%swap3A_707, %swap3A_708] : memref<200x2048xf32, #tpu.memory_space<vmem>>, vector<8x128xf32>
    tpu.vector_store %arg7[%swap3A_707, %swap3A_708], %slice3A_706 {strides = array<i32>} : memref<200x2048xf32, #tpu.memory_space<vmem>>, vector<8x128xf32>,
    %slice3A_710 = vector.extract_strided_slice %dot_general3A_665 {offsets = [88, 0], sizes = [8, 128], strides = [1, 1]} : vector<128x128xf32> to vector<8x128xf32>
    %swap3A_711 = arith.constant 56 : index
    %swap3A_712 = arith.constant 1408 : index
    %swap3A_713 = vector.load %arg7[%swap3A_711, %swap3A_712] : memref<200x2048xf32, #tpu.memory_space<vmem>>, vector<8x128xf32>
    tpu.vector_store %arg7[%swap3A_711, %swap3A_712], %slice3A_710 {strides = array<i32>} : memref<200x2048xf32, #tpu.memory_space<vmem>>, vector<8x128xf32>,
    %slice3A_714 = vector.extract_strided_slice %dot_general3A_665 {offsets = [96, 0], sizes = [8, 128], strides = [1, 1]} : vector<128x128xf32> to vector<8x128xf32>
    %swap3A_715 = arith.constant 56 : index
    %swap3A_716 = arith.constant 1536 : index
    %swap3A_717 = vector.load %arg7[%swap3A_715, %swap3A_716] : memref<200x2048xf32, #tpu.memory_space<vmem>>, vector<8x128xf32>
    tpu.vector_store %arg7[%swap3A_715, %swap3A_716], %slice3A_714 {strides = array<i32>} : memref<200x2048xf32, #tpu.memory_space<vmem>>, vector<8x128xf32>,
    %slice3A_718 = vector.extract_strided_slice %dot_general3A_665 {offsets = [104, 0], sizes = [8, 128], strides = [1, 1]} : vector<128x128xf32> to vector<8x128xf32>
    %swap3A_719 = arith.constant 56 : index
    %swap3A_720 = arith.constant 1664 : index
    %swap3A_721 = vector.load %arg7[%swap3A_719, %swap3A_720] : memref<200x2048xf32, #tpu.memory_space<vmem>>, vector<8x128xf32>
    tpu.vector_store %arg7[%swap3A_719, %swap3A_720], %slice3A_718 {strides = array<i32>} : memref<200x2048xf32, #tpu.memory_space<vmem>>, vector<8x128xf32>,
    %slice3A_722 = vector.extract_strided_slice %dot_general3A_665 {offsets = [112, 0], sizes = [8, 128], strides = [1, 1]} : vector<128x128xf32> to vector<8x128xf32>
    %swap3A_723 = arith.constant 56 : index
    %swap3A_724 = arith.constant 1792 : index
    %swap3A_725 = vector.load %arg7[%swap3A_723, %swap3A_724] : memref<200x2048xf32, #tpu.memory_space<vmem>>, vector<8x128xf32>
    tpu.vector_store %arg7[%swap3A_723, %swap3A_724], %slice3A_722 {strides = array<i32>} : memref<200x2048xf32, #tpu.memory_space<vmem>>, vector<8x128xf32>,
    %slice3A_726 = vector.extract_strided_slice %dot_general3A_665 {offsets = [120, 0], sizes = [8, 128], strides = [1, 1]} : vector<128x128xf32> to vector<8x128xf32>
    %swap3A_727 = arith.constant 56 : index
    %swap3A_728 = arith.constant 1920 : index
    %swap3A_729 = vector.load %arg7[%swap3A_727, %swap3A_728] : memref<200x2048xf32, #tpu.memory_space<vmem>>, vector<8x128xf32>
    tpu.vector_store %arg7[%swap3A_727, %swap3A_728], %slice3A_726 {strides = array<i32>} : memref<200x2048xf32, #tpu.memory_space<vmem>>, vector<8x128xf32>,
    %slice3A_730 = vector.extract_strided_slice %select_n3A_70 {offsets = [0, 2048], sizes = [16, 256], strides = [1, 1]} : vector<16x6400xf32> to vector<16x256xf32>
    %broadcast_in_dim3A_731 = vector.shape_cast %slice3A_730 : vector<16x256xf32> to vector<16x1x256xf32>
    %broadcast_in_dim3A_732 = vector.shape_cast %broadcast_in_dim3A_731 : vector<16x1x256xf32> to vector<16x1x256xf32>
    %broadcast_in_dim3A_733 = vector.broadcast %broadcast_in_dim3A_732 : vector<16x1x256xf32> to vector<16x8x256xf32>
    %reshape3A_734 = vector.shape_cast %broadcast_in_dim3A_733 : vector<16x8x256xf32> to vector<128x256xf32>
    %jit3A_735 = arith.constant 0.000000e+00 : f32
    %broadcast_in_dim3A_736 = vector.broadcast %jit3A_735 : f32 to vector<128x256xf32>
    %select_n3A_737 = arith.select %eq3A_123, %reshape3A_734, %broadcast_in_dim3A_736 : vector<128x256xi1>, vector<128x256xf32>
    %convert_element_type3A_738 = arith.truncf %select_n3A_737 : vector<128x256xf32> to vector<128x256xbf16>
    %slice3A_739 = vector.extract_strided_slice %convert_element_type3A {offsets = [2048, 0], sizes = [256, 128], strides = [1, 1]} : vector<6400x128xbf16> to vector<256x128xbf16>
    %dot_general3A_740 = arith.constant dense<0.000000e+00> : vector<128x128xf32>
    %dot_general3A_741 = tpu.matmul %convert_element_type3A_738, %slice3A_739, %dot_general3A_740 {dimension_numbers = #tpu.dot_dimension_numbers<[1], [0], [0], [1], [0, 0, 1, 1], [], []>, transpose_lhs_hint = false} : vector<128x256xbf16>, vector<256x128xbf16>, vector<128x128xf32> -> vector<128x128xf32>
    %slice3A_742 = vector.extract_strided_slice %dot_general3A_741 {offsets = [0, 0], sizes = [8, 128], strides = [1, 1]} : vector<128x128xf32> to vector<8x128xf32>
    %swap3A_743 = arith.constant 64 : index
    %swap3A_744 = arith.constant 0 : index
    %swap3A_745 = vector.load %arg7[%swap3A_743, %swap3A_744] : memref<200x2048xf32, #tpu.memory_space<vmem>>, vector<8x128xf32>
    tpu.vector_store %arg7[%swap3A_743, %swap3A_744], %slice3A_742 {strides = array<i32>} : memref<200x2048xf32, #tpu.memory_space<vmem>>, vector<8x128xf32>,
    %slice3A_746 = vector.extract_strided_slice %dot_general3A_741 {offsets = [8, 0], sizes = [8, 128], strides = [1, 1]} : vector<128x128xf32> to vector<8x128xf32>
    %swap3A_747 = arith.constant 64 : index
    %swap3A_748 = arith.constant 128 : index
    %swap3A_749 = vector.load %arg7[%swap3A_747, %swap3A_748] : memref<200x2048xf32, #tpu.memory_space<vmem>>, vector<8x128xf32>
    tpu.vector_store %arg7[%swap3A_747, %swap3A_748], %slice3A_746 {strides = array<i32>} : memref<200x2048xf32, #tpu.memory_space<vmem>>, vector<8x128xf32>,
    %slice3A_750 = vector.extract_strided_slice %dot_general3A_741 {offsets = [16, 0], sizes = [8, 128], strides = [1, 1]} : vector<128x128xf32> to vector<8x128xf32>
    %swap3A_751 = arith.constant 64 : index
    %swap3A_752 = arith.constant 256 : index
    %swap3A_753 = vector.load %arg7[%swap3A_751, %swap3A_752] : memref<200x2048xf32, #tpu.memory_space<vmem>>, vector<8x128xf32>
    tpu.vector_store %arg7[%swap3A_751, %swap3A_752], %slice3A_750 {strides = array<i32>} : memref<200x2048xf32, #tpu.memory_space<vmem>>, vector<8x128xf32>,
    %slice3A_754 = vector.extract_strided_slice %dot_general3A_741 {offsets = [24, 0], sizes = [8, 128], strides = [1, 1]} : vector<128x128xf32> to vector<8x128xf32>
    %swap3A_755 = arith.constant 64 : index
    %swap3A_756 = arith.constant 384 : index
    %swap3A_757 = vector.load %arg7[%swap3A_755, %swap3A_756] : memref<200x2048xf32, #tpu.memory_space<vmem>>, vector<8x128xf32>
    tpu.vector_store %arg7[%swap3A_755, %swap3A_756], %slice3A_754 {strides = array<i32>} : memref<200x2048xf32, #tpu.memory_space<vmem>>, vector<8x128xf32>,
    %slice3A_758 = vector.extract_strided_slice %dot_general3A_741 {offsets = [32, 0], sizes = [8, 128], strides = [1, 1]} : vector<128x128xf32> to vector<8x128xf32>
    %swap3A_759 = arith.constant 64 : index
    %swap3A_760 = arith.constant 512 : index
    %swap3A_761 = vector.load %arg7[%swap3A_759, %swap3A_760] : memref<200x2048xf32, #tpu.memory_space<vmem>>, vector<8x128xf32>
    tpu.vector_store %arg7[%swap3A_759, %swap3A_760], %slice3A_758 {strides = array<i32>} : memref<200x2048xf32, #tpu.memory_space<vmem>>, vector<8x128xf32>,
    %slice3A_762 = vector.extract_strided_slice %dot_general3A_741 {offsets = [40, 0], sizes = [8, 128], strides = [1, 1]} : vector<128x128xf32> to vector<8x128xf32>
    %swap3A_763 = arith.constant 64 : index
    %swap3A_764 = arith.constant 640 : index
    %swap3A_765 = vector.load %arg7[%swap3A_763, %swap3A_764] : memref<200x2048xf32, #tpu.memory_space<vmem>>, vector<8x128xf32>
    tpu.vector_store %arg7[%swap3A_763, %swap3A_764], %slice3A_762 {strides = array<i32>} : memref<200x2048xf32, #tpu.memory_space<vmem>>, vector<8x128xf32>,
    %slice3A_766 = vector.extract_strided_slice %dot_general3A_741 {offsets = [48, 0], sizes = [8, 128], strides = [1, 1]} : vector<128x128xf32> to vector<8x128xf32>
    %swap3A_767 = arith.constant 64 : index
    %swap3A_768 = arith.constant 768 : index
    %swap3A_769 = vector.load %arg7[%swap3A_767, %swap3A_768] : memref<200x2048xf32, #tpu.memory_space<vmem>>, vector<8x128xf32>
    tpu.vector_store %arg7[%swap3A_767, %swap3A_768], %slice3A_766 {strides = array<i32>} : memref<200x2048xf32, #tpu.memory_space<vmem>>, vector<8x128xf32>,
    %slice3A_770 = vector.extract_strided_slice %dot_general3A_741 {offsets = [56, 0], sizes = [8, 128], strides = [1, 1]} : vector<128x128xf32> to vector<8x128xf32>
    %swap3A_771 = arith.constant 64 : index
    %swap3A_772 = arith.constant 896 : index
    %swap3A_773 = vector.load %arg7[%swap3A_771, %swap3A_772] : memref<200x2048xf32, #tpu.memory_space<vmem>>, vector<8x128xf32>
    tpu.vector_store %arg7[%swap3A_771, %swap3A_772], %slice3A_770 {strides = array<i32>} : memref<200x2048xf32, #tpu.memory_space<vmem>>, vector<8x128xf32>,
    %slice3A_774 = vector.extract_strided_slice %dot_general3A_741 {offsets = [64, 0], sizes = [8, 128], strides = [1, 1]} : vector<128x128xf32> to vector<8x128xf32>
    %swap3A_775 = arith.constant 64 : index
    %swap3A_776 = arith.constant 1024 : index
    %swap3A_777 = vector.load %arg7[%swap3A_775, %swap3A_776] : memref<200x2048xf32, #tpu.memory_space<vmem>>, vector<8x128xf32>
    tpu.vector_store %arg7[%swap3A_775, %swap3A_776], %slice3A_774 {strides = array<i32>} : memref<200x2048xf32, #tpu.memory_space<vmem>>, vector<8x128xf32>,
    %slice3A_778 = vector.extract_strided_slice %dot_general3A_741 {offsets = [72, 0], sizes = [8, 128], strides = [1, 1]} : vector<128x128xf32> to vector<8x128xf32>
    %swap3A_779 = arith.constant 64 : index
    %swap3A_780 = arith.constant 1152 : index
    %swap3A_781 = vector.load %arg7[%swap3A_779, %swap3A_780] : memref<200x2048xf32, #tpu.memory_space<vmem>>, vector<8x128xf32>
    tpu.vector_store %arg7[%swap3A_779, %swap3A_780], %slice3A_778 {strides = array<i32>} : memref<200x2048xf32, #tpu.memory_space<vmem>>, vector<8x128xf32>,
    %slice3A_782 = vector.extract_strided_slice %dot_general3A_741 {offsets = [80, 0], sizes = [8, 128], strides = [1, 1]} : vector<128x128xf32> to vector<8x128xf32>
    %swap3A_783 = arith.constant 64 : index
    %swap3A_784 = arith.constant 1280 : index
    %swap3A_785 = vector.load %arg7[%swap3A_783, %swap3A_784] : memref<200x2048xf32, #tpu.memory_space<vmem>>, vector<8x128xf32>
    tpu.vector_store %arg7[%swap3A_783, %swap3A_784], %slice3A_782 {strides = array<i32>} : memref<200x2048xf32, #tpu.memory_space<vmem>>, vector<8x128xf32>,
    %slice3A_786 = vector.extract_strided_slice %dot_general3A_741 {offsets = [88, 0], sizes = [8, 128], strides = [1, 1]} : vector<128x128xf32> to vector<8x128xf32>
    %swap3A_787 = arith.constant 64 : index
    %swap3A_788 = arith.constant 1408 : index
    %swap3A_789 = vector.load %arg7[%swap3A_787, %swap3A_788] : memref<200x2048xf32, #tpu.memory_space<vmem>>, vector<8x128xf32>
    tpu.vector_store %arg7[%swap3A_787, %swap3A_788], %slice3A_786 {strides = array<i32>} : memref<200x2048xf32, #tpu.memory_space<vmem>>, vector<8x128xf32>,
    %slice3A_790 = vector.extract_strided_slice %dot_general3A_741 {offsets = [96, 0], sizes = [8, 128], strides = [1, 1]} : vector<128x128xf32> to vector<8x128xf32>
    %swap3A_791 = arith.constant 64 : index
    %swap3A_792 = arith.constant 1536 : index
    %swap3A_793 = vector.load %arg7[%swap3A_791, %swap3A_792] : memref<200x2048xf32, #tpu.memory_space<vmem>>, vector<8x128xf32>
    tpu.vector_store %arg7[%swap3A_791, %swap3A_792], %slice3A_790 {strides = array<i32>} : memref<200x2048xf32, #tpu.memory_space<vmem>>, vector<8x128xf32>,
    %slice3A_794 = vector.extract_strided_slice %dot_general3A_741 {offsets = [104, 0], sizes = [8, 128], strides = [1, 1]} : vector<128x128xf32> to vector<8x128xf32>
    %swap3A_795 = arith.constant 64 : index
    %swap3A_796 = arith.constant 1664 : index
    %swap3A_797 = vector.load %arg7[%swap3A_795, %swap3A_796] : memref<200x2048xf32, #tpu.memory_space<vmem>>, vector<8x128xf32>
    tpu.vector_store %arg7[%swap3A_795, %swap3A_796], %slice3A_794 {strides = array<i32>} : memref<200x2048xf32, #tpu.memory_space<vmem>>, vector<8x128xf32>,
    %slice3A_798 = vector.extract_strided_slice %dot_general3A_741 {offsets = [112, 0], sizes = [8, 128], strides = [1, 1]} : vector<128x128xf32> to vector<8x128xf32>
    %swap3A_799 = arith.constant 64 : index
    %swap3A_800 = arith.constant 1792 : index
    %swap3A_801 = vector.load %arg7[%swap3A_799, %swap3A_800] : memref<200x2048xf32, #tpu.memory_space<vmem>>, vector<8x128xf32>
    tpu.vector_store %arg7[%swap3A_799, %swap3A_800], %slice3A_798 {strides = array<i32>} : memref<200x2048xf32, #tpu.memory_space<vmem>>, vector<8x128xf32>,
    %slice3A_802 = vector.extract_strided_slice %dot_general3A_741 {offsets = [120, 0], sizes = [8, 128], strides = [1, 1]} : vector<128x128xf32> to vector<8x128xf32>
    %swap3A_803 = arith.constant 64 : index
    %swap3A_804 = arith.constant 1920 : index
    %swap3A_805 = vector.load %arg7[%swap3A_803, %swap3A_804] : memref<200x2048xf32, #tpu.memory_space<vmem>>, vector<8x128xf32>
    tpu.vector_store %arg7[%swap3A_803, %swap3A_804], %slice3A_802 {strides = array<i32>} : memref<200x2048xf32, #tpu.memory_space<vmem>>, vector<8x128xf32>,
    %slice3A_806 = vector.extract_strided_slice %select_n3A_70 {offsets = [0, 2304], sizes = [16, 256], strides = [1, 1]} : vector<16x6400xf32> to vector<16x256xf32>
    %broadcast_in_dim3A_807 = vector.shape_cast %slice3A_806 : vector<16x256xf32> to vector<16x1x256xf32>
    %broadcast_in_dim3A_808 = vector.shape_cast %broadcast_in_dim3A_807 : vector<16x1x256xf32> to vector<16x1x256xf32>
    %broadcast_in_dim3A_809 = vector.broadcast %broadcast_in_dim3A_808 : vector<16x1x256xf32> to vector<16x8x256xf32>
    %reshape3A_810 = vector.shape_cast %broadcast_in_dim3A_809 : vector<16x8x256xf32> to vector<128x256xf32>
    %jit3A_811 = arith.constant 0.000000e+00 : f32
    %broadcast_in_dim3A_812 = vector.broadcast %jit3A_811 : f32 to vector<128x256xf32>
    %select_n3A_813 = arith.select %eq3A_123, %reshape3A_810, %broadcast_in_dim3A_812 : vector<128x256xi1>, vector<128x256xf32>
    %convert_element_type3A_814 = arith.truncf %select_n3A_813 : vector<128x256xf32> to vector<128x256xbf16>
    %slice3A_815 = vector.extract_strided_slice %convert_element_type3A {offsets = [2304, 0], sizes = [256, 128], strides = [1, 1]} : vector<6400x128xbf16> to vector<256x128xbf16>
    %dot_general3A_816 = arith.constant dense<0.000000e+00> : vector<128x128xf32>
    %dot_general3A_817 = tpu.matmul %convert_element_type3A_814, %slice3A_815, %dot_general3A_816 {dimension_numbers = #tpu.dot_dimension_numbers<[1], [0], [0], [1], [0, 0, 1, 1], [], []>, transpose_lhs_hint = false} : vector<128x256xbf16>, vector<256x128xbf16>, vector<128x128xf32> -> vector<128x128xf32>
    %slice3A_818 = vector.extract_strided_slice %dot_general3A_817 {offsets = [0, 0], sizes = [8, 128], strides = [1, 1]} : vector<128x128xf32> to vector<8x128xf32>
    %swap3A_819 = arith.constant 72 : index
    %swap3A_820 = arith.constant 0 : index
    %swap3A_821 = vector.load %arg7[%swap3A_819, %swap3A_820] : memref<200x2048xf32, #tpu.memory_space<vmem>>, vector<8x128xf32>
    tpu.vector_store %arg7[%swap3A_819, %swap3A_820], %slice3A_818 {strides = array<i32>} : memref<200x2048xf32, #tpu.memory_space<vmem>>, vector<8x128xf32>,
    %slice3A_822 = vector.extract_strided_slice %dot_general3A_817 {offsets = [8, 0], sizes = [8, 128], strides = [1, 1]} : vector<128x128xf32> to vector<8x128xf32>
    %swap3A_823 = arith.constant 72 : index
    %swap3A_824 = arith.constant 128 : index
    %swap3A_825 = vector.load %arg7[%swap3A_823, %swap3A_824] : memref<200x2048xf32, #tpu.memory_space<vmem>>, vector<8x128xf32>
    tpu.vector_store %arg7[%swap3A_823, %swap3A_824], %slice3A_822 {strides = array<i32>} : memref<200x2048xf32, #tpu.memory_space<vmem>>, vector<8x128xf32>,
    %slice3A_826 = vector.extract_strided_slice %dot_general3A_817 {offsets = [16, 0], sizes = [8, 128], strides = [1, 1]} : vector<128x128xf32> to vector<8x128xf32>
    %swap3A_827 = arith.constant 72 : index
    %swap3A_828 = arith.constant 256 : index
    %swap3A_829 = vector.load %arg7[%swap3A_827, %swap3A_828] : memref<200x2048xf32, #tpu.memory_space<vmem>>, vector<8x128xf32>
    tpu.vector_store %arg7[%swap3A_827, %swap3A_828], %slice3A_826 {strides = array<i32>} : memref<200x2048xf32, #tpu.memory_space<vmem>>, vector<8x128xf32>,
    %slice3A_830 = vector.extract_strided_slice %dot_general3A_817 {offsets = [24, 0], sizes = [8, 128], strides = [1, 1]} : vector<128x128xf32> to vector<8x128xf32>
    %swap3A_831 = arith.constant 72 : index
    %swap3A_832 = arith.constant 384 : index
    %swap3A_833 = vector.load %arg7[%swap3A_831, %swap3A_832] : memref<200x2048xf32, #tpu.memory_space<vmem>>, vector<8x128xf32>
    tpu.vector_store %arg7[%swap3A_831, %swap3A_832], %slice3A_830 {strides = array<i32>} : memref<200x2048xf32, #tpu.memory_space<vmem>>, vector<8x128xf32>,
    %slice3A_834 = vector.extract_strided_slice %dot_general3A_817 {offsets = [32, 0], sizes = [8, 128], strides = [1, 1]} : vector<128x128xf32> to vector<8x128xf32>
    %swap3A_835 = arith.constant 72 : index
    %swap3A_836 = arith.constant 512 : index
    %swap3A_837 = vector.load %arg7[%swap3A_835, %swap3A_836] : memref<200x2048xf32, #tpu.memory_space<vmem>>, vector<8x128xf32>
    tpu.vector_store %arg7[%swap3A_835, %swap3A_836], %slice3A_834 {strides = array<i32>} : memref<200x2048xf32, #tpu.memory_space<vmem>>, vector<8x128xf32>,
    %slice3A_838 = vector.extract_strided_slice %dot_general3A_817 {offsets = [40, 0], sizes = [8, 128], strides = [1, 1]} : vector<128x128xf32> to vector<8x128xf32>
    %swap3A_839 = arith.constant 72 : index
    %swap3A_840 = arith.constant 640 : index
    %swap3A_841 = vector.load %arg7[%swap3A_839, %swap3A_840] : memref<200x2048xf32, #tpu.memory_space<vmem>>, vector<8x128xf32>
    tpu.vector_store %arg7[%swap3A_839, %swap3A_840], %slice3A_838 {strides = array<i32>} : memref<200x2048xf32, #tpu.memory_space<vmem>>, vector<8x128xf32>,
    %slice3A_842 = vector.extract_strided_slice %dot_general3A_817 {offsets = [48, 0], sizes = [8, 128], strides = [1, 1]} : vector<128x128xf32> to vector<8x128xf32>
    %swap3A_843 = arith.constant 72 : index
    %swap3A_844 = arith.constant 768 : index
    %swap3A_845 = vector.load %arg7[%swap3A_843, %swap3A_844] : memref<200x2048xf32, #tpu.memory_space<vmem>>, vector<8x128xf32>
    tpu.vector_store %arg7[%swap3A_843, %swap3A_844], %slice3A_842 {strides = array<i32>} : memref<200x2048xf32, #tpu.memory_space<vmem>>, vector<8x128xf32>,
    %slice3A_846 = vector.extract_strided_slice %dot_general3A_817 {offsets = [56, 0], sizes = [8, 128], strides = [1, 1]} : vector<128x128xf32> to vector<8x128xf32>
    %swap3A_847 = arith.constant 72 : index
    %swap3A_848 = arith.constant 896 : index
    %swap3A_849 = vector.load %arg7[%swap3A_847, %swap3A_848] : memref<200x2048xf32, #tpu.memory_space<vmem>>, vector<8x128xf32>
    tpu.vector_store %arg7[%swap3A_847, %swap3A_848], %slice3A_846 {strides = array<i32>} : memref<200x2048xf32, #tpu.memory_space<vmem>>, vector<8x128xf32>,
    %slice3A_850 = vector.extract_strided_slice %dot_general3A_817 {offsets = [64, 0], sizes = [8, 128], strides = [1, 1]} : vector<128x128xf32> to vector<8x128xf32>
    %swap3A_851 = arith.constant 72 : index
    %swap3A_852 = arith.constant 1024 : index
    %swap3A_853 = vector.load %arg7[%swap3A_851, %swap3A_852] : memref<200x2048xf32, #tpu.memory_space<vmem>>, vector<8x128xf32>
    tpu.vector_store %arg7[%swap3A_851, %swap3A_852], %slice3A_850 {strides = array<i32>} : memref<200x2048xf32, #tpu.memory_space<vmem>>, vector<8x128xf32>,
    %slice3A_854 = vector.extract_strided_slice %dot_general3A_817 {offsets = [72, 0], sizes = [8, 128], strides = [1, 1]} : vector<128x128xf32> to vector<8x128xf32>
    %swap3A_855 = arith.constant 72 : index
    %swap3A_856 = arith.constant 1152 : index
    %swap3A_857 = vector.load %arg7[%swap3A_855, %swap3A_856] : memref<200x2048xf32, #tpu.memory_space<vmem>>, vector<8x128xf32>
    tpu.vector_store %arg7[%swap3A_855, %swap3A_856], %slice3A_854 {strides = array<i32>} : memref<200x2048xf32, #tpu.memory_space<vmem>>, vector<8x128xf32>,
    %slice3A_858 = vector.extract_strided_slice %dot_general3A_817 {offsets = [80, 0], sizes = [8, 128], strides = [1, 1]} : vector<128x128xf32> to vector<8x128xf32>
    %swap3A_859 = arith.constant 72 : index
    %swap3A_860 = arith.constant 1280 : index
    %swap3A_861 = vector.load %arg7[%swap3A_859, %swap3A_860] : memref<200x2048xf32, #tpu.memory_space<vmem>>, vector<8x128xf32>
    tpu.vector_store %arg7[%swap3A_859, %swap3A_860], %slice3A_858 {strides = array<i32>} : memref<200x2048xf32, #tpu.memory_space<vmem>>, vector<8x128xf32>,
    %slice3A_862 = vector.extract_strided_slice %dot_general3A_817 {offsets = [88, 0], sizes = [8, 128], strides = [1, 1]} : vector<128x128xf32> to vector<8x128xf32>
    %swap3A_863 = arith.constant 72 : index
    %swap3A_864 = arith.constant 1408 : index
    %swap3A_865 = vector.load %arg7[%swap3A_863, %swap3A_864] : memref<200x2048xf32, #tpu.memory_space<vmem>>, vector<8x128xf32>
    tpu.vector_store %arg7[%swap3A_863, %swap3A_864], %slice3A_862 {strides = array<i32>} : memref<200x2048xf32, #tpu.memory_space<vmem>>, vector<8x128xf32>,
    %slice3A_866 = vector.extract_strided_slice %dot_general3A_817 {offsets = [96, 0], sizes = [8, 128], strides = [1, 1]} : vector<128x128xf32> to vector<8x128xf32>
    %swap3A_867 = arith.constant 72 : index
    %swap3A_868 = arith.constant 1536 : index
    %swap3A_869 = vector.load %arg7[%swap3A_867, %swap3A_868] : memref<200x2048xf32, #tpu.memory_space<vmem>>, vector<8x128xf32>
    tpu.vector_store %arg7[%swap3A_867, %swap3A_868], %slice3A_866 {strides = array<i32>} : memref<200x2048xf32, #tpu.memory_space<vmem>>, vector<8x128xf32>,
    %slice3A_870 = vector.extract_strided_slice %dot_general3A_817 {offsets = [104, 0], sizes = [8, 128], strides = [1, 1]} : vector<128x128xf32> to vector<8x128xf32>
    %swap3A_871 = arith.constant 72 : index
    %swap3A_872 = arith.constant 1664 : index
    %swap3A_873 = vector.load %arg7[%swap3A_871, %swap3A_872] : memref<200x2048xf32, #tpu.memory_space<vmem>>, vector<8x128xf32>
    tpu.vector_store %arg7[%swap3A_871, %swap3A_872], %slice3A_870 {strides = array<i32>} : memref<200x2048xf32, #tpu.memory_space<vmem>>, vector<8x128xf32>,
    %slice3A_874 = vector.extract_strided_slice %dot_general3A_817 {offsets = [112, 0], sizes = [8, 128], strides = [1, 1]} : vector<128x128xf32> to vector<8x128xf32>
    %swap3A_875 = arith.constant 72 : index
    %swap3A_876 = arith.constant 1792 : index
    %swap3A_877 = vector.load %arg7[%swap3A_875, %swap3A_876] : memref<200x2048xf32, #tpu.memory_space<vmem>>, vector<8x128xf32>
    tpu.vector_store %arg7[%swap3A_875, %swap3A_876], %slice3A_874 {strides = array<i32>} : memref<200x2048xf32, #tpu.memory_space<vmem>>, vector<8x128xf32>,
    %slice3A_878 = vector.extract_strided_slice %dot_general3A_817 {offsets = [120, 0], sizes = [8, 128], strides = [1, 1]} : vector<128x128xf32> to vector<8x128xf32>
    %swap3A_879 = arith.constant 72 : index
    %swap3A_880 = arith.constant 1920 : index
    %swap3A_881 = vector.load %arg7[%swap3A_879, %swap3A_880] : memref<200x2048xf32, #tpu.memory_space<vmem>>, vector<8x128xf32>
    tpu.vector_store %arg7[%swap3A_879, %swap3A_880], %slice3A_878 {strides = array<i32>} : memref<200x2048xf32, #tpu.memory_space<vmem>>, vector<8x128xf32>,
    %slice3A_882 = vector.extract_strided_slice %select_n3A_70 {offsets = [0, 2560], sizes = [16, 256], strides = [1, 1]} : vector<16x6400xf32> to vector<16x256xf32>
    %broadcast_in_dim3A_883 = vector.shape_cast %slice3A_882 : vector<16x256xf32> to vector<16x1x256xf32>
    %broadcast_in_dim3A_884 = vector.shape_cast %broadcast_in_dim3A_883 : vector<16x1x256xf32> to vector<16x1x256xf32>
    %broadcast_in_dim3A_885 = vector.broadcast %broadcast_in_dim3A_884 : vector<16x1x256xf32> to vector<16x8x256xf32>
    %reshape3A_886 = vector.shape_cast %broadcast_in_dim3A_885 : vector<16x8x256xf32> to vector<128x256xf32>
    %jit3A_887 = arith.constant 0.000000e+00 : f32
    %broadcast_in_dim3A_888 = vector.broadcast %jit3A_887 : f32 to vector<128x256xf32>
    %select_n3A_889 = arith.select %eq3A_123, %reshape3A_886, %broadcast_in_dim3A_888 : vector<128x256xi1>, vector<128x256xf32>
    %convert_element_type3A_890 = arith.truncf %select_n3A_889 : vector<128x256xf32> to vector<128x256xbf16>
    %slice3A_891 = vector.extract_strided_slice %convert_element_type3A {offsets = [2560, 0], sizes = [256, 128], strides = [1, 1]} : vector<6400x128xbf16> to vector<256x128xbf16>
    %dot_general3A_892 = arith.constant dense<0.000000e+00> : vector<128x128xf32>
    %dot_general3A_893 = tpu.matmul %convert_element_type3A_890, %slice3A_891, %dot_general3A_892 {dimension_numbers = #tpu.dot_dimension_numbers<[1], [0], [0], [1], [0, 0, 1, 1], [], []>, transpose_lhs_hint = false} : vector<128x256xbf16>, vector<256x128xbf16>, vector<128x128xf32> -> vector<128x128xf32>
    %slice3A_894 = vector.extract_strided_slice %dot_general3A_893 {offsets = [0, 0], sizes = [8, 128], strides = [1, 1]} : vector<128x128xf32> to vector<8x128xf32>
    %swap3A_895 = arith.constant 80 : index
    %swap3A_896 = arith.constant 0 : index
    %swap3A_897 = vector.load %arg7[%swap3A_895, %swap3A_896] : memref<200x2048xf32, #tpu.memory_space<vmem>>, vector<8x128xf32>
    tpu.vector_store %arg7[%swap3A_895, %swap3A_896], %slice3A_894 {strides = array<i32>} : memref<200x2048xf32, #tpu.memory_space<vmem>>, vector<8x128xf32>,
    %slice3A_898 = vector.extract_strided_slice %dot_general3A_893 {offsets = [8, 0], sizes = [8, 128], strides = [1, 1]} : vector<128x128xf32> to vector<8x128xf32>
    %swap3A_899 = arith.constant 80 : index
    %swap3A_900 = arith.constant 128 : index
    %swap3A_901 = vector.load %arg7[%swap3A_899, %swap3A_900] : memref<200x2048xf32, #tpu.memory_space<vmem>>, vector<8x128xf32>
    tpu.vector_store %arg7[%swap3A_899, %swap3A_900], %slice3A_898 {strides = array<i32>} : memref<200x2048xf32, #tpu.memory_space<vmem>>, vector<8x128xf32>,
    %slice3A_902 = vector.extract_strided_slice %dot_general3A_893 {offsets = [16, 0], sizes = [8, 128], strides = [1, 1]} : vector<128x128xf32> to vector<8x128xf32>
    %swap3A_903 = arith.constant 80 : index
    %swap3A_904 = arith.constant 256 : index
    %swap3A_905 = vector.load %arg7[%swap3A_903, %swap3A_904] : memref<200x2048xf32, #tpu.memory_space<vmem>>, vector<8x128xf32>
    tpu.vector_store %arg7[%swap3A_903, %swap3A_904], %slice3A_902 {strides = array<i32>} : memref<200x2048xf32, #tpu.memory_space<vmem>>, vector<8x128xf32>,
    %slice3A_906 = vector.extract_strided_slice %dot_general3A_893 {offsets = [24, 0], sizes = [8, 128], strides = [1, 1]} : vector<128x128xf32> to vector<8x128xf32>
    %swap3A_907 = arith.constant 80 : index
    %swap3A_908 = arith.constant 384 : index
    %swap3A_909 = vector.load %arg7[%swap3A_907, %swap3A_908] : memref<200x2048xf32, #tpu.memory_space<vmem>>, vector<8x128xf32>
    tpu.vector_store %arg7[%swap3A_907, %swap3A_908], %slice3A_906 {strides = array<i32>} : memref<200x2048xf32, #tpu.memory_space<vmem>>, vector<8x128xf32>,
    %slice3A_910 = vector.extract_strided_slice %dot_general3A_893 {offsets = [32, 0], sizes = [8, 128], strides = [1, 1]} : vector<128x128xf32> to vector<8x128xf32>
    %swap3A_911 = arith.constant 80 : index
    %swap3A_912 = arith.constant 512 : index
    %swap3A_913 = vector.load %arg7[%swap3A_911, %swap3A_912] : memref<200x2048xf32, #tpu.memory_space<vmem>>, vector<8x128xf32>
    tpu.vector_store %arg7[%swap3A_911, %swap3A_912], %slice3A_910 {strides = array<i32>} : memref<200x2048xf32, #tpu.memory_space<vmem>>, vector<8x128xf32>,
    %slice3A_914 = vector.extract_strided_slice %dot_general3A_893 {offsets = [40, 0], sizes = [8, 128], strides = [1, 1]} : vector<128x128xf32> to vector<8x128xf32>
    %swap3A_915 = arith.constant 80 : index
    %swap3A_916 = arith.constant 640 : index
    %swap3A_917 = vector.load %arg7[%swap3A_915, %swap3A_916] : memref<200x2048xf32, #tpu.memory_space<vmem>>, vector<8x128xf32>
    tpu.vector_store %arg7[%swap3A_915, %swap3A_916], %slice3A_914 {strides = array<i32>} : memref<200x2048xf32, #tpu.memory_space<vmem>>, vector<8x128xf32>,
    %slice3A_918 = vector.extract_strided_slice %dot_general3A_893 {offsets = [48, 0], sizes = [8, 128], strides = [1, 1]} : vector<128x128xf32> to vector<8x128xf32>
    %swap3A_919 = arith.constant 80 : index
    %swap3A_920 = arith.constant 768 : index
    %swap3A_921 = vector.load %arg7[%swap3A_919, %swap3A_920] : memref<200x2048xf32, #tpu.memory_space<vmem>>, vector<8x128xf32>
    tpu.vector_store %arg7[%swap3A_919, %swap3A_920], %slice3A_918 {strides = array<i32>} : memref<200x2048xf32, #tpu.memory_space<vmem>>, vector<8x128xf32>,
    %slice3A_922 = vector.extract_strided_slice %dot_general3A_893 {offsets = [56, 0], sizes = [8, 128], strides = [1, 1]} : vector<128x128xf32> to vector<8x128xf32>
    %swap3A_923 = arith.constant 80 : index
    %swap3A_924 = arith.constant 896 : index
    %swap3A_925 = vector.load %arg7[%swap3A_923, %swap3A_924] : memref<200x2048xf32, #tpu.memory_space<vmem>>, vector<8x128xf32>
    tpu.vector_store %arg7[%swap3A_923, %swap3A_924], %slice3A_922 {strides = array<i32>} : memref<200x2048xf32, #tpu.memory_space<vmem>>, vector<8x128xf32>,
    %slice3A_926 = vector.extract_strided_slice %dot_general3A_893 {offsets = [64, 0], sizes = [8, 128], strides = [1, 1]} : vector<128x128xf32> to vector<8x128xf32>
    %swap3A_927 = arith.constant 80 : index
    %swap3A_928 = arith.constant 1024 : index
    %swap3A_929 = vector.load %arg7[%swap3A_927, %swap3A_928] : memref<200x2048xf32, #tpu.memory_space<vmem>>, vector<8x128xf32>
    tpu.vector_store %arg7[%swap3A_927, %swap3A_928], %slice3A_926 {strides = array<i32>} : memref<200x2048xf32, #tpu.memory_space<vmem>>, vector<8x128xf32>,
    %slice3A_930 = vector.extract_strided_slice %dot_general3A_893 {offsets = [72, 0], sizes = [8, 128], strides = [1, 1]} : vector<128x128xf32> to vector<8x128xf32>
    %swap3A_931 = arith.constant 80 : index
    %swap3A_932 = arith.constant 1152 : index
    %swap3A_933 = vector.load %arg7[%swap3A_931, %swap3A_932] : memref<200x2048xf32, #tpu.memory_space<vmem>>, vector<8x128xf32>
    tpu.vector_store %arg7[%swap3A_931, %swap3A_932], %slice3A_930 {strides = array<i32>} : memref<200x2048xf32, #tpu.memory_space<vmem>>, vector<8x128xf32>,
    %slice3A_934 = vector.extract_strided_slice %dot_general3A_893 {offsets = [80, 0], sizes = [8, 128], strides = [1, 1]} : vector<128x128xf32> to vector<8x128xf32>
    %swap3A_935 = arith.constant 80 : index
    %swap3A_936 = arith.constant 1280 : index
    %swap3A_937 = vector.load %arg7[%swap3A_935, %swap3A_936] : memref<200x2048xf32, #tpu.memory_space<vmem>>, vector<8x128xf32>
    tpu.vector_store %arg7[%swap3A_935, %swap3A_936], %slice3A_934 {strides = array<i32>} : memref<200x2048xf32, #tpu.memory_space<vmem>>, vector<8x128xf32>,
    %slice3A_938 = vector.extract_strided_slice %dot_general3A_893 {offsets = [88, 0], sizes = [8, 128], strides = [1, 1]} : vector<128x128xf32> to vector<8x128xf32>
    %swap3A_939 = arith.constant 80 : index
    %swap3A_940 = arith.constant 1408 : index
    %swap3A_941 = vector.load %arg7[%swap3A_939, %swap3A_940] : memref<200x2048xf32, #tpu.memory_space<vmem>>, vector<8x128xf32>
    tpu.vector_store %arg7[%swap3A_939, %swap3A_940], %slice3A_938 {strides = array<i32>} : memref<200x2048xf32, #tpu.memory_space<vmem>>, vector<8x128xf32>,
    %slice3A_942 = vector.extract_strided_slice %dot_general3A_893 {offsets = [96, 0], sizes = [8, 128], strides = [1, 1]} : vector<128x128xf32> to vector<8x128xf32>
    %swap3A_943 = arith.constant 80 : index
    %swap3A_944 = arith.constant 1536 : index
    %swap3A_945 = vector.load %arg7[%swap3A_943, %swap3A_944] : memref<200x2048xf32, #tpu.memory_space<vmem>>, vector<8x128xf32>
    tpu.vector_store %arg7[%swap3A_943, %swap3A_944], %slice3A_942 {strides = array<i32>} : memref<200x2048xf32, #tpu.memory_space<vmem>>, vector<8x128xf32>,
    %slice3A_946 = vector.extract_strided_slice %dot_general3A_893 {offsets = [104, 0], sizes = [8, 128], strides = [1, 1]} : vector<128x128xf32> to vector<8x128xf32>
    %swap3A_947 = arith.constant 80 : index
    %swap3A_948 = arith.constant 1664 : index
    %swap3A_949 = vector.load %arg7[%swap3A_947, %swap3A_948] : memref<200x2048xf32, #tpu.memory_space<vmem>>, vector<8x128xf32>
    tpu.vector_store %arg7[%swap3A_947, %swap3A_948], %slice3A_946 {strides = array<i32>} : memref<200x2048xf32, #tpu.memory_space<vmem>>, vector<8x128xf32>,
    %slice3A_950 = vector.extract_strided_slice %dot_general3A_893 {offsets = [112, 0], sizes = [8, 128], strides = [1, 1]} : vector<128x128xf32> to vector<8x128xf32>
    %swap3A_951 = arith.constant 80 : index
    %swap3A_952 = arith.constant 1792 : index
    %swap3A_953 = vector.load %arg7[%swap3A_951, %swap3A_952] : memref<200x2048xf32, #tpu.memory_space<vmem>>, vector<8x128xf32>
    tpu.vector_store %arg7[%swap3A_951, %swap3A_952], %slice3A_950 {strides = array<i32>} : memref<200x2048xf32, #tpu.memory_space<vmem>>, vector<8x128xf32>,
    %slice3A_954 = vector.extract_strided_slice %dot_general3A_893 {offsets = [120, 0], sizes = [8, 128], strides = [1, 1]} : vector<128x128xf32> to vector<8x128xf32>
    %swap3A_955 = arith.constant 80 : index
    %swap3A_956 = arith.constant 1920 : index
    %swap3A_957 = vector.load %arg7[%swap3A_955, %swap3A_956] : memref<200x2048xf32, #tpu.memory_space<vmem>>, vector<8x128xf32>
    tpu.vector_store %arg7[%swap3A_955, %swap3A_956], %slice3A_954 {strides = array<i32>} : memref<200x2048xf32, #tpu.memory_space<vmem>>, vector<8x128xf32>,
    %slice3A_958 = vector.extract_strided_slice %select_n3A_70 {offsets = [0, 2816], sizes = [16, 256], strides = [1, 1]} : vector<16x6400xf32> to vector<16x256xf32>
    %broadcast_in_dim3A_959 = vector.shape_cast %slice3A_958 : vector<16x256xf32> to vector<16x1x256xf32>
    %broadcast_in_dim3A_960 = vector.shape_cast %broadcast_in_dim3A_959 : vector<16x1x256xf32> to vector<16x1x256xf32>
    %broadcast_in_dim3A_961 = vector.broadcast %broadcast_in_dim3A_960 : vector<16x1x256xf32> to vector<16x8x256xf32>
    %reshape3A_962 = vector.shape_cast %broadcast_in_dim3A_961 : vector<16x8x256xf32> to vector<128x256xf32>
    %jit3A_963 = arith.constant 0.000000e+00 : f32
    %broadcast_in_dim3A_964 = vector.broadcast %jit3A_963 : f32 to vector<128x256xf32>
    %select_n3A_965 = arith.select %eq3A_123, %reshape3A_962, %broadcast_in_dim3A_964 : vector<128x256xi1>, vector<128x256xf32>
    %convert_element_type3A_966 = arith.truncf %select_n3A_965 : vector<128x256xf32> to vector<128x256xbf16>
    %slice3A_967 = vector.extract_strided_slice %convert_element_type3A {offsets = [2816, 0], sizes = [256, 128], strides = [1, 1]} : vector<6400x128xbf16> to vector<256x128xbf16>
    %dot_general3A_968 = arith.constant dense<0.000000e+00> : vector<128x128xf32>
    %dot_general3A_969 = tpu.matmul %convert_element_type3A_966, %slice3A_967, %dot_general3A_968 {dimension_numbers = #tpu.dot_dimension_numbers<[1], [0], [0], [1], [0, 0, 1, 1], [], []>, transpose_lhs_hint = false} : vector<128x256xbf16>, vector<256x128xbf16>, vector<128x128xf32> -> vector<128x128xf32>
    %slice3A_970 = vector.extract_strided_slice %dot_general3A_969 {offsets = [0, 0], sizes = [8, 128], strides = [1, 1]} : vector<128x128xf32> to vector<8x128xf32>
    %swap3A_971 = arith.constant 88 : index
    %swap3A_972 = arith.constant 0 : index
    %swap3A_973 = vector.load %arg7[%swap3A_971, %swap3A_972] : memref<200x2048xf32, #tpu.memory_space<vmem>>, vector<8x128xf32>
    tpu.vector_store %arg7[%swap3A_971, %swap3A_972], %slice3A_970 {strides = array<i32>} : memref<200x2048xf32, #tpu.memory_space<vmem>>, vector<8x128xf32>,
    %slice3A_974 = vector.extract_strided_slice %dot_general3A_969 {offsets = [8, 0], sizes = [8, 128], strides = [1, 1]} : vector<128x128xf32> to vector<8x128xf32>
    %swap3A_975 = arith.constant 88 : index
    %swap3A_976 = arith.constant 128 : index
    %swap3A_977 = vector.load %arg7[%swap3A_975, %swap3A_976] : memref<200x2048xf32, #tpu.memory_space<vmem>>, vector<8x128xf32>
    tpu.vector_store %arg7[%swap3A_975, %swap3A_976], %slice3A_974 {strides = array<i32>} : memref<200x2048xf32, #tpu.memory_space<vmem>>, vector<8x128xf32>,
    %slice3A_978 = vector.extract_strided_slice %dot_general3A_969 {offsets = [16, 0], sizes = [8, 128], strides = [1, 1]} : vector<128x128xf32> to vector<8x128xf32>
    %swap3A_979 = arith.constant 88 : index
    %swap3A_980 = arith.constant 256 : index
    %swap3A_981 = vector.load %arg7[%swap3A_979, %swap3A_980] : memref<200x2048xf32, #tpu.memory_space<vmem>>, vector<8x128xf32>
    tpu.vector_store %arg7[%swap3A_979, %swap3A_980], %slice3A_978 {strides = array<i32>} : memref<200x2048xf32, #tpu.memory_space<vmem>>, vector<8x128xf32>,
    %slice3A_982 = vector.extract_strided_slice %dot_general3A_969 {offsets = [24, 0], sizes = [8, 128], strides = [1, 1]} : vector<128x128xf32> to vector<8x128xf32>
    %swap3A_983 = arith.constant 88 : index
    %swap3A_984 = arith.constant 384 : index
    %swap3A_985 = vector.load %arg7[%swap3A_983, %swap3A_984] : memref<200x2048xf32, #tpu.memory_space<vmem>>, vector<8x128xf32>
    tpu.vector_store %arg7[%swap3A_983, %swap3A_984], %slice3A_982 {strides = array<i32>} : memref<200x2048xf32, #tpu.memory_space<vmem>>, vector<8x128xf32>,
    %slice3A_986 = vector.extract_strided_slice %dot_general3A_969 {offsets = [32, 0], sizes = [8, 128], strides = [1, 1]} : vector<128x128xf32> to vector<8x128xf32>
    %swap3A_987 = arith.constant 88 : index
    %swap3A_988 = arith.constant 512 : index
    %swap3A_989 = vector.load %arg7[%swap3A_987, %swap3A_988] : memref<200x2048xf32, #tpu.memory_space<vmem>>, vector<8x128xf32>
    tpu.vector_store %arg7[%swap3A_987, %swap3A_988], %slice3A_986 {strides = array<i32>} : memref<200x2048xf32, #tpu.memory_space<vmem>>, vector<8x128xf32>,
    %slice3A_990 = vector.extract_strided_slice %dot_general3A_969 {offsets = [40, 0], sizes = [8, 128], strides = [1, 1]} : vector<128x128xf32> to vector<8x128xf32>
    %swap3A_991 = arith.constant 88 : index
    %swap3A_992 = arith.constant 640 : index
    %swap3A_993 = vector.load %arg7[%swap3A_991, %swap3A_992] : memref<200x2048xf32, #tpu.memory_space<vmem>>, vector<8x128xf32>
    tpu.vector_store %arg7[%swap3A_991, %swap3A_992], %slice3A_990 {strides = array<i32>} : memref<200x2048xf32, #tpu.memory_space<vmem>>, vector<8x128xf32>,
    %slice3A_994 = vector.extract_strided_slice %dot_general3A_969 {offsets = [48, 0], sizes = [8, 128], strides = [1, 1]} : vector<128x128xf32> to vector<8x128xf32>
    %swap3A_995 = arith.constant 88 : index
    %swap3A_996 = arith.constant 768 : index
    %swap3A_997 = vector.load %arg7[%swap3A_995, %swap3A_996] : memref<200x2048xf32, #tpu.memory_space<vmem>>, vector<8x128xf32>
    tpu.vector_store %arg7[%swap3A_995, %swap3A_996], %slice3A_994 {strides = array<i32>} : memref<200x2048xf32, #tpu.memory_space<vmem>>, vector<8x128xf32>,
    %slice3A_998 = vector.extract_strided_slice %dot_general3A_969 {offsets = [56, 0], sizes = [8, 128], strides = [1, 1]} : vector<128x128xf32> to vector<8x128xf32>
    %swap3A_999 = arith.constant 88 : index
    %swap3A_1000 = arith.constant 896 : index
    %swap3A_1001 = vector.load %arg7[%swap3A_999, %swap3A_1000] : memref<200x2048xf32, #tpu.memory_space<vmem>>, vector<8x128xf32>
    tpu.vector_store %arg7[%swap3A_999, %swap3A_1000], %slice3A_998 {strides = array<i32>} : memref<200x2048xf32, #tpu.memory_space<vmem>>, vector<8x128xf32>,
    %slice3A_1002 = vector.extract_strided_slice %dot_general3A_969 {offsets = [64, 0], sizes = [8, 128], strides = [1, 1]} : vector<128x128xf32> to vector<8x128xf32>
    %swap3A_1003 = arith.constant 88 : index
    %swap3A_1004 = arith.constant 1024 : index
    %swap3A_1005 = vector.load %arg7[%swap3A_1003, %swap3A_1004] : memref<200x2048xf32, #tpu.memory_space<vmem>>, vector<8x128xf32>
    tpu.vector_store %arg7[%swap3A_1003, %swap3A_1004], %slice3A_1002 {strides = array<i32>} : memref<200x2048xf32, #tpu.memory_space<vmem>>, vector<8x128xf32>,
    %slice3A_1006 = vector.extract_strided_slice %dot_general3A_969 {offsets = [72, 0], sizes = [8, 128], strides = [1, 1]} : vector<128x128xf32> to vector<8x128xf32>
    %swap3A_1007 = arith.constant 88 : index
    %swap3A_1008 = arith.constant 1152 : index
    %swap3A_1009 = vector.load %arg7[%swap3A_1007, %swap3A_1008] : memref<200x2048xf32, #tpu.memory_space<vmem>>, vector<8x128xf32>
    tpu.vector_store %arg7[%swap3A_1007, %swap3A_1008], %slice3A_1006 {strides = array<i32>} : memref<200x2048xf32, #tpu.memory_space<vmem>>, vector<8x128xf32>,
    %slice3A_1010 = vector.extract_strided_slice %dot_general3A_969 {offsets = [80, 0], sizes = [8, 128], strides = [1, 1]} : vector<128x128xf32> to vector<8x128xf32>
    %swap3A_1011 = arith.constant 88 : index
    %swap3A_1012 = arith.constant 1280 : index
    %swap3A_1013 = vector.load %arg7[%swap3A_1011, %swap3A_1012] : memref<200x2048xf32, #tpu.memory_space<vmem>>, vector<8x128xf32>
    tpu.vector_store %arg7[%swap3A_1011, %swap3A_1012], %slice3A_1010 {strides = array<i32>} : memref<200x2048xf32, #tpu.memory_space<vmem>>, vector<8x128xf32>,
    %slice3A_1014 = vector.extract_strided_slice %dot_general3A_969 {offsets = [88, 0], sizes = [8, 128], strides = [1, 1]} : vector<128x128xf32> to vector<8x128xf32>
    %swap3A_1015 = arith.constant 88 : index
    %swap3A_1016 = arith.constant 1408 : index
    %swap3A_1017 = vector.load %arg7[%swap3A_1015, %swap3A_1016] : memref<200x2048xf32, #tpu.memory_space<vmem>>, vector<8x128xf32>
    tpu.vector_store %arg7[%swap3A_1015, %swap3A_1016], %slice3A_1014 {strides = array<i32>} : memref<200x2048xf32, #tpu.memory_space<vmem>>, vector<8x128xf32>,
    %slice3A_1018 = vector.extract_strided_slice %dot_general3A_969 {offsets = [96, 0], sizes = [8, 128], strides = [1, 1]} : vector<128x128xf32> to vector<8x128xf32>
    %swap3A_1019 = arith.constant 88 : index
    %swap3A_1020 = arith.constant 1536 : index
    %swap3A_1021 = vector.load %arg7[%swap3A_1019, %swap3A_1020] : memref<200x2048xf32, #tpu.memory_space<vmem>>, vector<8x128xf32>
    tpu.vector_store %arg7[%swap3A_1019, %swap3A_1020], %slice3A_1018 {strides = array<i32>} : memref<200x2048xf32, #tpu.memory_space<vmem>>, vector<8x128xf32>,
    %slice3A_1022 = vector.extract_strided_slice %dot_general3A_969 {offsets = [104, 0], sizes = [8, 128], strides = [1, 1]} : vector<128x128xf32> to vector<8x128xf32>
    %swap3A_1023 = arith.constant 88 : index
    %swap3A_1024 = arith.constant 1664 : index
    %swap3A_1025 = vector.load %arg7[%swap3A_1023, %swap3A_1024] : memref<200x2048xf32, #tpu.memory_space<vmem>>, vector<8x128xf32>
    tpu.vector_store %arg7[%swap3A_1023, %swap3A_1024], %slice3A_1022 {strides = array<i32>} : memref<200x2048xf32, #tpu.memory_space<vmem>>, vector<8x128xf32>,
    %slice3A_1026 = vector.extract_strided_slice %dot_general3A_969 {offsets = [112, 0], sizes = [8, 128], strides = [1, 1]} : vector<128x128xf32> to vector<8x128xf32>
    %swap3A_1027 = arith.constant 88 : index
    %swap3A_1028 = arith.constant 1792 : index
    %swap3A_1029 = vector.load %arg7[%swap3A_1027, %swap3A_1028] : memref<200x2048xf32, #tpu.memory_space<vmem>>, vector<8x128xf32>
    tpu.vector_store %arg7[%swap3A_1027, %swap3A_1028], %slice3A_1026 {strides = array<i32>} : memref<200x2048xf32, #tpu.memory_space<vmem>>, vector<8x128xf32>,
    %slice3A_1030 = vector.extract_strided_slice %dot_general3A_969 {offsets = [120, 0], sizes = [8, 128], strides = [1, 1]} : vector<128x128xf32> to vector<8x128xf32>
    %swap3A_1031 = arith.constant 88 : index
    %swap3A_1032 = arith.constant 1920 : index
    %swap3A_1033 = vector.load %arg7[%swap3A_1031, %swap3A_1032] : memref<200x2048xf32, #tpu.memory_space<vmem>>, vector<8x128xf32>
    tpu.vector_store %arg7[%swap3A_1031, %swap3A_1032], %slice3A_1030 {strides = array<i32>} : memref<200x2048xf32, #tpu.memory_space<vmem>>, vector<8x128xf32>,
    %slice3A_1034 = vector.extract_strided_slice %select_n3A_70 {offsets = [0, 3072], sizes = [16, 256], strides = [1, 1]} : vector<16x6400xf32> to vector<16x256xf32>
    %broadcast_in_dim3A_1035 = vector.shape_cast %slice3A_1034 : vector<16x256xf32> to vector<16x1x256xf32>
    %broadcast_in_dim3A_1036 = vector.shape_cast %broadcast_in_dim3A_1035 : vector<16x1x256xf32> to vector<16x1x256xf32>
    %broadcast_in_dim3A_1037 = vector.broadcast %broadcast_in_dim3A_1036 : vector<16x1x256xf32> to vector<16x8x256xf32>
    %reshape3A_1038 = vector.shape_cast %broadcast_in_dim3A_1037 : vector<16x8x256xf32> to vector<128x256xf32>
    %jit3A_1039 = arith.constant 0.000000e+00 : f32
    %broadcast_in_dim3A_1040 = vector.broadcast %jit3A_1039 : f32 to vector<128x256xf32>
    %select_n3A_1041 = arith.select %eq3A_123, %reshape3A_1038, %broadcast_in_dim3A_1040 : vector<128x256xi1>, vector<128x256xf32>
    %convert_element_type3A_1042 = arith.truncf %select_n3A_1041 : vector<128x256xf32> to vector<128x256xbf16>
    %slice3A_1043 = vector.extract_strided_slice %convert_element_type3A {offsets = [3072, 0], sizes = [256, 128], strides = [1, 1]} : vector<6400x128xbf16> to vector<256x128xbf16>
    %dot_general3A_1044 = arith.constant dense<0.000000e+00> : vector<128x128xf32>
    %dot_general3A_1045 = tpu.matmul %convert_element_type3A_1042, %slice3A_1043, %dot_general3A_1044 {dimension_numbers = #tpu.dot_dimension_numbers<[1], [0], [0], [1], [0, 0, 1, 1], [], []>, transpose_lhs_hint = false} : vector<128x256xbf16>, vector<256x128xbf16>, vector<128x128xf32> -> vector<128x128xf32>
    %slice3A_1046 = vector.extract_strided_slice %dot_general3A_1045 {offsets = [0, 0], sizes = [8, 128], strides = [1, 1]} : vector<128x128xf32> to vector<8x128xf32>
    %swap3A_1047 = arith.constant 96 : index
    %swap3A_1048 = arith.constant 0 : index
    %swap3A_1049 = vector.load %arg7[%swap3A_1047, %swap3A_1048] : memref<200x2048xf32, #tpu.memory_space<vmem>>, vector<8x128xf32>
    tpu.vector_store %arg7[%swap3A_1047, %swap3A_1048], %slice3A_1046 {strides = array<i32>} : memref<200x2048xf32, #tpu.memory_space<vmem>>, vector<8x128xf32>,
    %slice3A_1050 = vector.extract_strided_slice %dot_general3A_1045 {offsets = [8, 0], sizes = [8, 128], strides = [1, 1]} : vector<128x128xf32> to vector<8x128xf32>
    %swap3A_1051 = arith.constant 96 : index
    %swap3A_1052 = arith.constant 128 : index
    %swap3A_1053 = vector.load %arg7[%swap3A_1051, %swap3A_1052] : memref<200x2048xf32, #tpu.memory_space<vmem>>, vector<8x128xf32>
    tpu.vector_store %arg7[%swap3A_1051, %swap3A_1052], %slice3A_1050 {strides = array<i32>} : memref<200x2048xf32, #tpu.memory_space<vmem>>, vector<8x128xf32>,
    %slice3A_1054 = vector.extract_strided_slice %dot_general3A_1045 {offsets = [16, 0], sizes = [8, 128], strides = [1, 1]} : vector<128x128xf32> to vector<8x128xf32>
    %swap3A_1055 = arith.constant 96 : index
    %swap3A_1056 = arith.constant 256 : index
    %swap3A_1057 = vector.load %arg7[%swap3A_1055, %swap3A_1056] : memref<200x2048xf32, #tpu.memory_space<vmem>>, vector<8x128xf32>
    tpu.vector_store %arg7[%swap3A_1055, %swap3A_1056], %slice3A_1054 {strides = array<i32>} : memref<200x2048xf32, #tpu.memory_space<vmem>>, vector<8x128xf32>,
    %slice3A_1058 = vector.extract_strided_slice %dot_general3A_1045 {offsets = [24, 0], sizes = [8, 128], strides = [1, 1]} : vector<128x128xf32> to vector<8x128xf32>
    %swap3A_1059 = arith.constant 96 : index
    %swap3A_1060 = arith.constant 384 : index
    %swap3A_1061 = vector.load %arg7[%swap3A_1059, %swap3A_1060] : memref<200x2048xf32, #tpu.memory_space<vmem>>, vector<8x128xf32>
    tpu.vector_store %arg7[%swap3A_1059, %swap3A_1060], %slice3A_1058 {strides = array<i32>} : memref<200x2048xf32, #tpu.memory_space<vmem>>, vector<8x128xf32>,
    %slice3A_1062 = vector.extract_strided_slice %dot_general3A_1045 {offsets = [32, 0], sizes = [8, 128], strides = [1, 1]} : vector<128x128xf32> to vector<8x128xf32>
    %swap3A_1063 = arith.constant 96 : index
    %swap3A_1064 = arith.constant 512 : index
    %swap3A_1065 = vector.load %arg7[%swap3A_1063, %swap3A_1064] : memref<200x2048xf32, #tpu.memory_space<vmem>>, vector<8x128xf32>
    tpu.vector_store %arg7[%swap3A_1063, %swap3A_1064], %slice3A_1062 {strides = array<i32>} : memref<200x2048xf32, #tpu.memory_space<vmem>>, vector<8x128xf32>,
    %slice3A_1066 = vector.extract_strided_slice %dot_general3A_1045 {offsets = [40, 0], sizes = [8, 128], strides = [1, 1]} : vector<128x128xf32> to vector<8x128xf32>
    %swap3A_1067 = arith.constant 96 : index
    %swap3A_1068 = arith.constant 640 : index
    %swap3A_1069 = vector.load %arg7[%swap3A_1067, %swap3A_1068] : memref<200x2048xf32, #tpu.memory_space<vmem>>, vector<8x128xf32>
    tpu.vector_store %arg7[%swap3A_1067, %swap3A_1068], %slice3A_1066 {strides = array<i32>} : memref<200x2048xf32, #tpu.memory_space<vmem>>, vector<8x128xf32>,
    %slice3A_1070 = vector.extract_strided_slice %dot_general3A_1045 {offsets = [48, 0], sizes = [8, 128], strides = [1, 1]} : vector<128x128xf32> to vector<8x128xf32>
    %swap3A_1071 = arith.constant 96 : index
    %swap3A_1072 = arith.constant 768 : index
    %swap3A_1073 = vector.load %arg7[%swap3A_1071, %swap3A_1072] : memref<200x2048xf32, #tpu.memory_space<vmem>>, vector<8x128xf32>
    tpu.vector_store %arg7[%swap3A_1071, %swap3A_1072], %slice3A_1070 {strides = array<i32>} : memref<200x2048xf32, #tpu.memory_space<vmem>>, vector<8x128xf32>,
    %slice3A_1074 = vector.extract_strided_slice %dot_general3A_1045 {offsets = [56, 0], sizes = [8, 128], strides = [1, 1]} : vector<128x128xf32> to vector<8x128xf32>
    %swap3A_1075 = arith.constant 96 : index
    %swap3A_1076 = arith.constant 896 : index
    %swap3A_1077 = vector.load %arg7[%swap3A_1075, %swap3A_1076] : memref<200x2048xf32, #tpu.memory_space<vmem>>, vector<8x128xf32>
    tpu.vector_store %arg7[%swap3A_1075, %swap3A_1076], %slice3A_1074 {strides = array<i32>} : memref<200x2048xf32, #tpu.memory_space<vmem>>, vector<8x128xf32>,
    %slice3A_1078 = vector.extract_strided_slice %dot_general3A_1045 {offsets = [64, 0], sizes = [8, 128], strides = [1, 1]} : vector<128x128xf32> to vector<8x128xf32>
    %swap3A_1079 = arith.constant 96 : index
    %swap3A_1080 = arith.constant 1024 : index
    %swap3A_1081 = vector.load %arg7[%swap3A_1079, %swap3A_1080] : memref<200x2048xf32, #tpu.memory_space<vmem>>, vector<8x128xf32>
    tpu.vector_store %arg7[%swap3A_1079, %swap3A_1080], %slice3A_1078 {strides = array<i32>} : memref<200x2048xf32, #tpu.memory_space<vmem>>, vector<8x128xf32>,
    %slice3A_1082 = vector.extract_strided_slice %dot_general3A_1045 {offsets = [72, 0], sizes = [8, 128], strides = [1, 1]} : vector<128x128xf32> to vector<8x128xf32>
    %swap3A_1083 = arith.constant 96 : index
    %swap3A_1084 = arith.constant 1152 : index
    %swap3A_1085 = vector.load %arg7[%swap3A_1083, %swap3A_1084] : memref<200x2048xf32, #tpu.memory_space<vmem>>, vector<8x128xf32>
    tpu.vector_store %arg7[%swap3A_1083, %swap3A_1084], %slice3A_1082 {strides = array<i32>} : memref<200x2048xf32, #tpu.memory_space<vmem>>, vector<8x128xf32>,
    %slice3A_1086 = vector.extract_strided_slice %dot_general3A_1045 {offsets = [80, 0], sizes = [8, 128], strides = [1, 1]} : vector<128x128xf32> to vector<8x128xf32>
    %swap3A_1087 = arith.constant 96 : index
    %swap3A_1088 = arith.constant 1280 : index
    %swap3A_1089 = vector.load %arg7[%swap3A_1087, %swap3A_1088] : memref<200x2048xf32, #tpu.memory_space<vmem>>, vector<8x128xf32>
    tpu.vector_store %arg7[%swap3A_1087, %swap3A_1088], %slice3A_1086 {strides = array<i32>} : memref<200x2048xf32, #tpu.memory_space<vmem>>, vector<8x128xf32>,
    %slice3A_1090 = vector.extract_strided_slice %dot_general3A_1045 {offsets = [88, 0], sizes = [8, 128], strides = [1, 1]} : vector<128x128xf32> to vector<8x128xf32>
    %swap3A_1091 = arith.constant 96 : index
    %swap3A_1092 = arith.constant 1408 : index
    %swap3A_1093 = vector.load %arg7[%swap3A_1091, %swap3A_1092] : memref<200x2048xf32, #tpu.memory_space<vmem>>, vector<8x128xf32>
    tpu.vector_store %arg7[%swap3A_1091, %swap3A_1092], %slice3A_1090 {strides = array<i32>} : memref<200x2048xf32, #tpu.memory_space<vmem>>, vector<8x128xf32>,
    %slice3A_1094 = vector.extract_strided_slice %dot_general3A_1045 {offsets = [96, 0], sizes = [8, 128], strides = [1, 1]} : vector<128x128xf32> to vector<8x128xf32>
    %swap3A_1095 = arith.constant 96 : index
    %swap3A_1096 = arith.constant 1536 : index
    %swap3A_1097 = vector.load %arg7[%swap3A_1095, %swap3A_1096] : memref<200x2048xf32, #tpu.memory_space<vmem>>, vector<8x128xf32>
    tpu.vector_store %arg7[%swap3A_1095, %swap3A_1096], %slice3A_1094 {strides = array<i32>} : memref<200x2048xf32, #tpu.memory_space<vmem>>, vector<8x128xf32>,
    %slice3A_1098 = vector.extract_strided_slice %dot_general3A_1045 {offsets = [104, 0], sizes = [8, 128], strides = [1, 1]} : vector<128x128xf32> to vector<8x128xf32>
    %swap3A_1099 = arith.constant 96 : index
    %swap3A_1100 = arith.constant 1664 : index
    %swap3A_1101 = vector.load %arg7[%swap3A_1099, %swap3A_1100] : memref<200x2048xf32, #tpu.memory_space<vmem>>, vector<8x128xf32>
    tpu.vector_store %arg7[%swap3A_1099, %swap3A_1100], %slice3A_1098 {strides = array<i32>} : memref<200x2048xf32, #tpu.memory_space<vmem>>, vector<8x128xf32>,
    %slice3A_1102 = vector.extract_strided_slice %dot_general3A_1045 {offsets = [112, 0], sizes = [8, 128], strides = [1, 1]} : vector<128x128xf32> to vector<8x128xf32>
    %swap3A_1103 = arith.constant 96 : index
    %swap3A_1104 = arith.constant 1792 : index
    %swap3A_1105 = vector.load %arg7[%swap3A_1103, %swap3A_1104] : memref<200x2048xf32, #tpu.memory_space<vmem>>, vector<8x128xf32>
    tpu.vector_store %arg7[%swap3A_1103, %swap3A_1104], %slice3A_1102 {strides = array<i32>} : memref<200x2048xf32, #tpu.memory_space<vmem>>, vector<8x128xf32>,
    %slice3A_1106 = vector.extract_strided_slice %dot_general3A_1045 {offsets = [120, 0], sizes = [8, 128], strides = [1, 1]} : vector<128x128xf32> to vector<8x128xf32>
    %swap3A_1107 = arith.constant 96 : index
    %swap3A_1108 = arith.constant 1920 : index
    %swap3A_1109 = vector.load %arg7[%swap3A_1107, %swap3A_1108] : memref<200x2048xf32, #tpu.memory_space<vmem>>, vector<8x128xf32>
    tpu.vector_store %arg7[%swap3A_1107, %swap3A_1108], %slice3A_1106 {strides = array<i32>} : memref<200x2048xf32, #tpu.memory_space<vmem>>, vector<8x128xf32>,
    %slice3A_1110 = vector.extract_strided_slice %select_n3A_70 {offsets = [0, 3328], sizes = [16, 256], strides = [1, 1]} : vector<16x6400xf32> to vector<16x256xf32>
    %broadcast_in_dim3A_1111 = vector.shape_cast %slice3A_1110 : vector<16x256xf32> to vector<16x1x256xf32>
    %broadcast_in_dim3A_1112 = vector.shape_cast %broadcast_in_dim3A_1111 : vector<16x1x256xf32> to vector<16x1x256xf32>
    %broadcast_in_dim3A_1113 = vector.broadcast %broadcast_in_dim3A_1112 : vector<16x1x256xf32> to vector<16x8x256xf32>
    %reshape3A_1114 = vector.shape_cast %broadcast_in_dim3A_1113 : vector<16x8x256xf32> to vector<128x256xf32>
    %jit3A_1115 = arith.constant 0.000000e+00 : f32
    %broadcast_in_dim3A_1116 = vector.broadcast %jit3A_1115 : f32 to vector<128x256xf32>
    %select_n3A_1117 = arith.select %eq3A_123, %reshape3A_1114, %broadcast_in_dim3A_1116 : vector<128x256xi1>, vector<128x256xf32>
    %convert_element_type3A_1118 = arith.truncf %select_n3A_1117 : vector<128x256xf32> to vector<128x256xbf16>
    %slice3A_1119 = vector.extract_strided_slice %convert_element_type3A {offsets = [3328, 0], sizes = [256, 128], strides = [1, 1]} : vector<6400x128xbf16> to vector<256x128xbf16>
    %dot_general3A_1120 = arith.constant dense<0.000000e+00> : vector<128x128xf32>
    %dot_general3A_1121 = tpu.matmul %convert_element_type3A_1118, %slice3A_1119, %dot_general3A_1120 {dimension_numbers = #tpu.dot_dimension_numbers<[1], [0], [0], [1], [0, 0, 1, 1], [], []>, transpose_lhs_hint = false} : vector<128x256xbf16>, vector<256x128xbf16>, vector<128x128xf32> -> vector<128x128xf32>
    %slice3A_1122 = vector.extract_strided_slice %dot_general3A_1121 {offsets = [0, 0], sizes = [8, 128], strides = [1, 1]} : vector<128x128xf32> to vector<8x128xf32>
    %swap3A_1123 = arith.constant 104 : index
    %swap3A_1124 = arith.constant 0 : index
    %swap3A_1125 = vector.load %arg7[%swap3A_1123, %swap3A_1124] : memref<200x2048xf32, #tpu.memory_space<vmem>>, vector<8x128xf32>
    tpu.vector_store %arg7[%swap3A_1123, %swap3A_1124], %slice3A_1122 {strides = array<i32>} : memref<200x2048xf32, #tpu.memory_space<vmem>>, vector<8x128xf32>,
    %slice3A_1126 = vector.extract_strided_slice %dot_general3A_1121 {offsets = [8, 0], sizes = [8, 128], strides = [1, 1]} : vector<128x128xf32> to vector<8x128xf32>
    %swap3A_1127 = arith.constant 104 : index
    %swap3A_1128 = arith.constant 128 : index
    %swap3A_1129 = vector.load %arg7[%swap3A_1127, %swap3A_1128] : memref<200x2048xf32, #tpu.memory_space<vmem>>, vector<8x128xf32>
    tpu.vector_store %arg7[%swap3A_1127, %swap3A_1128], %slice3A_1126 {strides = array<i32>} : memref<200x2048xf32, #tpu.memory_space<vmem>>, vector<8x128xf32>,
    %slice3A_1130 = vector.extract_strided_slice %dot_general3A_1121 {offsets = [16, 0], sizes = [8, 128], strides = [1, 1]} : vector<128x128xf32> to vector<8x128xf32>
    %swap3A_1131 = arith.constant 104 : index
    %swap3A_1132 = arith.constant 256 : index
    %swap3A_1133 = vector.load %arg7[%swap3A_1131, %swap3A_1132] : memref<200x2048xf32, #tpu.memory_space<vmem>>, vector<8x128xf32>
    tpu.vector_store %arg7[%swap3A_1131, %swap3A_1132], %slice3A_1130 {strides = array<i32>} : memref<200x2048xf32, #tpu.memory_space<vmem>>, vector<8x128xf32>,
    %slice3A_1134 = vector.extract_strided_slice %dot_general3A_1121 {offsets = [24, 0], sizes = [8, 128], strides = [1, 1]} : vector<128x128xf32> to vector<8x128xf32>
    %swap3A_1135 = arith.constant 104 : index
    %swap3A_1136 = arith.constant 384 : index
    %swap3A_1137 = vector.load %arg7[%swap3A_1135, %swap3A_1136] : memref<200x2048xf32, #tpu.memory_space<vmem>>, vector<8x128xf32>
    tpu.vector_store %arg7[%swap3A_1135, %swap3A_1136], %slice3A_1134 {strides = array<i32>} : memref<200x2048xf32, #tpu.memory_space<vmem>>, vector<8x128xf32>,
    %slice3A_1138 = vector.extract_strided_slice %dot_general3A_1121 {offsets = [32, 0], sizes = [8, 128], strides = [1, 1]} : vector<128x128xf32> to vector<8x128xf32>
    %swap3A_1139 = arith.constant 104 : index
    %swap3A_1140 = arith.constant 512 : index
    %swap3A_1141 = vector.load %arg7[%swap3A_1139, %swap3A_1140] : memref<200x2048xf32, #tpu.memory_space<vmem>>, vector<8x128xf32>
    tpu.vector_store %arg7[%swap3A_1139, %swap3A_1140], %slice3A_1138 {strides = array<i32>} : memref<200x2048xf32, #tpu.memory_space<vmem>>, vector<8x128xf32>,
    %slice3A_1142 = vector.extract_strided_slice %dot_general3A_1121 {offsets = [40, 0], sizes = [8, 128], strides = [1, 1]} : vector<128x128xf32> to vector<8x128xf32>
    %swap3A_1143 = arith.constant 104 : index
    %swap3A_1144 = arith.constant 640 : index
    %swap3A_1145 = vector.load %arg7[%swap3A_1143, %swap3A_1144] : memref<200x2048xf32, #tpu.memory_space<vmem>>, vector<8x128xf32>
    tpu.vector_store %arg7[%swap3A_1143, %swap3A_1144], %slice3A_1142 {strides = array<i32>} : memref<200x2048xf32, #tpu.memory_space<vmem>>, vector<8x128xf32>,
    %slice3A_1146 = vector.extract_strided_slice %dot_general3A_1121 {offsets = [48, 0], sizes = [8, 128], strides = [1, 1]} : vector<128x128xf32> to vector<8x128xf32>
    %swap3A_1147 = arith.constant 104 : index
    %swap3A_1148 = arith.constant 768 : index
    %swap3A_1149 = vector.load %arg7[%swap3A_1147, %swap3A_1148] : memref<200x2048xf32, #tpu.memory_space<vmem>>, vector<8x128xf32>
    tpu.vector_store %arg7[%swap3A_1147, %swap3A_1148], %slice3A_1146 {strides = array<i32>} : memref<200x2048xf32, #tpu.memory_space<vmem>>, vector<8x128xf32>,
    %slice3A_1150 = vector.extract_strided_slice %dot_general3A_1121 {offsets = [56, 0], sizes = [8, 128], strides = [1, 1]} : vector<128x128xf32> to vector<8x128xf32>
    %swap3A_1151 = arith.constant 104 : index
    %swap3A_1152 = arith.constant 896 : index
    %swap3A_1153 = vector.load %arg7[%swap3A_1151, %swap3A_1152] : memref<200x2048xf32, #tpu.memory_space<vmem>>, vector<8x128xf32>
    tpu.vector_store %arg7[%swap3A_1151, %swap3A_1152], %slice3A_1150 {strides = array<i32>} : memref<200x2048xf32, #tpu.memory_space<vmem>>, vector<8x128xf32>,
    %slice3A_1154 = vector.extract_strided_slice %dot_general3A_1121 {offsets = [64, 0], sizes = [8, 128], strides = [1, 1]} : vector<128x128xf32> to vector<8x128xf32>
    %swap3A_1155 = arith.constant 104 : index
    %swap3A_1156 = arith.constant 1024 : index
    %swap3A_1157 = vector.load %arg7[%swap3A_1155, %swap3A_1156] : memref<200x2048xf32, #tpu.memory_space<vmem>>, vector<8x128xf32>
    tpu.vector_store %arg7[%swap3A_1155, %swap3A_1156], %slice3A_1154 {strides = array<i32>} : memref<200x2048xf32, #tpu.memory_space<vmem>>, vector<8x128xf32>,
    %slice3A_1158 = vector.extract_strided_slice %dot_general3A_1121 {offsets = [72, 0], sizes = [8, 128], strides = [1, 1]} : vector<128x128xf32> to vector<8x128xf32>
    %swap3A_1159 = arith.constant 104 : index
    %swap3A_1160 = arith.constant 1152 : index
    %swap3A_1161 = vector.load %arg7[%swap3A_1159, %swap3A_1160] : memref<200x2048xf32, #tpu.memory_space<vmem>>, vector<8x128xf32>
    tpu.vector_store %arg7[%swap3A_1159, %swap3A_1160], %slice3A_1158 {strides = array<i32>} : memref<200x2048xf32, #tpu.memory_space<vmem>>, vector<8x128xf32>,
    %slice3A_1162 = vector.extract_strided_slice %dot_general3A_1121 {offsets = [80, 0], sizes = [8, 128], strides = [1, 1]} : vector<128x128xf32> to vector<8x128xf32>
    %swap3A_1163 = arith.constant 104 : index
    %swap3A_1164 = arith.constant 1280 : index
    %swap3A_1165 = vector.load %arg7[%swap3A_1163, %swap3A_1164] : memref<200x2048xf32, #tpu.memory_space<vmem>>, vector<8x128xf32>
    tpu.vector_store %arg7[%swap3A_1163, %swap3A_1164], %slice3A_1162 {strides = array<i32>} : memref<200x2048xf32, #tpu.memory_space<vmem>>, vector<8x128xf32>,
    %slice3A_1166 = vector.extract_strided_slice %dot_general3A_1121 {offsets = [88, 0], sizes = [8, 128], strides = [1, 1]} : vector<128x128xf32> to vector<8x128xf32>
    %swap3A_1167 = arith.constant 104 : index
    %swap3A_1168 = arith.constant 1408 : index
    %swap3A_1169 = vector.load %arg7[%swap3A_1167, %swap3A_1168] : memref<200x2048xf32, #tpu.memory_space<vmem>>, vector<8x128xf32>
    tpu.vector_store %arg7[%swap3A_1167, %swap3A_1168], %slice3A_1166 {strides = array<i32>} : memref<200x2048xf32, #tpu.memory_space<vmem>>, vector<8x128xf32>,
    %slice3A_1170 = vector.extract_strided_slice %dot_general3A_1121 {offsets = [96, 0], sizes = [8, 128], strides = [1, 1]} : vector<128x128xf32> to vector<8x128xf32>
    %swap3A_1171 = arith.constant 104 : index
    %swap3A_1172 = arith.constant 1536 : index
    %swap3A_1173 = vector.load %arg7[%swap3A_1171, %swap3A_1172] : memref<200x2048xf32, #tpu.memory_space<vmem>>, vector<8x128xf32>
    tpu.vector_store %arg7[%swap3A_1171, %swap3A_1172], %slice3A_1170 {strides = array<i32>} : memref<200x2048xf32, #tpu.memory_space<vmem>>, vector<8x128xf32>,
    %slice3A_1174 = vector.extract_strided_slice %dot_general3A_1121 {offsets = [104, 0], sizes = [8, 128], strides = [1, 1]} : vector<128x128xf32> to vector<8x128xf32>
    %swap3A_1175 = arith.constant 104 : index
    %swap3A_1176 = arith.constant 1664 : index
    %swap3A_1177 = vector.load %arg7[%swap3A_1175, %swap3A_1176] : memref<200x2048xf32, #tpu.memory_space<vmem>>, vector<8x128xf32>
    tpu.vector_store %arg7[%swap3A_1175, %swap3A_1176], %slice3A_1174 {strides = array<i32>} : memref<200x2048xf32, #tpu.memory_space<vmem>>, vector<8x128xf32>,
    %slice3A_1178 = vector.extract_strided_slice %dot_general3A_1121 {offsets = [112, 0], sizes = [8, 128], strides = [1, 1]} : vector<128x128xf32> to vector<8x128xf32>
    %swap3A_1179 = arith.constant 104 : index
    %swap3A_1180 = arith.constant 1792 : index
    %swap3A_1181 = vector.load %arg7[%swap3A_1179, %swap3A_1180] : memref<200x2048xf32, #tpu.memory_space<vmem>>, vector<8x128xf32>
    tpu.vector_store %arg7[%swap3A_1179, %swap3A_1180], %slice3A_1178 {strides = array<i32>} : memref<200x2048xf32, #tpu.memory_space<vmem>>, vector<8x128xf32>,
    %slice3A_1182 = vector.extract_strided_slice %dot_general3A_1121 {offsets = [120, 0], sizes = [8, 128], strides = [1, 1]} : vector<128x128xf32> to vector<8x128xf32>
    %swap3A_1183 = arith.constant 104 : index
    %swap3A_1184 = arith.constant 1920 : index
    %swap3A_1185 = vector.load %arg7[%swap3A_1183, %swap3A_1184] : memref<200x2048xf32, #tpu.memory_space<vmem>>, vector<8x128xf32>
    tpu.vector_store %arg7[%swap3A_1183, %swap3A_1184], %slice3A_1182 {strides = array<i32>} : memref<200x2048xf32, #tpu.memory_space<vmem>>, vector<8x128xf32>,
    %slice3A_1186 = vector.extract_strided_slice %select_n3A_70 {offsets = [0, 3584], sizes = [16, 256], strides = [1, 1]} : vector<16x6400xf32> to vector<16x256xf32>
    %broadcast_in_dim3A_1187 = vector.shape_cast %slice3A_1186 : vector<16x256xf32> to vector<16x1x256xf32>
    %broadcast_in_dim3A_1188 = vector.shape_cast %broadcast_in_dim3A_1187 : vector<16x1x256xf32> to vector<16x1x256xf32>
    %broadcast_in_dim3A_1189 = vector.broadcast %broadcast_in_dim3A_1188 : vector<16x1x256xf32> to vector<16x8x256xf32>
    %reshape3A_1190 = vector.shape_cast %broadcast_in_dim3A_1189 : vector<16x8x256xf32> to vector<128x256xf32>
    %jit3A_1191 = arith.constant 0.000000e+00 : f32
    %broadcast_in_dim3A_1192 = vector.broadcast %jit3A_1191 : f32 to vector<128x256xf32>
    %select_n3A_1193 = arith.select %eq3A_123, %reshape3A_1190, %broadcast_in_dim3A_1192 : vector<128x256xi1>, vector<128x256xf32>
    %convert_element_type3A_1194 = arith.truncf %select_n3A_1193 : vector<128x256xf32> to vector<128x256xbf16>
    %slice3A_1195 = vector.extract_strided_slice %convert_element_type3A {offsets = [3584, 0], sizes = [256, 128], strides = [1, 1]} : vector<6400x128xbf16> to vector<256x128xbf16>
    %dot_general3A_1196 = arith.constant dense<0.000000e+00> : vector<128x128xf32>
    %dot_general3A_1197 = tpu.matmul %convert_element_type3A_1194, %slice3A_1195, %dot_general3A_1196 {dimension_numbers = #tpu.dot_dimension_numbers<[1], [0], [0], [1], [0, 0, 1, 1], [], []>, transpose_lhs_hint = false} : vector<128x256xbf16>, vector<256x128xbf16>, vector<128x128xf32> -> vector<128x128xf32>
    %slice3A_1198 = vector.extract_strided_slice %dot_general3A_1197 {offsets = [0, 0], sizes = [8, 128], strides = [1, 1]} : vector<128x128xf32> to vector<8x128xf32>
    %swap3A_1199 = arith.constant 112 : index
    %swap3A_1200 = arith.constant 0 : index
    %swap3A_1201 = vector.load %arg7[%swap3A_1199, %swap3A_1200] : memref<200x2048xf32, #tpu.memory_space<vmem>>, vector<8x128xf32>
    tpu.vector_store %arg7[%swap3A_1199, %swap3A_1200], %slice3A_1198 {strides = array<i32>} : memref<200x2048xf32, #tpu.memory_space<vmem>>, vector<8x128xf32>,
    %slice3A_1202 = vector.extract_strided_slice %dot_general3A_1197 {offsets = [8, 0], sizes = [8, 128], strides = [1, 1]} : vector<128x128xf32> to vector<8x128xf32>
    %swap3A_1203 = arith.constant 112 : index
    %swap3A_1204 = arith.constant 128 : index
    %swap3A_1205 = vector.load %arg7[%swap3A_1203, %swap3A_1204] : memref<200x2048xf32, #tpu.memory_space<vmem>>, vector<8x128xf32>
    tpu.vector_store %arg7[%swap3A_1203, %swap3A_1204], %slice3A_1202 {strides = array<i32>} : memref<200x2048xf32, #tpu.memory_space<vmem>>, vector<8x128xf32>,
    %slice3A_1206 = vector.extract_strided_slice %dot_general3A_1197 {offsets = [16, 0], sizes = [8, 128], strides = [1, 1]} : vector<128x128xf32> to vector<8x128xf32>
    %swap3A_1207 = arith.constant 112 : index
    %swap3A_1208 = arith.constant 256 : index
    %swap3A_1209 = vector.load %arg7[%swap3A_1207, %swap3A_1208] : memref<200x2048xf32, #tpu.memory_space<vmem>>, vector<8x128xf32>
    tpu.vector_store %arg7[%swap3A_1207, %swap3A_1208], %slice3A_1206 {strides = array<i32>} : memref<200x2048xf32, #tpu.memory_space<vmem>>, vector<8x128xf32>,
    %slice3A_1210 = vector.extract_strided_slice %dot_general3A_1197 {offsets = [24, 0], sizes = [8, 128], strides = [1, 1]} : vector<128x128xf32> to vector<8x128xf32>
    %swap3A_1211 = arith.constant 112 : index
    %swap3A_1212 = arith.constant 384 : index
    %swap3A_1213 = vector.load %arg7[%swap3A_1211, %swap3A_1212] : memref<200x2048xf32, #tpu.memory_space<vmem>>, vector<8x128xf32>
    tpu.vector_store %arg7[%swap3A_1211, %swap3A_1212], %slice3A_1210 {strides = array<i32>} : memref<200x2048xf32, #tpu.memory_space<vmem>>, vector<8x128xf32>,
    %slice3A_1214 = vector.extract_strided_slice %dot_general3A_1197 {offsets = [32, 0], sizes = [8, 128], strides = [1, 1]} : vector<128x128xf32> to vector<8x128xf32>
    %swap3A_1215 = arith.constant 112 : index
    %swap3A_1216 = arith.constant 512 : index
    %swap3A_1217 = vector.load %arg7[%swap3A_1215, %swap3A_1216] : memref<200x2048xf32, #tpu.memory_space<vmem>>, vector<8x128xf32>
    tpu.vector_store %arg7[%swap3A_1215, %swap3A_1216], %slice3A_1214 {strides = array<i32>} : memref<200x2048xf32, #tpu.memory_space<vmem>>, vector<8x128xf32>,
    %slice3A_1218 = vector.extract_strided_slice %dot_general3A_1197 {offsets = [40, 0], sizes = [8, 128], strides = [1, 1]} : vector<128x128xf32> to vector<8x128xf32>
    %swap3A_1219 = arith.constant 112 : index
    %swap3A_1220 = arith.constant 640 : index
    %swap3A_1221 = vector.load %arg7[%swap3A_1219, %swap3A_1220] : memref<200x2048xf32, #tpu.memory_space<vmem>>, vector<8x128xf32>
    tpu.vector_store %arg7[%swap3A_1219, %swap3A_1220], %slice3A_1218 {strides = array<i32>} : memref<200x2048xf32, #tpu.memory_space<vmem>>, vector<8x128xf32>,
    %slice3A_1222 = vector.extract_strided_slice %dot_general3A_1197 {offsets = [48, 0], sizes = [8, 128], strides = [1, 1]} : vector<128x128xf32> to vector<8x128xf32>
    %swap3A_1223 = arith.constant 112 : index
    %swap3A_1224 = arith.constant 768 : index
    %swap3A_1225 = vector.load %arg7[%swap3A_1223, %swap3A_1224] : memref<200x2048xf32, #tpu.memory_space<vmem>>, vector<8x128xf32>
    tpu.vector_store %arg7[%swap3A_1223, %swap3A_1224], %slice3A_1222 {strides = array<i32>} : memref<200x2048xf32, #tpu.memory_space<vmem>>, vector<8x128xf32>,
    %slice3A_1226 = vector.extract_strided_slice %dot_general3A_1197 {offsets = [56, 0], sizes = [8, 128], strides = [1, 1]} : vector<128x128xf32> to vector<8x128xf32>
    %swap3A_1227 = arith.constant 112 : index
    %swap3A_1228 = arith.constant 896 : index
    %swap3A_1229 = vector.load %arg7[%swap3A_1227, %swap3A_1228] : memref<200x2048xf32, #tpu.memory_space<vmem>>, vector<8x128xf32>
    tpu.vector_store %arg7[%swap3A_1227, %swap3A_1228], %slice3A_1226 {strides = array<i32>} : memref<200x2048xf32, #tpu.memory_space<vmem>>, vector<8x128xf32>,
    %slice3A_1230 = vector.extract_strided_slice %dot_general3A_1197 {offsets = [64, 0], sizes = [8, 128], strides = [1, 1]} : vector<128x128xf32> to vector<8x128xf32>
    %swap3A_1231 = arith.constant 112 : index
    %swap3A_1232 = arith.constant 1024 : index
    %swap3A_1233 = vector.load %arg7[%swap3A_1231, %swap3A_1232] : memref<200x2048xf32, #tpu.memory_space<vmem>>, vector<8x128xf32>
    tpu.vector_store %arg7[%swap3A_1231, %swap3A_1232], %slice3A_1230 {strides = array<i32>} : memref<200x2048xf32, #tpu.memory_space<vmem>>, vector<8x128xf32>,
    %slice3A_1234 = vector.extract_strided_slice %dot_general3A_1197 {offsets = [72, 0], sizes = [8, 128], strides = [1, 1]} : vector<128x128xf32> to vector<8x128xf32>
    %swap3A_1235 = arith.constant 112 : index
    %swap3A_1236 = arith.constant 1152 : index
    %swap3A_1237 = vector.load %arg7[%swap3A_1235, %swap3A_1236] : memref<200x2048xf32, #tpu.memory_space<vmem>>, vector<8x128xf32>
    tpu.vector_store %arg7[%swap3A_1235, %swap3A_1236], %slice3A_1234 {strides = array<i32>} : memref<200x2048xf32, #tpu.memory_space<vmem>>, vector<8x128xf32>,
    %slice3A_1238 = vector.extract_strided_slice %dot_general3A_1197 {offsets = [80, 0], sizes = [8, 128], strides = [1, 1]} : vector<128x128xf32> to vector<8x128xf32>
    %swap3A_1239 = arith.constant 112 : index
    %swap3A_1240 = arith.constant 1280 : index
    %swap3A_1241 = vector.load %arg7[%swap3A_1239, %swap3A_1240] : memref<200x2048xf32, #tpu.memory_space<vmem>>, vector<8x128xf32>
    tpu.vector_store %arg7[%swap3A_1239, %swap3A_1240], %slice3A_1238 {strides = array<i32>} : memref<200x2048xf32, #tpu.memory_space<vmem>>, vector<8x128xf32>,
    %slice3A_1242 = vector.extract_strided_slice %dot_general3A_1197 {offsets = [88, 0], sizes = [8, 128], strides = [1, 1]} : vector<128x128xf32> to vector<8x128xf32>
    %swap3A_1243 = arith.constant 112 : index
    %swap3A_1244 = arith.constant 1408 : index
    %swap3A_1245 = vector.load %arg7[%swap3A_1243, %swap3A_1244] : memref<200x2048xf32, #tpu.memory_space<vmem>>, vector<8x128xf32>
    tpu.vector_store %arg7[%swap3A_1243, %swap3A_1244], %slice3A_1242 {strides = array<i32>} : memref<200x2048xf32, #tpu.memory_space<vmem>>, vector<8x128xf32>,
    %slice3A_1246 = vector.extract_strided_slice %dot_general3A_1197 {offsets = [96, 0], sizes = [8, 128], strides = [1, 1]} : vector<128x128xf32> to vector<8x128xf32>
    %swap3A_1247 = arith.constant 112 : index
    %swap3A_1248 = arith.constant 1536 : index
    %swap3A_1249 = vector.load %arg7[%swap3A_1247, %swap3A_1248] : memref<200x2048xf32, #tpu.memory_space<vmem>>, vector<8x128xf32>
    tpu.vector_store %arg7[%swap3A_1247, %swap3A_1248], %slice3A_1246 {strides = array<i32>} : memref<200x2048xf32, #tpu.memory_space<vmem>>, vector<8x128xf32>,
    %slice3A_1250 = vector.extract_strided_slice %dot_general3A_1197 {offsets = [104, 0], sizes = [8, 128], strides = [1, 1]} : vector<128x128xf32> to vector<8x128xf32>
    %swap3A_1251 = arith.constant 112 : index
    %swap3A_1252 = arith.constant 1664 : index
    %swap3A_1253 = vector.load %arg7[%swap3A_1251, %swap3A_1252] : memref<200x2048xf32, #tpu.memory_space<vmem>>, vector<8x128xf32>
    tpu.vector_store %arg7[%swap3A_1251, %swap3A_1252], %slice3A_1250 {strides = array<i32>} : memref<200x2048xf32, #tpu.memory_space<vmem>>, vector<8x128xf32>,
    %slice3A_1254 = vector.extract_strided_slice %dot_general3A_1197 {offsets = [112, 0], sizes = [8, 128], strides = [1, 1]} : vector<128x128xf32> to vector<8x128xf32>
    %swap3A_1255 = arith.constant 112 : index
    %swap3A_1256 = arith.constant 1792 : index
    %swap3A_1257 = vector.load %arg7[%swap3A_1255, %swap3A_1256] : memref<200x2048xf32, #tpu.memory_space<vmem>>, vector<8x128xf32>
    tpu.vector_store %arg7[%swap3A_1255, %swap3A_1256], %slice3A_1254 {strides = array<i32>} : memref<200x2048xf32, #tpu.memory_space<vmem>>, vector<8x128xf32>,
    %slice3A_1258 = vector.extract_strided_slice %dot_general3A_1197 {offsets = [120, 0], sizes = [8, 128], strides = [1, 1]} : vector<128x128xf32> to vector<8x128xf32>
    %swap3A_1259 = arith.constant 112 : index
    %swap3A_1260 = arith.constant 1920 : index
    %swap3A_1261 = vector.load %arg7[%swap3A_1259, %swap3A_1260] : memref<200x2048xf32, #tpu.memory_space<vmem>>, vector<8x128xf32>
    tpu.vector_store %arg7[%swap3A_1259, %swap3A_1260], %slice3A_1258 {strides = array<i32>} : memref<200x2048xf32, #tpu.memory_space<vmem>>, vector<8x128xf32>,
    %slice3A_1262 = vector.extract_strided_slice %select_n3A_70 {offsets = [0, 3840], sizes = [16, 256], strides = [1, 1]} : vector<16x6400xf32> to vector<16x256xf32>
    %broadcast_in_dim3A_1263 = vector.shape_cast %slice3A_1262 : vector<16x256xf32> to vector<16x1x256xf32>
    %broadcast_in_dim3A_1264 = vector.shape_cast %broadcast_in_dim3A_1263 : vector<16x1x256xf32> to vector<16x1x256xf32>
    %broadcast_in_dim3A_1265 = vector.broadcast %broadcast_in_dim3A_1264 : vector<16x1x256xf32> to vector<16x8x256xf32>
    %reshape3A_1266 = vector.shape_cast %broadcast_in_dim3A_1265 : vector<16x8x256xf32> to vector<128x256xf32>
    %jit3A_1267 = arith.constant 0.000000e+00 : f32
    %broadcast_in_dim3A_1268 = vector.broadcast %jit3A_1267 : f32 to vector<128x256xf32>
    %select_n3A_1269 = arith.select %eq3A_123, %reshape3A_1266, %broadcast_in_dim3A_1268 : vector<128x256xi1>, vector<128x256xf32>
    %convert_element_type3A_1270 = arith.truncf %select_n3A_1269 : vector<128x256xf32> to vector<128x256xbf16>
    %slice3A_1271 = vector.extract_strided_slice %convert_element_type3A {offsets = [3840, 0], sizes = [256, 128], strides = [1, 1]} : vector<6400x128xbf16> to vector<256x128xbf16>
    %dot_general3A_1272 = arith.constant dense<0.000000e+00> : vector<128x128xf32>
    %dot_general3A_1273 = tpu.matmul %convert_element_type3A_1270, %slice3A_1271, %dot_general3A_1272 {dimension_numbers = #tpu.dot_dimension_numbers<[1], [0], [0], [1], [0, 0, 1, 1], [], []>, transpose_lhs_hint = false} : vector<128x256xbf16>, vector<256x128xbf16>, vector<128x128xf32> -> vector<128x128xf32>
    %slice3A_1274 = vector.extract_strided_slice %dot_general3A_1273 {offsets = [0, 0], sizes = [8, 128], strides = [1, 1]} : vector<128x128xf32> to vector<8x128xf32>
    %swap3A_1275 = arith.constant 120 : index
    %swap3A_1276 = arith.constant 0 : index
    %swap3A_1277 = vector.load %arg7[%swap3A_1275, %swap3A_1276] : memref<200x2048xf32, #tpu.memory_space<vmem>>, vector<8x128xf32>
    tpu.vector_store %arg7[%swap3A_1275, %swap3A_1276], %slice3A_1274 {strides = array<i32>} : memref<200x2048xf32, #tpu.memory_space<vmem>>, vector<8x128xf32>,
    %slice3A_1278 = vector.extract_strided_slice %dot_general3A_1273 {offsets = [8, 0], sizes = [8, 128], strides = [1, 1]} : vector<128x128xf32> to vector<8x128xf32>
    %swap3A_1279 = arith.constant 120 : index
    %swap3A_1280 = arith.constant 128 : index
    %swap3A_1281 = vector.load %arg7[%swap3A_1279, %swap3A_1280] : memref<200x2048xf32, #tpu.memory_space<vmem>>, vector<8x128xf32>
    tpu.vector_store %arg7[%swap3A_1279, %swap3A_1280], %slice3A_1278 {strides = array<i32>} : memref<200x2048xf32, #tpu.memory_space<vmem>>, vector<8x128xf32>,
    %slice3A_1282 = vector.extract_strided_slice %dot_general3A_1273 {offsets = [16, 0], sizes = [8, 128], strides = [1, 1]} : vector<128x128xf32> to vector<8x128xf32>
    %swap3A_1283 = arith.constant 120 : index
    %swap3A_1284 = arith.constant 256 : index
    %swap3A_1285 = vector.load %arg7[%swap3A_1283, %swap3A_1284] : memref<200x2048xf32, #tpu.memory_space<vmem>>, vector<8x128xf32>
    tpu.vector_store %arg7[%swap3A_1283, %swap3A_1284], %slice3A_1282 {strides = array<i32>} : memref<200x2048xf32, #tpu.memory_space<vmem>>, vector<8x128xf32>,
    %slice3A_1286 = vector.extract_strided_slice %dot_general3A_1273 {offsets = [24, 0], sizes = [8, 128], strides = [1, 1]} : vector<128x128xf32> to vector<8x128xf32>
    %swap3A_1287 = arith.constant 120 : index
    %swap3A_1288 = arith.constant 384 : index
    %swap3A_1289 = vector.load %arg7[%swap3A_1287, %swap3A_1288] : memref<200x2048xf32, #tpu.memory_space<vmem>>, vector<8x128xf32>
    tpu.vector_store %arg7[%swap3A_1287, %swap3A_1288], %slice3A_1286 {strides = array<i32>} : memref<200x2048xf32, #tpu.memory_space<vmem>>, vector<8x128xf32>,
    %slice3A_1290 = vector.extract_strided_slice %dot_general3A_1273 {offsets = [32, 0], sizes = [8, 128], strides = [1, 1]} : vector<128x128xf32> to vector<8x128xf32>
    %swap3A_1291 = arith.constant 120 : index
    %swap3A_1292 = arith.constant 512 : index
    %swap3A_1293 = vector.load %arg7[%swap3A_1291, %swap3A_1292] : memref<200x2048xf32, #tpu.memory_space<vmem>>, vector<8x128xf32>
    tpu.vector_store %arg7[%swap3A_1291, %swap3A_1292], %slice3A_1290 {strides = array<i32>} : memref<200x2048xf32, #tpu.memory_space<vmem>>, vector<8x128xf32>,
    %slice3A_1294 = vector.extract_strided_slice %dot_general3A_1273 {offsets = [40, 0], sizes = [8, 128], strides = [1, 1]} : vector<128x128xf32> to vector<8x128xf32>
    %swap3A_1295 = arith.constant 120 : index
    %swap3A_1296 = arith.constant 640 : index
    %swap3A_1297 = vector.load %arg7[%swap3A_1295, %swap3A_1296] : memref<200x2048xf32, #tpu.memory_space<vmem>>, vector<8x128xf32>
    tpu.vector_store %arg7[%swap3A_1295, %swap3A_1296], %slice3A_1294 {strides = array<i32>} : memref<200x2048xf32, #tpu.memory_space<vmem>>, vector<8x128xf32>,
    %slice3A_1298 = vector.extract_strided_slice %dot_general3A_1273 {offsets = [48, 0], sizes = [8, 128], strides = [1, 1]} : vector<128x128xf32> to vector<8x128xf32>
    %swap3A_1299 = arith.constant 120 : index
    %swap3A_1300 = arith.constant 768 : index
    %swap3A_1301 = vector.load %arg7[%swap3A_1299, %swap3A_1300] : memref<200x2048xf32, #tpu.memory_space<vmem>>, vector<8x128xf32>
    tpu.vector_store %arg7[%swap3A_1299, %swap3A_1300], %slice3A_1298 {strides = array<i32>} : memref<200x2048xf32, #tpu.memory_space<vmem>>, vector<8x128xf32>,
    %slice3A_1302 = vector.extract_strided_slice %dot_general3A_1273 {offsets = [56, 0], sizes = [8, 128], strides = [1, 1]} : vector<128x128xf32> to vector<8x128xf32>
    %swap3A_1303 = arith.constant 120 : index
    %swap3A_1304 = arith.constant 896 : index
    %swap3A_1305 = vector.load %arg7[%swap3A_1303, %swap3A_1304] : memref<200x2048xf32, #tpu.memory_space<vmem>>, vector<8x128xf32>
    tpu.vector_store %arg7[%swap3A_1303, %swap3A_1304], %slice3A_1302 {strides = array<i32>} : memref<200x2048xf32, #tpu.memory_space<vmem>>, vector<8x128xf32>,
    %slice3A_1306 = vector.extract_strided_slice %dot_general3A_1273 {offsets = [64, 0], sizes = [8, 128], strides = [1, 1]} : vector<128x128xf32> to vector<8x128xf32>
    %swap3A_1307 = arith.constant 120 : index
    %swap3A_1308 = arith.constant 1024 : index
    %swap3A_1309 = vector.load %arg7[%swap3A_1307, %swap3A_1308] : memref<200x2048xf32, #tpu.memory_space<vmem>>, vector<8x128xf32>
    tpu.vector_store %arg7[%swap3A_1307, %swap3A_1308], %slice3A_1306 {strides = array<i32>} : memref<200x2048xf32, #tpu.memory_space<vmem>>, vector<8x128xf32>,
    %slice3A_1310 = vector.extract_strided_slice %dot_general3A_1273 {offsets = [72, 0], sizes = [8, 128], strides = [1, 1]} : vector<128x128xf32> to vector<8x128xf32>
    %swap3A_1311 = arith.constant 120 : index
    %swap3A_1312 = arith.constant 1152 : index
    %swap3A_1313 = vector.load %arg7[%swap3A_1311, %swap3A_1312] : memref<200x2048xf32, #tpu.memory_space<vmem>>, vector<8x128xf32>
    tpu.vector_store %arg7[%swap3A_1311, %swap3A_1312], %slice3A_1310 {strides = array<i32>} : memref<200x2048xf32, #tpu.memory_space<vmem>>, vector<8x128xf32>,
    %slice3A_1314 = vector.extract_strided_slice %dot_general3A_1273 {offsets = [80, 0], sizes = [8, 128], strides = [1, 1]} : vector<128x128xf32> to vector<8x128xf32>
    %swap3A_1315 = arith.constant 120 : index
    %swap3A_1316 = arith.constant 1280 : index
    %swap3A_1317 = vector.load %arg7[%swap3A_1315, %swap3A_1316] : memref<200x2048xf32, #tpu.memory_space<vmem>>, vector<8x128xf32>
    tpu.vector_store %arg7[%swap3A_1315, %swap3A_1316], %slice3A_1314 {strides = array<i32>} : memref<200x2048xf32, #tpu.memory_space<vmem>>, vector<8x128xf32>,
    %slice3A_1318 = vector.extract_strided_slice %dot_general3A_1273 {offsets = [88, 0], sizes = [8, 128], strides = [1, 1]} : vector<128x128xf32> to vector<8x128xf32>
    %swap3A_1319 = arith.constant 120 : index
    %swap3A_1320 = arith.constant 1408 : index
    %swap3A_1321 = vector.load %arg7[%swap3A_1319, %swap3A_1320] : memref<200x2048xf32, #tpu.memory_space<vmem>>, vector<8x128xf32>
    tpu.vector_store %arg7[%swap3A_1319, %swap3A_1320], %slice3A_1318 {strides = array<i32>} : memref<200x2048xf32, #tpu.memory_space<vmem>>, vector<8x128xf32>,
    %slice3A_1322 = vector.extract_strided_slice %dot_general3A_1273 {offsets = [96, 0], sizes = [8, 128], strides = [1, 1]} : vector<128x128xf32> to vector<8x128xf32>
    %swap3A_1323 = arith.constant 120 : index
    %swap3A_1324 = arith.constant 1536 : index
    %swap3A_1325 = vector.load %arg7[%swap3A_1323, %swap3A_1324] : memref<200x2048xf32, #tpu.memory_space<vmem>>, vector<8x128xf32>
    tpu.vector_store %arg7[%swap3A_1323, %swap3A_1324], %slice3A_1322 {strides = array<i32>} : memref<200x2048xf32, #tpu.memory_space<vmem>>, vector<8x128xf32>,
    %slice3A_1326 = vector.extract_strided_slice %dot_general3A_1273 {offsets = [104, 0], sizes = [8, 128], strides = [1, 1]} : vector<128x128xf32> to vector<8x128xf32>
    %swap3A_1327 = arith.constant 120 : index
    %swap3A_1328 = arith.constant 1664 : index
    %swap3A_1329 = vector.load %arg7[%swap3A_1327, %swap3A_1328] : memref<200x2048xf32, #tpu.memory_space<vmem>>, vector<8x128xf32>
    tpu.vector_store %arg7[%swap3A_1327, %swap3A_1328], %slice3A_1326 {strides = array<i32>} : memref<200x2048xf32, #tpu.memory_space<vmem>>, vector<8x128xf32>,
    %slice3A_1330 = vector.extract_strided_slice %dot_general3A_1273 {offsets = [112, 0], sizes = [8, 128], strides = [1, 1]} : vector<128x128xf32> to vector<8x128xf32>
    %swap3A_1331 = arith.constant 120 : index
    %swap3A_1332 = arith.constant 1792 : index
    %swap3A_1333 = vector.load %arg7[%swap3A_1331, %swap3A_1332] : memref<200x2048xf32, #tpu.memory_space<vmem>>, vector<8x128xf32>
    tpu.vector_store %arg7[%swap3A_1331, %swap3A_1332], %slice3A_1330 {strides = array<i32>} : memref<200x2048xf32, #tpu.memory_space<vmem>>, vector<8x128xf32>,
    %slice3A_1334 = vector.extract_strided_slice %dot_general3A_1273 {offsets = [120, 0], sizes = [8, 128], strides = [1, 1]} : vector<128x128xf32> to vector<8x128xf32>
    %swap3A_1335 = arith.constant 120 : index
    %swap3A_1336 = arith.constant 1920 : index
    %swap3A_1337 = vector.load %arg7[%swap3A_1335, %swap3A_1336] : memref<200x2048xf32, #tpu.memory_space<vmem>>, vector<8x128xf32>
    tpu.vector_store %arg7[%swap3A_1335, %swap3A_1336], %slice3A_1334 {strides = array<i32>} : memref<200x2048xf32, #tpu.memory_space<vmem>>, vector<8x128xf32>,
    %slice3A_1338 = vector.extract_strided_slice %select_n3A_70 {offsets = [0, 4096], sizes = [16, 256], strides = [1, 1]} : vector<16x6400xf32> to vector<16x256xf32>
    %broadcast_in_dim3A_1339 = vector.shape_cast %slice3A_1338 : vector<16x256xf32> to vector<16x1x256xf32>
    %broadcast_in_dim3A_1340 = vector.shape_cast %broadcast_in_dim3A_1339 : vector<16x1x256xf32> to vector<16x1x256xf32>
    %broadcast_in_dim3A_1341 = vector.broadcast %broadcast_in_dim3A_1340 : vector<16x1x256xf32> to vector<16x8x256xf32>
    %reshape3A_1342 = vector.shape_cast %broadcast_in_dim3A_1341 : vector<16x8x256xf32> to vector<128x256xf32>
    %jit3A_1343 = arith.constant 0.000000e+00 : f32
    %broadcast_in_dim3A_1344 = vector.broadcast %jit3A_1343 : f32 to vector<128x256xf32>
    %select_n3A_1345 = arith.select %eq3A_123, %reshape3A_1342, %broadcast_in_dim3A_1344 : vector<128x256xi1>, vector<128x256xf32>
    %convert_element_type3A_1346 = arith.truncf %select_n3A_1345 : vector<128x256xf32> to vector<128x256xbf16>
    %slice3A_1347 = vector.extract_strided_slice %convert_element_type3A {offsets = [4096, 0], sizes = [256, 128], strides = [1, 1]} : vector<6400x128xbf16> to vector<256x128xbf16>
    %dot_general3A_1348 = arith.constant dense<0.000000e+00> : vector<128x128xf32>
    %dot_general3A_1349 = tpu.matmul %convert_element_type3A_1346, %slice3A_1347, %dot_general3A_1348 {dimension_numbers = #tpu.dot_dimension_numbers<[1], [0], [0], [1], [0, 0, 1, 1], [], []>, transpose_lhs_hint = false} : vector<128x256xbf16>, vector<256x128xbf16>, vector<128x128xf32> -> vector<128x128xf32>
    %slice3A_1350 = vector.extract_strided_slice %dot_general3A_1349 {offsets = [0, 0], sizes = [8, 128], strides = [1, 1]} : vector<128x128xf32> to vector<8x128xf32>
    %swap3A_1351 = arith.constant 128 : index
    %swap3A_1352 = arith.constant 0 : index
    %swap3A_1353 = vector.load %arg7[%swap3A_1351, %swap3A_1352] : memref<200x2048xf32, #tpu.memory_space<vmem>>, vector<8x128xf32>
    tpu.vector_store %arg7[%swap3A_1351, %swap3A_1352], %slice3A_1350 {strides = array<i32>} : memref<200x2048xf32, #tpu.memory_space<vmem>>, vector<8x128xf32>,
    %slice3A_1354 = vector.extract_strided_slice %dot_general3A_1349 {offsets = [8, 0], sizes = [8, 128], strides = [1, 1]} : vector<128x128xf32> to vector<8x128xf32>
    %swap3A_1355 = arith.constant 128 : index
    %swap3A_1356 = arith.constant 128 : index
    %swap3A_1357 = vector.load %arg7[%swap3A_1355, %swap3A_1356] : memref<200x2048xf32, #tpu.memory_space<vmem>>, vector<8x128xf32>
    tpu.vector_store %arg7[%swap3A_1355, %swap3A_1356], %slice3A_1354 {strides = array<i32>} : memref<200x2048xf32, #tpu.memory_space<vmem>>, vector<8x128xf32>,
    %slice3A_1358 = vector.extract_strided_slice %dot_general3A_1349 {offsets = [16, 0], sizes = [8, 128], strides = [1, 1]} : vector<128x128xf32> to vector<8x128xf32>
    %swap3A_1359 = arith.constant 128 : index
    %swap3A_1360 = arith.constant 256 : index
    %swap3A_1361 = vector.load %arg7[%swap3A_1359, %swap3A_1360] : memref<200x2048xf32, #tpu.memory_space<vmem>>, vector<8x128xf32>
    tpu.vector_store %arg7[%swap3A_1359, %swap3A_1360], %slice3A_1358 {strides = array<i32>} : memref<200x2048xf32, #tpu.memory_space<vmem>>, vector<8x128xf32>,
    %slice3A_1362 = vector.extract_strided_slice %dot_general3A_1349 {offsets = [24, 0], sizes = [8, 128], strides = [1, 1]} : vector<128x128xf32> to vector<8x128xf32>
    %swap3A_1363 = arith.constant 128 : index
    %swap3A_1364 = arith.constant 384 : index
    %swap3A_1365 = vector.load %arg7[%swap3A_1363, %swap3A_1364] : memref<200x2048xf32, #tpu.memory_space<vmem>>, vector<8x128xf32>
    tpu.vector_store %arg7[%swap3A_1363, %swap3A_1364], %slice3A_1362 {strides = array<i32>} : memref<200x2048xf32, #tpu.memory_space<vmem>>, vector<8x128xf32>,
    %slice3A_1366 = vector.extract_strided_slice %dot_general3A_1349 {offsets = [32, 0], sizes = [8, 128], strides = [1, 1]} : vector<128x128xf32> to vector<8x128xf32>
    %swap3A_1367 = arith.constant 128 : index
    %swap3A_1368 = arith.constant 512 : index
    %swap3A_1369 = vector.load %arg7[%swap3A_1367, %swap3A_1368] : memref<200x2048xf32, #tpu.memory_space<vmem>>, vector<8x128xf32>
    tpu.vector_store %arg7[%swap3A_1367, %swap3A_1368], %slice3A_1366 {strides = array<i32>} : memref<200x2048xf32, #tpu.memory_space<vmem>>, vector<8x128xf32>,
    %slice3A_1370 = vector.extract_strided_slice %dot_general3A_1349 {offsets = [40, 0], sizes = [8, 128], strides = [1, 1]} : vector<128x128xf32> to vector<8x128xf32>
    %swap3A_1371 = arith.constant 128 : index
    %swap3A_1372 = arith.constant 640 : index
    %swap3A_1373 = vector.load %arg7[%swap3A_1371, %swap3A_1372] : memref<200x2048xf32, #tpu.memory_space<vmem>>, vector<8x128xf32>
    tpu.vector_store %arg7[%swap3A_1371, %swap3A_1372], %slice3A_1370 {strides = array<i32>} : memref<200x2048xf32, #tpu.memory_space<vmem>>, vector<8x128xf32>,
    %slice3A_1374 = vector.extract_strided_slice %dot_general3A_1349 {offsets = [48, 0], sizes = [8, 128], strides = [1, 1]} : vector<128x128xf32> to vector<8x128xf32>
    %swap3A_1375 = arith.constant 128 : index
    %swap3A_1376 = arith.constant 768 : index
    %swap3A_1377 = vector.load %arg7[%swap3A_1375, %swap3A_1376] : memref<200x2048xf32, #tpu.memory_space<vmem>>, vector<8x128xf32>
    tpu.vector_store %arg7[%swap3A_1375, %swap3A_1376], %slice3A_1374 {strides = array<i32>} : memref<200x2048xf32, #tpu.memory_space<vmem>>, vector<8x128xf32>,
    %slice3A_1378 = vector.extract_strided_slice %dot_general3A_1349 {offsets = [56, 0], sizes = [8, 128], strides = [1, 1]} : vector<128x128xf32> to vector<8x128xf32>
    %swap3A_1379 = arith.constant 128 : index
    %swap3A_1380 = arith.constant 896 : index
    %swap3A_1381 = vector.load %arg7[%swap3A_1379, %swap3A_1380] : memref<200x2048xf32, #tpu.memory_space<vmem>>, vector<8x128xf32>
    tpu.vector_store %arg7[%swap3A_1379, %swap3A_1380], %slice3A_1378 {strides = array<i32>} : memref<200x2048xf32, #tpu.memory_space<vmem>>, vector<8x128xf32>,
    %slice3A_1382 = vector.extract_strided_slice %dot_general3A_1349 {offsets = [64, 0], sizes = [8, 128], strides = [1, 1]} : vector<128x128xf32> to vector<8x128xf32>
    %swap3A_1383 = arith.constant 128 : index
    %swap3A_1384 = arith.constant 1024 : index
    %swap3A_1385 = vector.load %arg7[%swap3A_1383, %swap3A_1384] : memref<200x2048xf32, #tpu.memory_space<vmem>>, vector<8x128xf32>
    tpu.vector_store %arg7[%swap3A_1383, %swap3A_1384], %slice3A_1382 {strides = array<i32>} : memref<200x2048xf32, #tpu.memory_space<vmem>>, vector<8x128xf32>,
    %slice3A_1386 = vector.extract_strided_slice %dot_general3A_1349 {offsets = [72, 0], sizes = [8, 128], strides = [1, 1]} : vector<128x128xf32> to vector<8x128xf32>
    %swap3A_1387 = arith.constant 128 : index
    %swap3A_1388 = arith.constant 1152 : index
    %swap3A_1389 = vector.load %arg7[%swap3A_1387, %swap3A_1388] : memref<200x2048xf32, #tpu.memory_space<vmem>>, vector<8x128xf32>
    tpu.vector_store %arg7[%swap3A_1387, %swap3A_1388], %slice3A_1386 {strides = array<i32>} : memref<200x2048xf32, #tpu.memory_space<vmem>>, vector<8x128xf32>,
    %slice3A_1390 = vector.extract_strided_slice %dot_general3A_1349 {offsets = [80, 0], sizes = [8, 128], strides = [1, 1]} : vector<128x128xf32> to vector<8x128xf32>
    %swap3A_1391 = arith.constant 128 : index
    %swap3A_1392 = arith.constant 1280 : index
    %swap3A_1393 = vector.load %arg7[%swap3A_1391, %swap3A_1392] : memref<200x2048xf32, #tpu.memory_space<vmem>>, vector<8x128xf32>
    tpu.vector_store %arg7[%swap3A_1391, %swap3A_1392], %slice3A_1390 {strides = array<i32>} : memref<200x2048xf32, #tpu.memory_space<vmem>>, vector<8x128xf32>,
    %slice3A_1394 = vector.extract_strided_slice %dot_general3A_1349 {offsets = [88, 0], sizes = [8, 128], strides = [1, 1]} : vector<128x128xf32> to vector<8x128xf32>
    %swap3A_1395 = arith.constant 128 : index
    %swap3A_1396 = arith.constant 1408 : index
    %swap3A_1397 = vector.load %arg7[%swap3A_1395, %swap3A_1396] : memref<200x2048xf32, #tpu.memory_space<vmem>>, vector<8x128xf32>
    tpu.vector_store %arg7[%swap3A_1395, %swap3A_1396], %slice3A_1394 {strides = array<i32>} : memref<200x2048xf32, #tpu.memory_space<vmem>>, vector<8x128xf32>,
    %slice3A_1398 = vector.extract_strided_slice %dot_general3A_1349 {offsets = [96, 0], sizes = [8, 128], strides = [1, 1]} : vector<128x128xf32> to vector<8x128xf32>
    %swap3A_1399 = arith.constant 128 : index
    %swap3A_1400 = arith.constant 1536 : index
    %swap3A_1401 = vector.load %arg7[%swap3A_1399, %swap3A_1400] : memref<200x2048xf32, #tpu.memory_space<vmem>>, vector<8x128xf32>
    tpu.vector_store %arg7[%swap3A_1399, %swap3A_1400], %slice3A_1398 {strides = array<i32>} : memref<200x2048xf32, #tpu.memory_space<vmem>>, vector<8x128xf32>,
    %slice3A_1402 = vector.extract_strided_slice %dot_general3A_1349 {offsets = [104, 0], sizes = [8, 128], strides = [1, 1]} : vector<128x128xf32> to vector<8x128xf32>
    %swap3A_1403 = arith.constant 128 : index
    %swap3A_1404 = arith.constant 1664 : index
    %swap3A_1405 = vector.load %arg7[%swap3A_1403, %swap3A_1404] : memref<200x2048xf32, #tpu.memory_space<vmem>>, vector<8x128xf32>
    tpu.vector_store %arg7[%swap3A_1403, %swap3A_1404], %slice3A_1402 {strides = array<i32>} : memref<200x2048xf32, #tpu.memory_space<vmem>>, vector<8x128xf32>,
    %slice3A_1406 = vector.extract_strided_slice %dot_general3A_1349 {offsets = [112, 0], sizes = [8, 128], strides = [1, 1]} : vector<128x128xf32> to vector<8x128xf32>
    %swap3A_1407 = arith.constant 128 : index
    %swap3A_1408 = arith.constant 1792 : index
    %swap3A_1409 = vector.load %arg7[%swap3A_1407, %swap3A_1408] : memref<200x2048xf32, #tpu.memory_space<vmem>>, vector<8x128xf32>
    tpu.vector_store %arg7[%swap3A_1407, %swap3A_1408], %slice3A_1406 {strides = array<i32>} : memref<200x2048xf32, #tpu.memory_space<vmem>>, vector<8x128xf32>,
    %slice3A_1410 = vector.extract_strided_slice %dot_general3A_1349 {offsets = [120, 0], sizes = [8, 128], strides = [1, 1]} : vector<128x128xf32> to vector<8x128xf32>
    %swap3A_1411 = arith.constant 128 : index
    %swap3A_1412 = arith.constant 1920 : index
    %swap3A_1413 = vector.load %arg7[%swap3A_1411, %swap3A_1412] : memref<200x2048xf32, #tpu.memory_space<vmem>>, vector<8x128xf32>
    tpu.vector_store %arg7[%swap3A_1411, %swap3A_1412], %slice3A_1410 {strides = array<i32>} : memref<200x2048xf32, #tpu.memory_space<vmem>>, vector<8x128xf32>,
    %slice3A_1414 = vector.extract_strided_slice %select_n3A_70 {offsets = [0, 4352], sizes = [16, 256], strides = [1, 1]} : vector<16x6400xf32> to vector<16x256xf32>
    %broadcast_in_dim3A_1415 = vector.shape_cast %slice3A_1414 : vector<16x256xf32> to vector<16x1x256xf32>
    %broadcast_in_dim3A_1416 = vector.shape_cast %broadcast_in_dim3A_1415 : vector<16x1x256xf32> to vector<16x1x256xf32>
    %broadcast_in_dim3A_1417 = vector.broadcast %broadcast_in_dim3A_1416 : vector<16x1x256xf32> to vector<16x8x256xf32>
    %reshape3A_1418 = vector.shape_cast %broadcast_in_dim3A_1417 : vector<16x8x256xf32> to vector<128x256xf32>
    %jit3A_1419 = arith.constant 0.000000e+00 : f32
    %broadcast_in_dim3A_1420 = vector.broadcast %jit3A_1419 : f32 to vector<128x256xf32>
    %select_n3A_1421 = arith.select %eq3A_123, %reshape3A_1418, %broadcast_in_dim3A_1420 : vector<128x256xi1>, vector<128x256xf32>
    %convert_element_type3A_1422 = arith.truncf %select_n3A_1421 : vector<128x256xf32> to vector<128x256xbf16>
    %slice3A_1423 = vector.extract_strided_slice %convert_element_type3A {offsets = [4352, 0], sizes = [256, 128], strides = [1, 1]} : vector<6400x128xbf16> to vector<256x128xbf16>
    %dot_general3A_1424 = arith.constant dense<0.000000e+00> : vector<128x128xf32>
    %dot_general3A_1425 = tpu.matmul %convert_element_type3A_1422, %slice3A_1423, %dot_general3A_1424 {dimension_numbers = #tpu.dot_dimension_numbers<[1], [0], [0], [1], [0, 0, 1, 1], [], []>, transpose_lhs_hint = false} : vector<128x256xbf16>, vector<256x128xbf16>, vector<128x128xf32> -> vector<128x128xf32>
    %slice3A_1426 = vector.extract_strided_slice %dot_general3A_1425 {offsets = [0, 0], sizes = [8, 128], strides = [1, 1]} : vector<128x128xf32> to vector<8x128xf32>
    %swap3A_1427 = arith.constant 136 : index
    %swap3A_1428 = arith.constant 0 : index
    %swap3A_1429 = vector.load %arg7[%swap3A_1427, %swap3A_1428] : memref<200x2048xf32, #tpu.memory_space<vmem>>, vector<8x128xf32>
    tpu.vector_store %arg7[%swap3A_1427, %swap3A_1428], %slice3A_1426 {strides = array<i32>} : memref<200x2048xf32, #tpu.memory_space<vmem>>, vector<8x128xf32>,
    %slice3A_1430 = vector.extract_strided_slice %dot_general3A_1425 {offsets = [8, 0], sizes = [8, 128], strides = [1, 1]} : vector<128x128xf32> to vector<8x128xf32>
    %swap3A_1431 = arith.constant 136 : index
    %swap3A_1432 = arith.constant 128 : index
    %swap3A_1433 = vector.load %arg7[%swap3A_1431, %swap3A_1432] : memref<200x2048xf32, #tpu.memory_space<vmem>>, vector<8x128xf32>
    tpu.vector_store %arg7[%swap3A_1431, %swap3A_1432], %slice3A_1430 {strides = array<i32>} : memref<200x2048xf32, #tpu.memory_space<vmem>>, vector<8x128xf32>,
    %slice3A_1434 = vector.extract_strided_slice %dot_general3A_1425 {offsets = [16, 0], sizes = [8, 128], strides = [1, 1]} : vector<128x128xf32> to vector<8x128xf32>
    %swap3A_1435 = arith.constant 136 : index
    %swap3A_1436 = arith.constant 256 : index
    %swap3A_1437 = vector.load %arg7[%swap3A_1435, %swap3A_1436] : memref<200x2048xf32, #tpu.memory_space<vmem>>, vector<8x128xf32>
    tpu.vector_store %arg7[%swap3A_1435, %swap3A_1436], %slice3A_1434 {strides = array<i32>} : memref<200x2048xf32, #tpu.memory_space<vmem>>, vector<8x128xf32>,
    %slice3A_1438 = vector.extract_strided_slice %dot_general3A_1425 {offsets = [24, 0], sizes = [8, 128], strides = [1, 1]} : vector<128x128xf32> to vector<8x128xf32>
    %swap3A_1439 = arith.constant 136 : index
    %swap3A_1440 = arith.constant 384 : index
    %swap3A_1441 = vector.load %arg7[%swap3A_1439, %swap3A_1440] : memref<200x2048xf32, #tpu.memory_space<vmem>>, vector<8x128xf32>
    tpu.vector_store %arg7[%swap3A_1439, %swap3A_1440], %slice3A_1438 {strides = array<i32>} : memref<200x2048xf32, #tpu.memory_space<vmem>>, vector<8x128xf32>,
    %slice3A_1442 = vector.extract_strided_slice %dot_general3A_1425 {offsets = [32, 0], sizes = [8, 128], strides = [1, 1]} : vector<128x128xf32> to vector<8x128xf32>
    %swap3A_1443 = arith.constant 136 : index
    %swap3A_1444 = arith.constant 512 : index
    %swap3A_1445 = vector.load %arg7[%swap3A_1443, %swap3A_1444] : memref<200x2048xf32, #tpu.memory_space<vmem>>, vector<8x128xf32>
    tpu.vector_store %arg7[%swap3A_1443, %swap3A_1444], %slice3A_1442 {strides = array<i32>} : memref<200x2048xf32, #tpu.memory_space<vmem>>, vector<8x128xf32>,
    %slice3A_1446 = vector.extract_strided_slice %dot_general3A_1425 {offsets = [40, 0], sizes = [8, 128], strides = [1, 1]} : vector<128x128xf32> to vector<8x128xf32>
    %swap3A_1447 = arith.constant 136 : index
    %swap3A_1448 = arith.constant 640 : index
    %swap3A_1449 = vector.load %arg7[%swap3A_1447, %swap3A_1448] : memref<200x2048xf32, #tpu.memory_space<vmem>>, vector<8x128xf32>
    tpu.vector_store %arg7[%swap3A_1447, %swap3A_1448], %slice3A_1446 {strides = array<i32>} : memref<200x2048xf32, #tpu.memory_space<vmem>>, vector<8x128xf32>,
    %slice3A_1450 = vector.extract_strided_slice %dot_general3A_1425 {offsets = [48, 0], sizes = [8, 128], strides = [1, 1]} : vector<128x128xf32> to vector<8x128xf32>
    %swap3A_1451 = arith.constant 136 : index
    %swap3A_1452 = arith.constant 768 : index
    %swap3A_1453 = vector.load %arg7[%swap3A_1451, %swap3A_1452] : memref<200x2048xf32, #tpu.memory_space<vmem>>, vector<8x128xf32>
    tpu.vector_store %arg7[%swap3A_1451, %swap3A_1452], %slice3A_1450 {strides = array<i32>} : memref<200x2048xf32, #tpu.memory_space<vmem>>, vector<8x128xf32>,
    %slice3A_1454 = vector.extract_strided_slice %dot_general3A_1425 {offsets = [56, 0], sizes = [8, 128], strides = [1, 1]} : vector<128x128xf32> to vector<8x128xf32>
    %swap3A_1455 = arith.constant 136 : index
    %swap3A_1456 = arith.constant 896 : index
    %swap3A_1457 = vector.load %arg7[%swap3A_1455, %swap3A_1456] : memref<200x2048xf32, #tpu.memory_space<vmem>>, vector<8x128xf32>
    tpu.vector_store %arg7[%swap3A_1455, %swap3A_1456], %slice3A_1454 {strides = array<i32>} : memref<200x2048xf32, #tpu.memory_space<vmem>>, vector<8x128xf32>,
    %slice3A_1458 = vector.extract_strided_slice %dot_general3A_1425 {offsets = [64, 0], sizes = [8, 128], strides = [1, 1]} : vector<128x128xf32> to vector<8x128xf32>
    %swap3A_1459 = arith.constant 136 : index
    %swap3A_1460 = arith.constant 1024 : index
    %swap3A_1461 = vector.load %arg7[%swap3A_1459, %swap3A_1460] : memref<200x2048xf32, #tpu.memory_space<vmem>>, vector<8x128xf32>
    tpu.vector_store %arg7[%swap3A_1459, %swap3A_1460], %slice3A_1458 {strides = array<i32>} : memref<200x2048xf32, #tpu.memory_space<vmem>>, vector<8x128xf32>,
    %slice3A_1462 = vector.extract_strided_slice %dot_general3A_1425 {offsets = [72, 0], sizes = [8, 128], strides = [1, 1]} : vector<128x128xf32> to vector<8x128xf32>
    %swap3A_1463 = arith.constant 136 : index
    %swap3A_1464 = arith.constant 1152 : index
    %swap3A_1465 = vector.load %arg7[%swap3A_1463, %swap3A_1464] : memref<200x2048xf32, #tpu.memory_space<vmem>>, vector<8x128xf32>
    tpu.vector_store %arg7[%swap3A_1463, %swap3A_1464], %slice3A_1462 {strides = array<i32>} : memref<200x2048xf32, #tpu.memory_space<vmem>>, vector<8x128xf32>,
    %slice3A_1466 = vector.extract_strided_slice %dot_general3A_1425 {offsets = [80, 0], sizes = [8, 128], strides = [1, 1]} : vector<128x128xf32> to vector<8x128xf32>
    %swap3A_1467 = arith.constant 136 : index
    %swap3A_1468 = arith.constant 1280 : index
    %swap3A_1469 = vector.load %arg7[%swap3A_1467, %swap3A_1468] : memref<200x2048xf32, #tpu.memory_space<vmem>>, vector<8x128xf32>
    tpu.vector_store %arg7[%swap3A_1467, %swap3A_1468], %slice3A_1466 {strides = array<i32>} : memref<200x2048xf32, #tpu.memory_space<vmem>>, vector<8x128xf32>,
    %slice3A_1470 = vector.extract_strided_slice %dot_general3A_1425 {offsets = [88, 0], sizes = [8, 128], strides = [1, 1]} : vector<128x128xf32> to vector<8x128xf32>
    %swap3A_1471 = arith.constant 136 : index
    %swap3A_1472 = arith.constant 1408 : index
    %swap3A_1473 = vector.load %arg7[%swap3A_1471, %swap3A_1472] : memref<200x2048xf32, #tpu.memory_space<vmem>>, vector<8x128xf32>
    tpu.vector_store %arg7[%swap3A_1471, %swap3A_1472], %slice3A_1470 {strides = array<i32>} : memref<200x2048xf32, #tpu.memory_space<vmem>>, vector<8x128xf32>,
    %slice3A_1474 = vector.extract_strided_slice %dot_general3A_1425 {offsets = [96, 0], sizes = [8, 128], strides = [1, 1]} : vector<128x128xf32> to vector<8x128xf32>
    %swap3A_1475 = arith.constant 136 : index
    %swap3A_1476 = arith.constant 1536 : index
    %swap3A_1477 = vector.load %arg7[%swap3A_1475, %swap3A_1476] : memref<200x2048xf32, #tpu.memory_space<vmem>>, vector<8x128xf32>
    tpu.vector_store %arg7[%swap3A_1475, %swap3A_1476], %slice3A_1474 {strides = array<i32>} : memref<200x2048xf32, #tpu.memory_space<vmem>>, vector<8x128xf32>,
    %slice3A_1478 = vector.extract_strided_slice %dot_general3A_1425 {offsets = [104, 0], sizes = [8, 128], strides = [1, 1]} : vector<128x128xf32> to vector<8x128xf32>
    %swap3A_1479 = arith.constant 136 : index
    %swap3A_1480 = arith.constant 1664 : index
    %swap3A_1481 = vector.load %arg7[%swap3A_1479, %swap3A_1480] : memref<200x2048xf32, #tpu.memory_space<vmem>>, vector<8x128xf32>
    tpu.vector_store %arg7[%swap3A_1479, %swap3A_1480], %slice3A_1478 {strides = array<i32>} : memref<200x2048xf32, #tpu.memory_space<vmem>>, vector<8x128xf32>,
    %slice3A_1482 = vector.extract_strided_slice %dot_general3A_1425 {offsets = [112, 0], sizes = [8, 128], strides = [1, 1]} : vector<128x128xf32> to vector<8x128xf32>
    %swap3A_1483 = arith.constant 136 : index
    %swap3A_1484 = arith.constant 1792 : index
    %swap3A_1485 = vector.load %arg7[%swap3A_1483, %swap3A_1484] : memref<200x2048xf32, #tpu.memory_space<vmem>>, vector<8x128xf32>
    tpu.vector_store %arg7[%swap3A_1483, %swap3A_1484], %slice3A_1482 {strides = array<i32>} : memref<200x2048xf32, #tpu.memory_space<vmem>>, vector<8x128xf32>,
    %slice3A_1486 = vector.extract_strided_slice %dot_general3A_1425 {offsets = [120, 0], sizes = [8, 128], strides = [1, 1]} : vector<128x128xf32> to vector<8x128xf32>
    %swap3A_1487 = arith.constant 136 : index
    %swap3A_1488 = arith.constant 1920 : index
    %swap3A_1489 = vector.load %arg7[%swap3A_1487, %swap3A_1488] : memref<200x2048xf32, #tpu.memory_space<vmem>>, vector<8x128xf32>
    tpu.vector_store %arg7[%swap3A_1487, %swap3A_1488], %slice3A_1486 {strides = array<i32>} : memref<200x2048xf32, #tpu.memory_space<vmem>>, vector<8x128xf32>,
    %slice3A_1490 = vector.extract_strided_slice %select_n3A_70 {offsets = [0, 4608], sizes = [16, 256], strides = [1, 1]} : vector<16x6400xf32> to vector<16x256xf32>
    %broadcast_in_dim3A_1491 = vector.shape_cast %slice3A_1490 : vector<16x256xf32> to vector<16x1x256xf32>
    %broadcast_in_dim3A_1492 = vector.shape_cast %broadcast_in_dim3A_1491 : vector<16x1x256xf32> to vector<16x1x256xf32>
    %broadcast_in_dim3A_1493 = vector.broadcast %broadcast_in_dim3A_1492 : vector<16x1x256xf32> to vector<16x8x256xf32>
    %reshape3A_1494 = vector.shape_cast %broadcast_in_dim3A_1493 : vector<16x8x256xf32> to vector<128x256xf32>
    %jit3A_1495 = arith.constant 0.000000e+00 : f32
    %broadcast_in_dim3A_1496 = vector.broadcast %jit3A_1495 : f32 to vector<128x256xf32>
    %select_n3A_1497 = arith.select %eq3A_123, %reshape3A_1494, %broadcast_in_dim3A_1496 : vector<128x256xi1>, vector<128x256xf32>
    %convert_element_type3A_1498 = arith.truncf %select_n3A_1497 : vector<128x256xf32> to vector<128x256xbf16>
    %slice3A_1499 = vector.extract_strided_slice %convert_element_type3A {offsets = [4608, 0], sizes = [256, 128], strides = [1, 1]} : vector<6400x128xbf16> to vector<256x128xbf16>
    %dot_general3A_1500 = arith.constant dense<0.000000e+00> : vector<128x128xf32>
    %dot_general3A_1501 = tpu.matmul %convert_element_type3A_1498, %slice3A_1499, %dot_general3A_1500 {dimension_numbers = #tpu.dot_dimension_numbers<[1], [0], [0], [1], [0, 0, 1, 1], [], []>, transpose_lhs_hint = false} : vector<128x256xbf16>, vector<256x128xbf16>, vector<128x128xf32> -> vector<128x128xf32>
    %slice3A_1502 = vector.extract_strided_slice %dot_general3A_1501 {offsets = [0, 0], sizes = [8, 128], strides = [1, 1]} : vector<128x128xf32> to vector<8x128xf32>
    %swap3A_1503 = arith.constant 144 : index
    %swap3A_1504 = arith.constant 0 : index
    %swap3A_1505 = vector.load %arg7[%swap3A_1503, %swap3A_1504] : memref<200x2048xf32, #tpu.memory_space<vmem>>, vector<8x128xf32>
    tpu.vector_store %arg7[%swap3A_1503, %swap3A_1504], %slice3A_1502 {strides = array<i32>} : memref<200x2048xf32, #tpu.memory_space<vmem>>, vector<8x128xf32>,
    %slice3A_1506 = vector.extract_strided_slice %dot_general3A_1501 {offsets = [8, 0], sizes = [8, 128], strides = [1, 1]} : vector<128x128xf32> to vector<8x128xf32>
    %swap3A_1507 = arith.constant 144 : index
    %swap3A_1508 = arith.constant 128 : index
    %swap3A_1509 = vector.load %arg7[%swap3A_1507, %swap3A_1508] : memref<200x2048xf32, #tpu.memory_space<vmem>>, vector<8x128xf32>
    tpu.vector_store %arg7[%swap3A_1507, %swap3A_1508], %slice3A_1506 {strides = array<i32>} : memref<200x2048xf32, #tpu.memory_space<vmem>>, vector<8x128xf32>,
    %slice3A_1510 = vector.extract_strided_slice %dot_general3A_1501 {offsets = [16, 0], sizes = [8, 128], strides = [1, 1]} : vector<128x128xf32> to vector<8x128xf32>
    %swap3A_1511 = arith.constant 144 : index
    %swap3A_1512 = arith.constant 256 : index
    %swap3A_1513 = vector.load %arg7[%swap3A_1511, %swap3A_1512] : memref<200x2048xf32, #tpu.memory_space<vmem>>, vector<8x128xf32>
    tpu.vector_store %arg7[%swap3A_1511, %swap3A_1512], %slice3A_1510 {strides = array<i32>} : memref<200x2048xf32, #tpu.memory_space<vmem>>, vector<8x128xf32>,
    %slice3A_1514 = vector.extract_strided_slice %dot_general3A_1501 {offsets = [24, 0], sizes = [8, 128], strides = [1, 1]} : vector<128x128xf32> to vector<8x128xf32>
    %swap3A_1515 = arith.constant 144 : index
    %swap3A_1516 = arith.constant 384 : index
    %swap3A_1517 = vector.load %arg7[%swap3A_1515, %swap3A_1516] : memref<200x2048xf32, #tpu.memory_space<vmem>>, vector<8x128xf32>
    tpu.vector_store %arg7[%swap3A_1515, %swap3A_1516], %slice3A_1514 {strides = array<i32>} : memref<200x2048xf32, #tpu.memory_space<vmem>>, vector<8x128xf32>,
    %slice3A_1518 = vector.extract_strided_slice %dot_general3A_1501 {offsets = [32, 0], sizes = [8, 128], strides = [1, 1]} : vector<128x128xf32> to vector<8x128xf32>
    %swap3A_1519 = arith.constant 144 : index
    %swap3A_1520 = arith.constant 512 : index
    %swap3A_1521 = vector.load %arg7[%swap3A_1519, %swap3A_1520] : memref<200x2048xf32, #tpu.memory_space<vmem>>, vector<8x128xf32>
    tpu.vector_store %arg7[%swap3A_1519, %swap3A_1520], %slice3A_1518 {strides = array<i32>} : memref<200x2048xf32, #tpu.memory_space<vmem>>, vector<8x128xf32>,
    %slice3A_1522 = vector.extract_strided_slice %dot_general3A_1501 {offsets = [40, 0], sizes = [8, 128], strides = [1, 1]} : vector<128x128xf32> to vector<8x128xf32>
    %swap3A_1523 = arith.constant 144 : index
    %swap3A_1524 = arith.constant 640 : index
    %swap3A_1525 = vector.load %arg7[%swap3A_1523, %swap3A_1524] : memref<200x2048xf32, #tpu.memory_space<vmem>>, vector<8x128xf32>
    tpu.vector_store %arg7[%swap3A_1523, %swap3A_1524], %slice3A_1522 {strides = array<i32>} : memref<200x2048xf32, #tpu.memory_space<vmem>>, vector<8x128xf32>,
    %slice3A_1526 = vector.extract_strided_slice %dot_general3A_1501 {offsets = [48, 0], sizes = [8, 128], strides = [1, 1]} : vector<128x128xf32> to vector<8x128xf32>
    %swap3A_1527 = arith.constant 144 : index
    %swap3A_1528 = arith.constant 768 : index
    %swap3A_1529 = vector.load %arg7[%swap3A_1527, %swap3A_1528] : memref<200x2048xf32, #tpu.memory_space<vmem>>, vector<8x128xf32>
    tpu.vector_store %arg7[%swap3A_1527, %swap3A_1528], %slice3A_1526 {strides = array<i32>} : memref<200x2048xf32, #tpu.memory_space<vmem>>, vector<8x128xf32>,
    %slice3A_1530 = vector.extract_strided_slice %dot_general3A_1501 {offsets = [56, 0], sizes = [8, 128], strides = [1, 1]} : vector<128x128xf32> to vector<8x128xf32>
    %swap3A_1531 = arith.constant 144 : index
    %swap3A_1532 = arith.constant 896 : index
    %swap3A_1533 = vector.load %arg7[%swap3A_1531, %swap3A_1532] : memref<200x2048xf32, #tpu.memory_space<vmem>>, vector<8x128xf32>
    tpu.vector_store %arg7[%swap3A_1531, %swap3A_1532], %slice3A_1530 {strides = array<i32>} : memref<200x2048xf32, #tpu.memory_space<vmem>>, vector<8x128xf32>,
    %slice3A_1534 = vector.extract_strided_slice %dot_general3A_1501 {offsets = [64, 0], sizes = [8, 128], strides = [1, 1]} : vector<128x128xf32> to vector<8x128xf32>
    %swap3A_1535 = arith.constant 144 : index
    %swap3A_1536 = arith.constant 1024 : index
    %swap3A_1537 = vector.load %arg7[%swap3A_1535, %swap3A_1536] : memref<200x2048xf32, #tpu.memory_space<vmem>>, vector<8x128xf32>
    tpu.vector_store %arg7[%swap3A_1535, %swap3A_1536], %slice3A_1534 {strides = array<i32>} : memref<200x2048xf32, #tpu.memory_space<vmem>>, vector<8x128xf32>,
    %slice3A_1538 = vector.extract_strided_slice %dot_general3A_1501 {offsets = [72, 0], sizes = [8, 128], strides = [1, 1]} : vector<128x128xf32> to vector<8x128xf32>
    %swap3A_1539 = arith.constant 144 : index
    %swap3A_1540 = arith.constant 1152 : index
    %swap3A_1541 = vector.load %arg7[%swap3A_1539, %swap3A_1540] : memref<200x2048xf32, #tpu.memory_space<vmem>>, vector<8x128xf32>
    tpu.vector_store %arg7[%swap3A_1539, %swap3A_1540], %slice3A_1538 {strides = array<i32>} : memref<200x2048xf32, #tpu.memory_space<vmem>>, vector<8x128xf32>,
    %slice3A_1542 = vector.extract_strided_slice %dot_general3A_1501 {offsets = [80, 0], sizes = [8, 128], strides = [1, 1]} : vector<128x128xf32> to vector<8x128xf32>
    %swap3A_1543 = arith.constant 144 : index
    %swap3A_1544 = arith.constant 1280 : index
    %swap3A_1545 = vector.load %arg7[%swap3A_1543, %swap3A_1544] : memref<200x2048xf32, #tpu.memory_space<vmem>>, vector<8x128xf32>
    tpu.vector_store %arg7[%swap3A_1543, %swap3A_1544], %slice3A_1542 {strides = array<i32>} : memref<200x2048xf32, #tpu.memory_space<vmem>>, vector<8x128xf32>,
    %slice3A_1546 = vector.extract_strided_slice %dot_general3A_1501 {offsets = [88, 0], sizes = [8, 128], strides = [1, 1]} : vector<128x128xf32> to vector<8x128xf32>
    %swap3A_1547 = arith.constant 144 : index
    %swap3A_1548 = arith.constant 1408 : index
    %swap3A_1549 = vector.load %arg7[%swap3A_1547, %swap3A_1548] : memref<200x2048xf32, #tpu.memory_space<vmem>>, vector<8x128xf32>
    tpu.vector_store %arg7[%swap3A_1547, %swap3A_1548], %slice3A_1546 {strides = array<i32>} : memref<200x2048xf32, #tpu.memory_space<vmem>>, vector<8x128xf32>,
    %slice3A_1550 = vector.extract_strided_slice %dot_general3A_1501 {offsets = [96, 0], sizes = [8, 128], strides = [1, 1]} : vector<128x128xf32> to vector<8x128xf32>
    %swap3A_1551 = arith.constant 144 : index
    %swap3A_1552 = arith.constant 1536 : index
    %swap3A_1553 = vector.load %arg7[%swap3A_1551, %swap3A_1552] : memref<200x2048xf32, #tpu.memory_space<vmem>>, vector<8x128xf32>
    tpu.vector_store %arg7[%swap3A_1551, %swap3A_1552], %slice3A_1550 {strides = array<i32>} : memref<200x2048xf32, #tpu.memory_space<vmem>>, vector<8x128xf32>,
    %slice3A_1554 = vector.extract_strided_slice %dot_general3A_1501 {offsets = [104, 0], sizes = [8, 128], strides = [1, 1]} : vector<128x128xf32> to vector<8x128xf32>
    %swap3A_1555 = arith.constant 144 : index
    %swap3A_1556 = arith.constant 1664 : index
    %swap3A_1557 = vector.load %arg7[%swap3A_1555, %swap3A_1556] : memref<200x2048xf32, #tpu.memory_space<vmem>>, vector<8x128xf32>
    tpu.vector_store %arg7[%swap3A_1555, %swap3A_1556], %slice3A_1554 {strides = array<i32>} : memref<200x2048xf32, #tpu.memory_space<vmem>>, vector<8x128xf32>,
    %slice3A_1558 = vector.extract_strided_slice %dot_general3A_1501 {offsets = [112, 0], sizes = [8, 128], strides = [1, 1]} : vector<128x128xf32> to vector<8x128xf32>
    %swap3A_1559 = arith.constant 144 : index
    %swap3A_1560 = arith.constant 1792 : index
    %swap3A_1561 = vector.load %arg7[%swap3A_1559, %swap3A_1560] : memref<200x2048xf32, #tpu.memory_space<vmem>>, vector<8x128xf32>
    tpu.vector_store %arg7[%swap3A_1559, %swap3A_1560], %slice3A_1558 {strides = array<i32>} : memref<200x2048xf32, #tpu.memory_space<vmem>>, vector<8x128xf32>,
    %slice3A_1562 = vector.extract_strided_slice %dot_general3A_1501 {offsets = [120, 0], sizes = [8, 128], strides = [1, 1]} : vector<128x128xf32> to vector<8x128xf32>
    %swap3A_1563 = arith.constant 144 : index
    %swap3A_1564 = arith.constant 1920 : index
    %swap3A_1565 = vector.load %arg7[%swap3A_1563, %swap3A_1564] : memref<200x2048xf32, #tpu.memory_space<vmem>>, vector<8x128xf32>
    tpu.vector_store %arg7[%swap3A_1563, %swap3A_1564], %slice3A_1562 {strides = array<i32>} : memref<200x2048xf32, #tpu.memory_space<vmem>>, vector<8x128xf32>,
    %slice3A_1566 = vector.extract_strided_slice %select_n3A_70 {offsets = [0, 4864], sizes = [16, 256], strides = [1, 1]} : vector<16x6400xf32> to vector<16x256xf32>
    %broadcast_in_dim3A_1567 = vector.shape_cast %slice3A_1566 : vector<16x256xf32> to vector<16x1x256xf32>
    %broadcast_in_dim3A_1568 = vector.shape_cast %broadcast_in_dim3A_1567 : vector<16x1x256xf32> to vector<16x1x256xf32>
    %broadcast_in_dim3A_1569 = vector.broadcast %broadcast_in_dim3A_1568 : vector<16x1x256xf32> to vector<16x8x256xf32>
    %reshape3A_1570 = vector.shape_cast %broadcast_in_dim3A_1569 : vector<16x8x256xf32> to vector<128x256xf32>
    %jit3A_1571 = arith.constant 0.000000e+00 : f32
    %broadcast_in_dim3A_1572 = vector.broadcast %jit3A_1571 : f32 to vector<128x256xf32>
    %select_n3A_1573 = arith.select %eq3A_123, %reshape3A_1570, %broadcast_in_dim3A_1572 : vector<128x256xi1>, vector<128x256xf32>
    %convert_element_type3A_1574 = arith.truncf %select_n3A_1573 : vector<128x256xf32> to vector<128x256xbf16>
    %slice3A_1575 = vector.extract_strided_slice %convert_element_type3A {offsets = [4864, 0], sizes = [256, 128], strides = [1, 1]} : vector<6400x128xbf16> to vector<256x128xbf16>
    %dot_general3A_1576 = arith.constant dense<0.000000e+00> : vector<128x128xf32>
    %dot_general3A_1577 = tpu.matmul %convert_element_type3A_1574, %slice3A_1575, %dot_general3A_1576 {dimension_numbers = #tpu.dot_dimension_numbers<[1], [0], [0], [1], [0, 0, 1, 1], [], []>, transpose_lhs_hint = false} : vector<128x256xbf16>, vector<256x128xbf16>, vector<128x128xf32> -> vector<128x128xf32>
    %slice3A_1578 = vector.extract_strided_slice %dot_general3A_1577 {offsets = [0, 0], sizes = [8, 128], strides = [1, 1]} : vector<128x128xf32> to vector<8x128xf32>
    %swap3A_1579 = arith.constant 152 : index
    %swap3A_1580 = arith.constant 0 : index
    %swap3A_1581 = vector.load %arg7[%swap3A_1579, %swap3A_1580] : memref<200x2048xf32, #tpu.memory_space<vmem>>, vector<8x128xf32>
    tpu.vector_store %arg7[%swap3A_1579, %swap3A_1580], %slice3A_1578 {strides = array<i32>} : memref<200x2048xf32, #tpu.memory_space<vmem>>, vector<8x128xf32>,
    %slice3A_1582 = vector.extract_strided_slice %dot_general3A_1577 {offsets = [8, 0], sizes = [8, 128], strides = [1, 1]} : vector<128x128xf32> to vector<8x128xf32>
    %swap3A_1583 = arith.constant 152 : index
    %swap3A_1584 = arith.constant 128 : index
    %swap3A_1585 = vector.load %arg7[%swap3A_1583, %swap3A_1584] : memref<200x2048xf32, #tpu.memory_space<vmem>>, vector<8x128xf32>
    tpu.vector_store %arg7[%swap3A_1583, %swap3A_1584], %slice3A_1582 {strides = array<i32>} : memref<200x2048xf32, #tpu.memory_space<vmem>>, vector<8x128xf32>,
    %slice3A_1586 = vector.extract_strided_slice %dot_general3A_1577 {offsets = [16, 0], sizes = [8, 128], strides = [1, 1]} : vector<128x128xf32> to vector<8x128xf32>
    %swap3A_1587 = arith.constant 152 : index
    %swap3A_1588 = arith.constant 256 : index
    %swap3A_1589 = vector.load %arg7[%swap3A_1587, %swap3A_1588] : memref<200x2048xf32, #tpu.memory_space<vmem>>, vector<8x128xf32>
    tpu.vector_store %arg7[%swap3A_1587, %swap3A_1588], %slice3A_1586 {strides = array<i32>} : memref<200x2048xf32, #tpu.memory_space<vmem>>, vector<8x128xf32>,
    %slice3A_1590 = vector.extract_strided_slice %dot_general3A_1577 {offsets = [24, 0], sizes = [8, 128], strides = [1, 1]} : vector<128x128xf32> to vector<8x128xf32>
    %swap3A_1591 = arith.constant 152 : index
    %swap3A_1592 = arith.constant 384 : index
    %swap3A_1593 = vector.load %arg7[%swap3A_1591, %swap3A_1592] : memref<200x2048xf32, #tpu.memory_space<vmem>>, vector<8x128xf32>
    tpu.vector_store %arg7[%swap3A_1591, %swap3A_1592], %slice3A_1590 {strides = array<i32>} : memref<200x2048xf32, #tpu.memory_space<vmem>>, vector<8x128xf32>,
    %slice3A_1594 = vector.extract_strided_slice %dot_general3A_1577 {offsets = [32, 0], sizes = [8, 128], strides = [1, 1]} : vector<128x128xf32> to vector<8x128xf32>
    %swap3A_1595 = arith.constant 152 : index
    %swap3A_1596 = arith.constant 512 : index
    %swap3A_1597 = vector.load %arg7[%swap3A_1595, %swap3A_1596] : memref<200x2048xf32, #tpu.memory_space<vmem>>, vector<8x128xf32>
    tpu.vector_store %arg7[%swap3A_1595, %swap3A_1596], %slice3A_1594 {strides = array<i32>} : memref<200x2048xf32, #tpu.memory_space<vmem>>, vector<8x128xf32>,
    %slice3A_1598 = vector.extract_strided_slice %dot_general3A_1577 {offsets = [40, 0], sizes = [8, 128], strides = [1, 1]} : vector<128x128xf32> to vector<8x128xf32>
    %swap3A_1599 = arith.constant 152 : index
    %swap3A_1600 = arith.constant 640 : index
    %swap3A_1601 = vector.load %arg7[%swap3A_1599, %swap3A_1600] : memref<200x2048xf32, #tpu.memory_space<vmem>>, vector<8x128xf32>
    tpu.vector_store %arg7[%swap3A_1599, %swap3A_1600], %slice3A_1598 {strides = array<i32>} : memref<200x2048xf32, #tpu.memory_space<vmem>>, vector<8x128xf32>,
    %slice3A_1602 = vector.extract_strided_slice %dot_general3A_1577 {offsets = [48, 0], sizes = [8, 128], strides = [1, 1]} : vector<128x128xf32> to vector<8x128xf32>
    %swap3A_1603 = arith.constant 152 : index
    %swap3A_1604 = arith.constant 768 : index
    %swap3A_1605 = vector.load %arg7[%swap3A_1603, %swap3A_1604] : memref<200x2048xf32, #tpu.memory_space<vmem>>, vector<8x128xf32>
    tpu.vector_store %arg7[%swap3A_1603, %swap3A_1604], %slice3A_1602 {strides = array<i32>} : memref<200x2048xf32, #tpu.memory_space<vmem>>, vector<8x128xf32>,
    %slice3A_1606 = vector.extract_strided_slice %dot_general3A_1577 {offsets = [56, 0], sizes = [8, 128], strides = [1, 1]} : vector<128x128xf32> to vector<8x128xf32>
    %swap3A_1607 = arith.constant 152 : index
    %swap3A_1608 = arith.constant 896 : index
    %swap3A_1609 = vector.load %arg7[%swap3A_1607, %swap3A_1608] : memref<200x2048xf32, #tpu.memory_space<vmem>>, vector<8x128xf32>
    tpu.vector_store %arg7[%swap3A_1607, %swap3A_1608], %slice3A_1606 {strides = array<i32>} : memref<200x2048xf32, #tpu.memory_space<vmem>>, vector<8x128xf32>,
    %slice3A_1610 = vector.extract_strided_slice %dot_general3A_1577 {offsets = [64, 0], sizes = [8, 128], strides = [1, 1]} : vector<128x128xf32> to vector<8x128xf32>
    %swap3A_1611 = arith.constant 152 : index
    %swap3A_1612 = arith.constant 1024 : index
    %swap3A_1613 = vector.load %arg7[%swap3A_1611, %swap3A_1612] : memref<200x2048xf32, #tpu.memory_space<vmem>>, vector<8x128xf32>
    tpu.vector_store %arg7[%swap3A_1611, %swap3A_1612], %slice3A_1610 {strides = array<i32>} : memref<200x2048xf32, #tpu.memory_space<vmem>>, vector<8x128xf32>,
    %slice3A_1614 = vector.extract_strided_slice %dot_general3A_1577 {offsets = [72, 0], sizes = [8, 128], strides = [1, 1]} : vector<128x128xf32> to vector<8x128xf32>
    %swap3A_1615 = arith.constant 152 : index
    %swap3A_1616 = arith.constant 1152 : index
    %swap3A_1617 = vector.load %arg7[%swap3A_1615, %swap3A_1616] : memref<200x2048xf32, #tpu.memory_space<vmem>>, vector<8x128xf32>
    tpu.vector_store %arg7[%swap3A_1615, %swap3A_1616], %slice3A_1614 {strides = array<i32>} : memref<200x2048xf32, #tpu.memory_space<vmem>>, vector<8x128xf32>,
    %slice3A_1618 = vector.extract_strided_slice %dot_general3A_1577 {offsets = [80, 0], sizes = [8, 128], strides = [1, 1]} : vector<128x128xf32> to vector<8x128xf32>
    %swap3A_1619 = arith.constant 152 : index
    %swap3A_1620 = arith.constant 1280 : index
    %swap3A_1621 = vector.load %arg7[%swap3A_1619, %swap3A_1620] : memref<200x2048xf32, #tpu.memory_space<vmem>>, vector<8x128xf32>
    tpu.vector_store %arg7[%swap3A_1619, %swap3A_1620], %slice3A_1618 {strides = array<i32>} : memref<200x2048xf32, #tpu.memory_space<vmem>>, vector<8x128xf32>,
    %slice3A_1622 = vector.extract_strided_slice %dot_general3A_1577 {offsets = [88, 0], sizes = [8, 128], strides = [1, 1]} : vector<128x128xf32> to vector<8x128xf32>
    %swap3A_1623 = arith.constant 152 : index
    %swap3A_1624 = arith.constant 1408 : index
    %swap3A_1625 = vector.load %arg7[%swap3A_1623, %swap3A_1624] : memref<200x2048xf32, #tpu.memory_space<vmem>>, vector<8x128xf32>
    tpu.vector_store %arg7[%swap3A_1623, %swap3A_1624], %slice3A_1622 {strides = array<i32>} : memref<200x2048xf32, #tpu.memory_space<vmem>>, vector<8x128xf32>,
    %slice3A_1626 = vector.extract_strided_slice %dot_general3A_1577 {offsets = [96, 0], sizes = [8, 128], strides = [1, 1]} : vector<128x128xf32> to vector<8x128xf32>
    %swap3A_1627 = arith.constant 152 : index
    %swap3A_1628 = arith.constant 1536 : index
    %swap3A_1629 = vector.load %arg7[%swap3A_1627, %swap3A_1628] : memref<200x2048xf32, #tpu.memory_space<vmem>>, vector<8x128xf32>
    tpu.vector_store %arg7[%swap3A_1627, %swap3A_1628], %slice3A_1626 {strides = array<i32>} : memref<200x2048xf32, #tpu.memory_space<vmem>>, vector<8x128xf32>,
    %slice3A_1630 = vector.extract_strided_slice %dot_general3A_1577 {offsets = [104, 0], sizes = [8, 128], strides = [1, 1]} : vector<128x128xf32> to vector<8x128xf32>
    %swap3A_1631 = arith.constant 152 : index
    %swap3A_1632 = arith.constant 1664 : index
    %swap3A_1633 = vector.load %arg7[%swap3A_1631, %swap3A_1632] : memref<200x2048xf32, #tpu.memory_space<vmem>>, vector<8x128xf32>
    tpu.vector_store %arg7[%swap3A_1631, %swap3A_1632], %slice3A_1630 {strides = array<i32>} : memref<200x2048xf32, #tpu.memory_space<vmem>>, vector<8x128xf32>,
    %slice3A_1634 = vector.extract_strided_slice %dot_general3A_1577 {offsets = [112, 0], sizes = [8, 128], strides = [1, 1]} : vector<128x128xf32> to vector<8x128xf32>
    %swap3A_1635 = arith.constant 152 : index
    %swap3A_1636 = arith.constant 1792 : index
    %swap3A_1637 = vector.load %arg7[%swap3A_1635, %swap3A_1636] : memref<200x2048xf32, #tpu.memory_space<vmem>>, vector<8x128xf32>
    tpu.vector_store %arg7[%swap3A_1635, %swap3A_1636], %slice3A_1634 {strides = array<i32>} : memref<200x2048xf32, #tpu.memory_space<vmem>>, vector<8x128xf32>,
    %slice3A_1638 = vector.extract_strided_slice %dot_general3A_1577 {offsets = [120, 0], sizes = [8, 128], strides = [1, 1]} : vector<128x128xf32> to vector<8x128xf32>
    %swap3A_1639 = arith.constant 152 : index
    %swap3A_1640 = arith.constant 1920 : index
    %swap3A_1641 = vector.load %arg7[%swap3A_1639, %swap3A_1640] : memref<200x2048xf32, #tpu.memory_space<vmem>>, vector<8x128xf32>
    tpu.vector_store %arg7[%swap3A_1639, %swap3A_1640], %slice3A_1638 {strides = array<i32>} : memref<200x2048xf32, #tpu.memory_space<vmem>>, vector<8x128xf32>,
    %slice3A_1642 = vector.extract_strided_slice %select_n3A_70 {offsets = [0, 5120], sizes = [16, 256], strides = [1, 1]} : vector<16x6400xf32> to vector<16x256xf32>
    %broadcast_in_dim3A_1643 = vector.shape_cast %slice3A_1642 : vector<16x256xf32> to vector<16x1x256xf32>
    %broadcast_in_dim3A_1644 = vector.shape_cast %broadcast_in_dim3A_1643 : vector<16x1x256xf32> to vector<16x1x256xf32>
    %broadcast_in_dim3A_1645 = vector.broadcast %broadcast_in_dim3A_1644 : vector<16x1x256xf32> to vector<16x8x256xf32>
    %reshape3A_1646 = vector.shape_cast %broadcast_in_dim3A_1645 : vector<16x8x256xf32> to vector<128x256xf32>
    %jit3A_1647 = arith.constant 0.000000e+00 : f32
    %broadcast_in_dim3A_1648 = vector.broadcast %jit3A_1647 : f32 to vector<128x256xf32>
    %select_n3A_1649 = arith.select %eq3A_123, %reshape3A_1646, %broadcast_in_dim3A_1648 : vector<128x256xi1>, vector<128x256xf32>
    %convert_element_type3A_1650 = arith.truncf %select_n3A_1649 : vector<128x256xf32> to vector<128x256xbf16>
    %slice3A_1651 = vector.extract_strided_slice %convert_element_type3A {offsets = [5120, 0], sizes = [256, 128], strides = [1, 1]} : vector<6400x128xbf16> to vector<256x128xbf16>
    %dot_general3A_1652 = arith.constant dense<0.000000e+00> : vector<128x128xf32>
    %dot_general3A_1653 = tpu.matmul %convert_element_type3A_1650, %slice3A_1651, %dot_general3A_1652 {dimension_numbers = #tpu.dot_dimension_numbers<[1], [0], [0], [1], [0, 0, 1, 1], [], []>, transpose_lhs_hint = false} : vector<128x256xbf16>, vector<256x128xbf16>, vector<128x128xf32> -> vector<128x128xf32>
    %slice3A_1654 = vector.extract_strided_slice %dot_general3A_1653 {offsets = [0, 0], sizes = [8, 128], strides = [1, 1]} : vector<128x128xf32> to vector<8x128xf32>
    %swap3A_1655 = arith.constant 160 : index
    %swap3A_1656 = arith.constant 0 : index
    %swap3A_1657 = vector.load %arg7[%swap3A_1655, %swap3A_1656] : memref<200x2048xf32, #tpu.memory_space<vmem>>, vector<8x128xf32>
    tpu.vector_store %arg7[%swap3A_1655, %swap3A_1656], %slice3A_1654 {strides = array<i32>} : memref<200x2048xf32, #tpu.memory_space<vmem>>, vector<8x128xf32>,
    %slice3A_1658 = vector.extract_strided_slice %dot_general3A_1653 {offsets = [8, 0], sizes = [8, 128], strides = [1, 1]} : vector<128x128xf32> to vector<8x128xf32>
    %swap3A_1659 = arith.constant 160 : index
    %swap3A_1660 = arith.constant 128 : index
    %swap3A_1661 = vector.load %arg7[%swap3A_1659, %swap3A_1660] : memref<200x2048xf32, #tpu.memory_space<vmem>>, vector<8x128xf32>
    tpu.vector_store %arg7[%swap3A_1659, %swap3A_1660], %slice3A_1658 {strides = array<i32>} : memref<200x2048xf32, #tpu.memory_space<vmem>>, vector<8x128xf32>,
    %slice3A_1662 = vector.extract_strided_slice %dot_general3A_1653 {offsets = [16, 0], sizes = [8, 128], strides = [1, 1]} : vector<128x128xf32> to vector<8x128xf32>
    %swap3A_1663 = arith.constant 160 : index
    %swap3A_1664 = arith.constant 256 : index
    %swap3A_1665 = vector.load %arg7[%swap3A_1663, %swap3A_1664] : memref<200x2048xf32, #tpu.memory_space<vmem>>, vector<8x128xf32>
    tpu.vector_store %arg7[%swap3A_1663, %swap3A_1664], %slice3A_1662 {strides = array<i32>} : memref<200x2048xf32, #tpu.memory_space<vmem>>, vector<8x128xf32>,
    %slice3A_1666 = vector.extract_strided_slice %dot_general3A_1653 {offsets = [24, 0], sizes = [8, 128], strides = [1, 1]} : vector<128x128xf32> to vector<8x128xf32>
    %swap3A_1667 = arith.constant 160 : index
    %swap3A_1668 = arith.constant 384 : index
    %swap3A_1669 = vector.load %arg7[%swap3A_1667, %swap3A_1668] : memref<200x2048xf32, #tpu.memory_space<vmem>>, vector<8x128xf32>
    tpu.vector_store %arg7[%swap3A_1667, %swap3A_1668], %slice3A_1666 {strides = array<i32>} : memref<200x2048xf32, #tpu.memory_space<vmem>>, vector<8x128xf32>,
    %slice3A_1670 = vector.extract_strided_slice %dot_general3A_1653 {offsets = [32, 0], sizes = [8, 128], strides = [1, 1]} : vector<128x128xf32> to vector<8x128xf32>
    %swap3A_1671 = arith.constant 160 : index
    %swap3A_1672 = arith.constant 512 : index
    %swap3A_1673 = vector.load %arg7[%swap3A_1671, %swap3A_1672] : memref<200x2048xf32, #tpu.memory_space<vmem>>, vector<8x128xf32>
    tpu.vector_store %arg7[%swap3A_1671, %swap3A_1672], %slice3A_1670 {strides = array<i32>} : memref<200x2048xf32, #tpu.memory_space<vmem>>, vector<8x128xf32>,
    %slice3A_1674 = vector.extract_strided_slice %dot_general3A_1653 {offsets = [40, 0], sizes = [8, 128], strides = [1, 1]} : vector<128x128xf32> to vector<8x128xf32>
    %swap3A_1675 = arith.constant 160 : index
    %swap3A_1676 = arith.constant 640 : index
    %swap3A_1677 = vector.load %arg7[%swap3A_1675, %swap3A_1676] : memref<200x2048xf32, #tpu.memory_space<vmem>>, vector<8x128xf32>
    tpu.vector_store %arg7[%swap3A_1675, %swap3A_1676], %slice3A_1674 {strides = array<i32>} : memref<200x2048xf32, #tpu.memory_space<vmem>>, vector<8x128xf32>,
    %slice3A_1678 = vector.extract_strided_slice %dot_general3A_1653 {offsets = [48, 0], sizes = [8, 128], strides = [1, 1]} : vector<128x128xf32> to vector<8x128xf32>
    %swap3A_1679 = arith.constant 160 : index
    %swap3A_1680 = arith.constant 768 : index
    %swap3A_1681 = vector.load %arg7[%swap3A_1679, %swap3A_1680] : memref<200x2048xf32, #tpu.memory_space<vmem>>, vector<8x128xf32>
    tpu.vector_store %arg7[%swap3A_1679, %swap3A_1680], %slice3A_1678 {strides = array<i32>} : memref<200x2048xf32, #tpu.memory_space<vmem>>, vector<8x128xf32>,
    %slice3A_1682 = vector.extract_strided_slice %dot_general3A_1653 {offsets = [56, 0], sizes = [8, 128], strides = [1, 1]} : vector<128x128xf32> to vector<8x128xf32>
    %swap3A_1683 = arith.constant 160 : index
    %swap3A_1684 = arith.constant 896 : index
    %swap3A_1685 = vector.load %arg7[%swap3A_1683, %swap3A_1684] : memref<200x2048xf32, #tpu.memory_space<vmem>>, vector<8x128xf32>
    tpu.vector_store %arg7[%swap3A_1683, %swap3A_1684], %slice3A_1682 {strides = array<i32>} : memref<200x2048xf32, #tpu.memory_space<vmem>>, vector<8x128xf32>,
    %slice3A_1686 = vector.extract_strided_slice %dot_general3A_1653 {offsets = [64, 0], sizes = [8, 128], strides = [1, 1]} : vector<128x128xf32> to vector<8x128xf32>
    %swap3A_1687 = arith.constant 160 : index
    %swap3A_1688 = arith.constant 1024 : index
    %swap3A_1689 = vector.load %arg7[%swap3A_1687, %swap3A_1688] : memref<200x2048xf32, #tpu.memory_space<vmem>>, vector<8x128xf32>
    tpu.vector_store %arg7[%swap3A_1687, %swap3A_1688], %slice3A_1686 {strides = array<i32>} : memref<200x2048xf32, #tpu.memory_space<vmem>>, vector<8x128xf32>,
    %slice3A_1690 = vector.extract_strided_slice %dot_general3A_1653 {offsets = [72, 0], sizes = [8, 128], strides = [1, 1]} : vector<128x128xf32> to vector<8x128xf32>
    %swap3A_1691 = arith.constant 160 : index
    %swap3A_1692 = arith.constant 1152 : index
    %swap3A_1693 = vector.load %arg7[%swap3A_1691, %swap3A_1692] : memref<200x2048xf32, #tpu.memory_space<vmem>>, vector<8x128xf32>
    tpu.vector_store %arg7[%swap3A_1691, %swap3A_1692], %slice3A_1690 {strides = array<i32>} : memref<200x2048xf32, #tpu.memory_space<vmem>>, vector<8x128xf32>,
    %slice3A_1694 = vector.extract_strided_slice %dot_general3A_1653 {offsets = [80, 0], sizes = [8, 128], strides = [1, 1]} : vector<128x128xf32> to vector<8x128xf32>
    %swap3A_1695 = arith.constant 160 : index
    %swap3A_1696 = arith.constant 1280 : index
    %swap3A_1697 = vector.load %arg7[%swap3A_1695, %swap3A_1696] : memref<200x2048xf32, #tpu.memory_space<vmem>>, vector<8x128xf32>
    tpu.vector_store %arg7[%swap3A_1695, %swap3A_1696], %slice3A_1694 {strides = array<i32>} : memref<200x2048xf32, #tpu.memory_space<vmem>>, vector<8x128xf32>,
    %slice3A_1698 = vector.extract_strided_slice %dot_general3A_1653 {offsets = [88, 0], sizes = [8, 128], strides = [1, 1]} : vector<128x128xf32> to vector<8x128xf32>
    %swap3A_1699 = arith.constant 160 : index
    %swap3A_1700 = arith.constant 1408 : index
    %swap3A_1701 = vector.load %arg7[%swap3A_1699, %swap3A_1700] : memref<200x2048xf32, #tpu.memory_space<vmem>>, vector<8x128xf32>
    tpu.vector_store %arg7[%swap3A_1699, %swap3A_1700], %slice3A_1698 {strides = array<i32>} : memref<200x2048xf32, #tpu.memory_space<vmem>>, vector<8x128xf32>,
    %slice3A_1702 = vector.extract_strided_slice %dot_general3A_1653 {offsets = [96, 0], sizes = [8, 128], strides = [1, 1]} : vector<128x128xf32> to vector<8x128xf32>
    %swap3A_1703 = arith.constant 160 : index
    %swap3A_1704 = arith.constant 1536 : index
    %swap3A_1705 = vector.load %arg7[%swap3A_1703, %swap3A_1704] : memref<200x2048xf32, #tpu.memory_space<vmem>>, vector<8x128xf32>
    tpu.vector_store %arg7[%swap3A_1703, %swap3A_1704], %slice3A_1702 {strides = array<i32>} : memref<200x2048xf32, #tpu.memory_space<vmem>>, vector<8x128xf32>,
    %slice3A_1706 = vector.extract_strided_slice %dot_general3A_1653 {offsets = [104, 0], sizes = [8, 128], strides = [1, 1]} : vector<128x128xf32> to vector<8x128xf32>
    %swap3A_1707 = arith.constant 160 : index
    %swap3A_1708 = arith.constant 1664 : index
    %swap3A_1709 = vector.load %arg7[%swap3A_1707, %swap3A_1708] : memref<200x2048xf32, #tpu.memory_space<vmem>>, vector<8x128xf32>
    tpu.vector_store %arg7[%swap3A_1707, %swap3A_1708], %slice3A_1706 {strides = array<i32>} : memref<200x2048xf32, #tpu.memory_space<vmem>>, vector<8x128xf32>,
    %slice3A_1710 = vector.extract_strided_slice %dot_general3A_1653 {offsets = [112, 0], sizes = [8, 128], strides = [1, 1]} : vector<128x128xf32> to vector<8x128xf32>
    %swap3A_1711 = arith.constant 160 : index
    %swap3A_1712 = arith.constant 1792 : index
    %swap3A_1713 = vector.load %arg7[%swap3A_1711, %swap3A_1712] : memref<200x2048xf32, #tpu.memory_space<vmem>>, vector<8x128xf32>
    tpu.vector_store %arg7[%swap3A_1711, %swap3A_1712], %slice3A_1710 {strides = array<i32>} : memref<200x2048xf32, #tpu.memory_space<vmem>>, vector<8x128xf32>,
    %slice3A_1714 = vector.extract_strided_slice %dot_general3A_1653 {offsets = [120, 0], sizes = [8, 128], strides = [1, 1]} : vector<128x128xf32> to vector<8x128xf32>
    %swap3A_1715 = arith.constant 160 : index
    %swap3A_1716 = arith.constant 1920 : index
    %swap3A_1717 = vector.load %arg7[%swap3A_1715, %swap3A_1716] : memref<200x2048xf32, #tpu.memory_space<vmem>>, vector<8x128xf32>
    tpu.vector_store %arg7[%swap3A_1715, %swap3A_1716], %slice3A_1714 {strides = array<i32>} : memref<200x2048xf32, #tpu.memory_space<vmem>>, vector<8x128xf32>,
    %slice3A_1718 = vector.extract_strided_slice %select_n3A_70 {offsets = [0, 5376], sizes = [16, 256], strides = [1, 1]} : vector<16x6400xf32> to vector<16x256xf32>
    %broadcast_in_dim3A_1719 = vector.shape_cast %slice3A_1718 : vector<16x256xf32> to vector<16x1x256xf32>
    %broadcast_in_dim3A_1720 = vector.shape_cast %broadcast_in_dim3A_1719 : vector<16x1x256xf32> to vector<16x1x256xf32>
    %broadcast_in_dim3A_1721 = vector.broadcast %broadcast_in_dim3A_1720 : vector<16x1x256xf32> to vector<16x8x256xf32>
    %reshape3A_1722 = vector.shape_cast %broadcast_in_dim3A_1721 : vector<16x8x256xf32> to vector<128x256xf32>
    %jit3A_1723 = arith.constant 0.000000e+00 : f32
    %broadcast_in_dim3A_1724 = vector.broadcast %jit3A_1723 : f32 to vector<128x256xf32>
    %select_n3A_1725 = arith.select %eq3A_123, %reshape3A_1722, %broadcast_in_dim3A_1724 : vector<128x256xi1>, vector<128x256xf32>
    %convert_element_type3A_1726 = arith.truncf %select_n3A_1725 : vector<128x256xf32> to vector<128x256xbf16>
    %slice3A_1727 = vector.extract_strided_slice %convert_element_type3A {offsets = [5376, 0], sizes = [256, 128], strides = [1, 1]} : vector<6400x128xbf16> to vector<256x128xbf16>
    %dot_general3A_1728 = arith.constant dense<0.000000e+00> : vector<128x128xf32>
    %dot_general3A_1729 = tpu.matmul %convert_element_type3A_1726, %slice3A_1727, %dot_general3A_1728 {dimension_numbers = #tpu.dot_dimension_numbers<[1], [0], [0], [1], [0, 0, 1, 1], [], []>, transpose_lhs_hint = false} : vector<128x256xbf16>, vector<256x128xbf16>, vector<128x128xf32> -> vector<128x128xf32>
    %slice3A_1730 = vector.extract_strided_slice %dot_general3A_1729 {offsets = [0, 0], sizes = [8, 128], strides = [1, 1]} : vector<128x128xf32> to vector<8x128xf32>
    %swap3A_1731 = arith.constant 168 : index
    %swap3A_1732 = arith.constant 0 : index
    %swap3A_1733 = vector.load %arg7[%swap3A_1731, %swap3A_1732] : memref<200x2048xf32, #tpu.memory_space<vmem>>, vector<8x128xf32>
    tpu.vector_store %arg7[%swap3A_1731, %swap3A_1732], %slice3A_1730 {strides = array<i32>} : memref<200x2048xf32, #tpu.memory_space<vmem>>, vector<8x128xf32>,
    %slice3A_1734 = vector.extract_strided_slice %dot_general3A_1729 {offsets = [8, 0], sizes = [8, 128], strides = [1, 1]} : vector<128x128xf32> to vector<8x128xf32>
    %swap3A_1735 = arith.constant 168 : index
    %swap3A_1736 = arith.constant 128 : index
    %swap3A_1737 = vector.load %arg7[%swap3A_1735, %swap3A_1736] : memref<200x2048xf32, #tpu.memory_space<vmem>>, vector<8x128xf32>
    tpu.vector_store %arg7[%swap3A_1735, %swap3A_1736], %slice3A_1734 {strides = array<i32>} : memref<200x2048xf32, #tpu.memory_space<vmem>>, vector<8x128xf32>,
    %slice3A_1738 = vector.extract_strided_slice %dot_general3A_1729 {offsets = [16, 0], sizes = [8, 128], strides = [1, 1]} : vector<128x128xf32> to vector<8x128xf32>
    %swap3A_1739 = arith.constant 168 : index
    %swap3A_1740 = arith.constant 256 : index
    %swap3A_1741 = vector.load %arg7[%swap3A_1739, %swap3A_1740] : memref<200x2048xf32, #tpu.memory_space<vmem>>, vector<8x128xf32>
    tpu.vector_store %arg7[%swap3A_1739, %swap3A_1740], %slice3A_1738 {strides = array<i32>} : memref<200x2048xf32, #tpu.memory_space<vmem>>, vector<8x128xf32>,
    %slice3A_1742 = vector.extract_strided_slice %dot_general3A_1729 {offsets = [24, 0], sizes = [8, 128], strides = [1, 1]} : vector<128x128xf32> to vector<8x128xf32>
    %swap3A_1743 = arith.constant 168 : index
    %swap3A_1744 = arith.constant 384 : index
    %swap3A_1745 = vector.load %arg7[%swap3A_1743, %swap3A_1744] : memref<200x2048xf32, #tpu.memory_space<vmem>>, vector<8x128xf32>
    tpu.vector_store %arg7[%swap3A_1743, %swap3A_1744], %slice3A_1742 {strides = array<i32>} : memref<200x2048xf32, #tpu.memory_space<vmem>>, vector<8x128xf32>,
    %slice3A_1746 = vector.extract_strided_slice %dot_general3A_1729 {offsets = [32, 0], sizes = [8, 128], strides = [1, 1]} : vector<128x128xf32> to vector<8x128xf32>
    %swap3A_1747 = arith.constant 168 : index
    %swap3A_1748 = arith.constant 512 : index
    %swap3A_1749 = vector.load %arg7[%swap3A_1747, %swap3A_1748] : memref<200x2048xf32, #tpu.memory_space<vmem>>, vector<8x128xf32>
    tpu.vector_store %arg7[%swap3A_1747, %swap3A_1748], %slice3A_1746 {strides = array<i32>} : memref<200x2048xf32, #tpu.memory_space<vmem>>, vector<8x128xf32>,
    %slice3A_1750 = vector.extract_strided_slice %dot_general3A_1729 {offsets = [40, 0], sizes = [8, 128], strides = [1, 1]} : vector<128x128xf32> to vector<8x128xf32>
    %swap3A_1751 = arith.constant 168 : index
    %swap3A_1752 = arith.constant 640 : index
    %swap3A_1753 = vector.load %arg7[%swap3A_1751, %swap3A_1752] : memref<200x2048xf32, #tpu.memory_space<vmem>>, vector<8x128xf32>
    tpu.vector_store %arg7[%swap3A_1751, %swap3A_1752], %slice3A_1750 {strides = array<i32>} : memref<200x2048xf32, #tpu.memory_space<vmem>>, vector<8x128xf32>,
    %slice3A_1754 = vector.extract_strided_slice %dot_general3A_1729 {offsets = [48, 0], sizes = [8, 128], strides = [1, 1]} : vector<128x128xf32> to vector<8x128xf32>
    %swap3A_1755 = arith.constant 168 : index
    %swap3A_1756 = arith.constant 768 : index
    %swap3A_1757 = vector.load %arg7[%swap3A_1755, %swap3A_1756] : memref<200x2048xf32, #tpu.memory_space<vmem>>, vector<8x128xf32>
    tpu.vector_store %arg7[%swap3A_1755, %swap3A_1756], %slice3A_1754 {strides = array<i32>} : memref<200x2048xf32, #tpu.memory_space<vmem>>, vector<8x128xf32>,
    %slice3A_1758 = vector.extract_strided_slice %dot_general3A_1729 {offsets = [56, 0], sizes = [8, 128], strides = [1, 1]} : vector<128x128xf32> to vector<8x128xf32>
    %swap3A_1759 = arith.constant 168 : index
    %swap3A_1760 = arith.constant 896 : index
    %swap3A_1761 = vector.load %arg7[%swap3A_1759, %swap3A_1760] : memref<200x2048xf32, #tpu.memory_space<vmem>>, vector<8x128xf32>
    tpu.vector_store %arg7[%swap3A_1759, %swap3A_1760], %slice3A_1758 {strides = array<i32>} : memref<200x2048xf32, #tpu.memory_space<vmem>>, vector<8x128xf32>,
    %slice3A_1762 = vector.extract_strided_slice %dot_general3A_1729 {offsets = [64, 0], sizes = [8, 128], strides = [1, 1]} : vector<128x128xf32> to vector<8x128xf32>
    %swap3A_1763 = arith.constant 168 : index
    %swap3A_1764 = arith.constant 1024 : index
    %swap3A_1765 = vector.load %arg7[%swap3A_1763, %swap3A_1764] : memref<200x2048xf32, #tpu.memory_space<vmem>>, vector<8x128xf32>
    tpu.vector_store %arg7[%swap3A_1763, %swap3A_1764], %slice3A_1762 {strides = array<i32>} : memref<200x2048xf32, #tpu.memory_space<vmem>>, vector<8x128xf32>,
    %slice3A_1766 = vector.extract_strided_slice %dot_general3A_1729 {offsets = [72, 0], sizes = [8, 128], strides = [1, 1]} : vector<128x128xf32> to vector<8x128xf32>
    %swap3A_1767 = arith.constant 168 : index
    %swap3A_1768 = arith.constant 1152 : index
    %swap3A_1769 = vector.load %arg7[%swap3A_1767, %swap3A_1768] : memref<200x2048xf32, #tpu.memory_space<vmem>>, vector<8x128xf32>
    tpu.vector_store %arg7[%swap3A_1767, %swap3A_1768], %slice3A_1766 {strides = array<i32>} : memref<200x2048xf32, #tpu.memory_space<vmem>>, vector<8x128xf32>,
    %slice3A_1770 = vector.extract_strided_slice %dot_general3A_1729 {offsets = [80, 0], sizes = [8, 128], strides = [1, 1]} : vector<128x128xf32> to vector<8x128xf32>
    %swap3A_1771 = arith.constant 168 : index
    %swap3A_1772 = arith.constant 1280 : index
    %swap3A_1773 = vector.load %arg7[%swap3A_1771, %swap3A_1772] : memref<200x2048xf32, #tpu.memory_space<vmem>>, vector<8x128xf32>
    tpu.vector_store %arg7[%swap3A_1771, %swap3A_1772], %slice3A_1770 {strides = array<i32>} : memref<200x2048xf32, #tpu.memory_space<vmem>>, vector<8x128xf32>,
    %slice3A_1774 = vector.extract_strided_slice %dot_general3A_1729 {offsets = [88, 0], sizes = [8, 128], strides = [1, 1]} : vector<128x128xf32> to vector<8x128xf32>
    %swap3A_1775 = arith.constant 168 : index
    %swap3A_1776 = arith.constant 1408 : index
    %swap3A_1777 = vector.load %arg7[%swap3A_1775, %swap3A_1776] : memref<200x2048xf32, #tpu.memory_space<vmem>>, vector<8x128xf32>
    tpu.vector_store %arg7[%swap3A_1775, %swap3A_1776], %slice3A_1774 {strides = array<i32>} : memref<200x2048xf32, #tpu.memory_space<vmem>>, vector<8x128xf32>,
    %slice3A_1778 = vector.extract_strided_slice %dot_general3A_1729 {offsets = [96, 0], sizes = [8, 128], strides = [1, 1]} : vector<128x128xf32> to vector<8x128xf32>
    %swap3A_1779 = arith.constant 168 : index
    %swap3A_1780 = arith.constant 1536 : index
    %swap3A_1781 = vector.load %arg7[%swap3A_1779, %swap3A_1780] : memref<200x2048xf32, #tpu.memory_space<vmem>>, vector<8x128xf32>
    tpu.vector_store %arg7[%swap3A_1779, %swap3A_1780], %slice3A_1778 {strides = array<i32>} : memref<200x2048xf32, #tpu.memory_space<vmem>>, vector<8x128xf32>,
    %slice3A_1782 = vector.extract_strided_slice %dot_general3A_1729 {offsets = [104, 0], sizes = [8, 128], strides = [1, 1]} : vector<128x128xf32> to vector<8x128xf32>
    %swap3A_1783 = arith.constant 168 : index
    %swap3A_1784 = arith.constant 1664 : index
    %swap3A_1785 = vector.load %arg7[%swap3A_1783, %swap3A_1784] : memref<200x2048xf32, #tpu.memory_space<vmem>>, vector<8x128xf32>
    tpu.vector_store %arg7[%swap3A_1783, %swap3A_1784], %slice3A_1782 {strides = array<i32>} : memref<200x2048xf32, #tpu.memory_space<vmem>>, vector<8x128xf32>,
    %slice3A_1786 = vector.extract_strided_slice %dot_general3A_1729 {offsets = [112, 0], sizes = [8, 128], strides = [1, 1]} : vector<128x128xf32> to vector<8x128xf32>
    %swap3A_1787 = arith.constant 168 : index
    %swap3A_1788 = arith.constant 1792 : index
    %swap3A_1789 = vector.load %arg7[%swap3A_1787, %swap3A_1788] : memref<200x2048xf32, #tpu.memory_space<vmem>>, vector<8x128xf32>
    tpu.vector_store %arg7[%swap3A_1787, %swap3A_1788], %slice3A_1786 {strides = array<i32>} : memref<200x2048xf32, #tpu.memory_space<vmem>>, vector<8x128xf32>,
    %slice3A_1790 = vector.extract_strided_slice %dot_general3A_1729 {offsets = [120, 0], sizes = [8, 128], strides = [1, 1]} : vector<128x128xf32> to vector<8x128xf32>
    %swap3A_1791 = arith.constant 168 : index
    %swap3A_1792 = arith.constant 1920 : index
    %swap3A_1793 = vector.load %arg7[%swap3A_1791, %swap3A_1792] : memref<200x2048xf32, #tpu.memory_space<vmem>>, vector<8x128xf32>
    tpu.vector_store %arg7[%swap3A_1791, %swap3A_1792], %slice3A_1790 {strides = array<i32>} : memref<200x2048xf32, #tpu.memory_space<vmem>>, vector<8x128xf32>,
    %slice3A_1794 = vector.extract_strided_slice %select_n3A_70 {offsets = [0, 5632], sizes = [16, 256], strides = [1, 1]} : vector<16x6400xf32> to vector<16x256xf32>
    %broadcast_in_dim3A_1795 = vector.shape_cast %slice3A_1794 : vector<16x256xf32> to vector<16x1x256xf32>
    %broadcast_in_dim3A_1796 = vector.shape_cast %broadcast_in_dim3A_1795 : vector<16x1x256xf32> to vector<16x1x256xf32>
    %broadcast_in_dim3A_1797 = vector.broadcast %broadcast_in_dim3A_1796 : vector<16x1x256xf32> to vector<16x8x256xf32>
    %reshape3A_1798 = vector.shape_cast %broadcast_in_dim3A_1797 : vector<16x8x256xf32> to vector<128x256xf32>
    %jit3A_1799 = arith.constant 0.000000e+00 : f32
    %broadcast_in_dim3A_1800 = vector.broadcast %jit3A_1799 : f32 to vector<128x256xf32>
    %select_n3A_1801 = arith.select %eq3A_123, %reshape3A_1798, %broadcast_in_dim3A_1800 : vector<128x256xi1>, vector<128x256xf32>
    %convert_element_type3A_1802 = arith.truncf %select_n3A_1801 : vector<128x256xf32> to vector<128x256xbf16>
    %slice3A_1803 = vector.extract_strided_slice %convert_element_type3A {offsets = [5632, 0], sizes = [256, 128], strides = [1, 1]} : vector<6400x128xbf16> to vector<256x128xbf16>
    %dot_general3A_1804 = arith.constant dense<0.000000e+00> : vector<128x128xf32>
    %dot_general3A_1805 = tpu.matmul %convert_element_type3A_1802, %slice3A_1803, %dot_general3A_1804 {dimension_numbers = #tpu.dot_dimension_numbers<[1], [0], [0], [1], [0, 0, 1, 1], [], []>, transpose_lhs_hint = false} : vector<128x256xbf16>, vector<256x128xbf16>, vector<128x128xf32> -> vector<128x128xf32>
    %slice3A_1806 = vector.extract_strided_slice %dot_general3A_1805 {offsets = [0, 0], sizes = [8, 128], strides = [1, 1]} : vector<128x128xf32> to vector<8x128xf32>
    %swap3A_1807 = arith.constant 176 : index
    %swap3A_1808 = arith.constant 0 : index
    %swap3A_1809 = vector.load %arg7[%swap3A_1807, %swap3A_1808] : memref<200x2048xf32, #tpu.memory_space<vmem>>, vector<8x128xf32>
    tpu.vector_store %arg7[%swap3A_1807, %swap3A_1808], %slice3A_1806 {strides = array<i32>} : memref<200x2048xf32, #tpu.memory_space<vmem>>, vector<8x128xf32>,
    %slice3A_1810 = vector.extract_strided_slice %dot_general3A_1805 {offsets = [8, 0], sizes = [8, 128], strides = [1, 1]} : vector<128x128xf32> to vector<8x128xf32>
    %swap3A_1811 = arith.constant 176 : index
    %swap3A_1812 = arith.constant 128 : index
    %swap3A_1813 = vector.load %arg7[%swap3A_1811, %swap3A_1812] : memref<200x2048xf32, #tpu.memory_space<vmem>>, vector<8x128xf32>
    tpu.vector_store %arg7[%swap3A_1811, %swap3A_1812], %slice3A_1810 {strides = array<i32>} : memref<200x2048xf32, #tpu.memory_space<vmem>>, vector<8x128xf32>,
    %slice3A_1814 = vector.extract_strided_slice %dot_general3A_1805 {offsets = [16, 0], sizes = [8, 128], strides = [1, 1]} : vector<128x128xf32> to vector<8x128xf32>
    %swap3A_1815 = arith.constant 176 : index
    %swap3A_1816 = arith.constant 256 : index
    %swap3A_1817 = vector.load %arg7[%swap3A_1815, %swap3A_1816] : memref<200x2048xf32, #tpu.memory_space<vmem>>, vector<8x128xf32>
    tpu.vector_store %arg7[%swap3A_1815, %swap3A_1816], %slice3A_1814 {strides = array<i32>} : memref<200x2048xf32, #tpu.memory_space<vmem>>, vector<8x128xf32>,
    %slice3A_1818 = vector.extract_strided_slice %dot_general3A_1805 {offsets = [24, 0], sizes = [8, 128], strides = [1, 1]} : vector<128x128xf32> to vector<8x128xf32>
    %swap3A_1819 = arith.constant 176 : index
    %swap3A_1820 = arith.constant 384 : index
    %swap3A_1821 = vector.load %arg7[%swap3A_1819, %swap3A_1820] : memref<200x2048xf32, #tpu.memory_space<vmem>>, vector<8x128xf32>
    tpu.vector_store %arg7[%swap3A_1819, %swap3A_1820], %slice3A_1818 {strides = array<i32>} : memref<200x2048xf32, #tpu.memory_space<vmem>>, vector<8x128xf32>,
    %slice3A_1822 = vector.extract_strided_slice %dot_general3A_1805 {offsets = [32, 0], sizes = [8, 128], strides = [1, 1]} : vector<128x128xf32> to vector<8x128xf32>
    %swap3A_1823 = arith.constant 176 : index
    %swap3A_1824 = arith.constant 512 : index
    %swap3A_1825 = vector.load %arg7[%swap3A_1823, %swap3A_1824] : memref<200x2048xf32, #tpu.memory_space<vmem>>, vector<8x128xf32>
    tpu.vector_store %arg7[%swap3A_1823, %swap3A_1824], %slice3A_1822 {strides = array<i32>} : memref<200x2048xf32, #tpu.memory_space<vmem>>, vector<8x128xf32>,
    %slice3A_1826 = vector.extract_strided_slice %dot_general3A_1805 {offsets = [40, 0], sizes = [8, 128], strides = [1, 1]} : vector<128x128xf32> to vector<8x128xf32>
    %swap3A_1827 = arith.constant 176 : index
    %swap3A_1828 = arith.constant 640 : index
    %swap3A_1829 = vector.load %arg7[%swap3A_1827, %swap3A_1828] : memref<200x2048xf32, #tpu.memory_space<vmem>>, vector<8x128xf32>
    tpu.vector_store %arg7[%swap3A_1827, %swap3A_1828], %slice3A_1826 {strides = array<i32>} : memref<200x2048xf32, #tpu.memory_space<vmem>>, vector<8x128xf32>,
    %slice3A_1830 = vector.extract_strided_slice %dot_general3A_1805 {offsets = [48, 0], sizes = [8, 128], strides = [1, 1]} : vector<128x128xf32> to vector<8x128xf32>
    %swap3A_1831 = arith.constant 176 : index
    %swap3A_1832 = arith.constant 768 : index
    %swap3A_1833 = vector.load %arg7[%swap3A_1831, %swap3A_1832] : memref<200x2048xf32, #tpu.memory_space<vmem>>, vector<8x128xf32>
    tpu.vector_store %arg7[%swap3A_1831, %swap3A_1832], %slice3A_1830 {strides = array<i32>} : memref<200x2048xf32, #tpu.memory_space<vmem>>, vector<8x128xf32>,
    %slice3A_1834 = vector.extract_strided_slice %dot_general3A_1805 {offsets = [56, 0], sizes = [8, 128], strides = [1, 1]} : vector<128x128xf32> to vector<8x128xf32>
    %swap3A_1835 = arith.constant 176 : index
    %swap3A_1836 = arith.constant 896 : index
    %swap3A_1837 = vector.load %arg7[%swap3A_1835, %swap3A_1836] : memref<200x2048xf32, #tpu.memory_space<vmem>>, vector<8x128xf32>
    tpu.vector_store %arg7[%swap3A_1835, %swap3A_1836], %slice3A_1834 {strides = array<i32>} : memref<200x2048xf32, #tpu.memory_space<vmem>>, vector<8x128xf32>,
    %slice3A_1838 = vector.extract_strided_slice %dot_general3A_1805 {offsets = [64, 0], sizes = [8, 128], strides = [1, 1]} : vector<128x128xf32> to vector<8x128xf32>
    %swap3A_1839 = arith.constant 176 : index
    %swap3A_1840 = arith.constant 1024 : index
    %swap3A_1841 = vector.load %arg7[%swap3A_1839, %swap3A_1840] : memref<200x2048xf32, #tpu.memory_space<vmem>>, vector<8x128xf32>
    tpu.vector_store %arg7[%swap3A_1839, %swap3A_1840], %slice3A_1838 {strides = array<i32>} : memref<200x2048xf32, #tpu.memory_space<vmem>>, vector<8x128xf32>,
    %slice3A_1842 = vector.extract_strided_slice %dot_general3A_1805 {offsets = [72, 0], sizes = [8, 128], strides = [1, 1]} : vector<128x128xf32> to vector<8x128xf32>
    %swap3A_1843 = arith.constant 176 : index
    %swap3A_1844 = arith.constant 1152 : index
    %swap3A_1845 = vector.load %arg7[%swap3A_1843, %swap3A_1844] : memref<200x2048xf32, #tpu.memory_space<vmem>>, vector<8x128xf32>
    tpu.vector_store %arg7[%swap3A_1843, %swap3A_1844], %slice3A_1842 {strides = array<i32>} : memref<200x2048xf32, #tpu.memory_space<vmem>>, vector<8x128xf32>,
    %slice3A_1846 = vector.extract_strided_slice %dot_general3A_1805 {offsets = [80, 0], sizes = [8, 128], strides = [1, 1]} : vector<128x128xf32> to vector<8x128xf32>
    %swap3A_1847 = arith.constant 176 : index
    %swap3A_1848 = arith.constant 1280 : index
    %swap3A_1849 = vector.load %arg7[%swap3A_1847, %swap3A_1848] : memref<200x2048xf32, #tpu.memory_space<vmem>>, vector<8x128xf32>
    tpu.vector_store %arg7[%swap3A_1847, %swap3A_1848], %slice3A_1846 {strides = array<i32>} : memref<200x2048xf32, #tpu.memory_space<vmem>>, vector<8x128xf32>,
    %slice3A_1850 = vector.extract_strided_slice %dot_general3A_1805 {offsets = [88, 0], sizes = [8, 128], strides = [1, 1]} : vector<128x128xf32> to vector<8x128xf32>
    %swap3A_1851 = arith.constant 176 : index
    %swap3A_1852 = arith.constant 1408 : index
    %swap3A_1853 = vector.load %arg7[%swap3A_1851, %swap3A_1852] : memref<200x2048xf32, #tpu.memory_space<vmem>>, vector<8x128xf32>
    tpu.vector_store %arg7[%swap3A_1851, %swap3A_1852], %slice3A_1850 {strides = array<i32>} : memref<200x2048xf32, #tpu.memory_space<vmem>>, vector<8x128xf32>,
    %slice3A_1854 = vector.extract_strided_slice %dot_general3A_1805 {offsets = [96, 0], sizes = [8, 128], strides = [1, 1]} : vector<128x128xf32> to vector<8x128xf32>
    %swap3A_1855 = arith.constant 176 : index
    %swap3A_1856 = arith.constant 1536 : index
    %swap3A_1857 = vector.load %arg7[%swap3A_1855, %swap3A_1856] : memref<200x2048xf32, #tpu.memory_space<vmem>>, vector<8x128xf32>
    tpu.vector_store %arg7[%swap3A_1855, %swap3A_1856], %slice3A_1854 {strides = array<i32>} : memref<200x2048xf32, #tpu.memory_space<vmem>>, vector<8x128xf32>,
    %slice3A_1858 = vector.extract_strided_slice %dot_general3A_1805 {offsets = [104, 0], sizes = [8, 128], strides = [1, 1]} : vector<128x128xf32> to vector<8x128xf32>
    %swap3A_1859 = arith.constant 176 : index
    %swap3A_1860 = arith.constant 1664 : index
    %swap3A_1861 = vector.load %arg7[%swap3A_1859, %swap3A_1860] : memref<200x2048xf32, #tpu.memory_space<vmem>>, vector<8x128xf32>
    tpu.vector_store %arg7[%swap3A_1859, %swap3A_1860], %slice3A_1858 {strides = array<i32>} : memref<200x2048xf32, #tpu.memory_space<vmem>>, vector<8x128xf32>,
    %slice3A_1862 = vector.extract_strided_slice %dot_general3A_1805 {offsets = [112, 0], sizes = [8, 128], strides = [1, 1]} : vector<128x128xf32> to vector<8x128xf32>
    %swap3A_1863 = arith.constant 176 : index
    %swap3A_1864 = arith.constant 1792 : index
    %swap3A_1865 = vector.load %arg7[%swap3A_1863, %swap3A_1864] : memref<200x2048xf32, #tpu.memory_space<vmem>>, vector<8x128xf32>
    tpu.vector_store %arg7[%swap3A_1863, %swap3A_1864], %slice3A_1862 {strides = array<i32>} : memref<200x2048xf32, #tpu.memory_space<vmem>>, vector<8x128xf32>,
    %slice3A_1866 = vector.extract_strided_slice %dot_general3A_1805 {offsets = [120, 0], sizes = [8, 128], strides = [1, 1]} : vector<128x128xf32> to vector<8x128xf32>
    %swap3A_1867 = arith.constant 176 : index
    %swap3A_1868 = arith.constant 1920 : index
    %swap3A_1869 = vector.load %arg7[%swap3A_1867, %swap3A_1868] : memref<200x2048xf32, #tpu.memory_space<vmem>>, vector<8x128xf32>
    tpu.vector_store %arg7[%swap3A_1867, %swap3A_1868], %slice3A_1866 {strides = array<i32>} : memref<200x2048xf32, #tpu.memory_space<vmem>>, vector<8x128xf32>,
    %slice3A_1870 = vector.extract_strided_slice %select_n3A_70 {offsets = [0, 5888], sizes = [16, 256], strides = [1, 1]} : vector<16x6400xf32> to vector<16x256xf32>
    %broadcast_in_dim3A_1871 = vector.shape_cast %slice3A_1870 : vector<16x256xf32> to vector<16x1x256xf32>
    %broadcast_in_dim3A_1872 = vector.shape_cast %broadcast_in_dim3A_1871 : vector<16x1x256xf32> to vector<16x1x256xf32>
    %broadcast_in_dim3A_1873 = vector.broadcast %broadcast_in_dim3A_1872 : vector<16x1x256xf32> to vector<16x8x256xf32>
    %reshape3A_1874 = vector.shape_cast %broadcast_in_dim3A_1873 : vector<16x8x256xf32> to vector<128x256xf32>
    %jit3A_1875 = arith.constant 0.000000e+00 : f32
    %broadcast_in_dim3A_1876 = vector.broadcast %jit3A_1875 : f32 to vector<128x256xf32>
    %select_n3A_1877 = arith.select %eq3A_123, %reshape3A_1874, %broadcast_in_dim3A_1876 : vector<128x256xi1>, vector<128x256xf32>
    %convert_element_type3A_1878 = arith.truncf %select_n3A_1877 : vector<128x256xf32> to vector<128x256xbf16>
    %slice3A_1879 = vector.extract_strided_slice %convert_element_type3A {offsets = [5888, 0], sizes = [256, 128], strides = [1, 1]} : vector<6400x128xbf16> to vector<256x128xbf16>
    %dot_general3A_1880 = arith.constant dense<0.000000e+00> : vector<128x128xf32>
    %dot_general3A_1881 = tpu.matmul %convert_element_type3A_1878, %slice3A_1879, %dot_general3A_1880 {dimension_numbers = #tpu.dot_dimension_numbers<[1], [0], [0], [1], [0, 0, 1, 1], [], []>, transpose_lhs_hint = false} : vector<128x256xbf16>, vector<256x128xbf16>, vector<128x128xf32> -> vector<128x128xf32>
    %slice3A_1882 = vector.extract_strided_slice %dot_general3A_1881 {offsets = [0, 0], sizes = [8, 128], strides = [1, 1]} : vector<128x128xf32> to vector<8x128xf32>
    %swap3A_1883 = arith.constant 184 : index
    %swap3A_1884 = arith.constant 0 : index
    %swap3A_1885 = vector.load %arg7[%swap3A_1883, %swap3A_1884] : memref<200x2048xf32, #tpu.memory_space<vmem>>, vector<8x128xf32>
    tpu.vector_store %arg7[%swap3A_1883, %swap3A_1884], %slice3A_1882 {strides = array<i32>} : memref<200x2048xf32, #tpu.memory_space<vmem>>, vector<8x128xf32>,
    %slice3A_1886 = vector.extract_strided_slice %dot_general3A_1881 {offsets = [8, 0], sizes = [8, 128], strides = [1, 1]} : vector<128x128xf32> to vector<8x128xf32>
    %swap3A_1887 = arith.constant 184 : index
    %swap3A_1888 = arith.constant 128 : index
    %swap3A_1889 = vector.load %arg7[%swap3A_1887, %swap3A_1888] : memref<200x2048xf32, #tpu.memory_space<vmem>>, vector<8x128xf32>
    tpu.vector_store %arg7[%swap3A_1887, %swap3A_1888], %slice3A_1886 {strides = array<i32>} : memref<200x2048xf32, #tpu.memory_space<vmem>>, vector<8x128xf32>,
    %slice3A_1890 = vector.extract_strided_slice %dot_general3A_1881 {offsets = [16, 0], sizes = [8, 128], strides = [1, 1]} : vector<128x128xf32> to vector<8x128xf32>
    %swap3A_1891 = arith.constant 184 : index
    %swap3A_1892 = arith.constant 256 : index
    %swap3A_1893 = vector.load %arg7[%swap3A_1891, %swap3A_1892] : memref<200x2048xf32, #tpu.memory_space<vmem>>, vector<8x128xf32>
    tpu.vector_store %arg7[%swap3A_1891, %swap3A_1892], %slice3A_1890 {strides = array<i32>} : memref<200x2048xf32, #tpu.memory_space<vmem>>, vector<8x128xf32>,
    %slice3A_1894 = vector.extract_strided_slice %dot_general3A_1881 {offsets = [24, 0], sizes = [8, 128], strides = [1, 1]} : vector<128x128xf32> to vector<8x128xf32>
    %swap3A_1895 = arith.constant 184 : index
    %swap3A_1896 = arith.constant 384 : index
    %swap3A_1897 = vector.load %arg7[%swap3A_1895, %swap3A_1896] : memref<200x2048xf32, #tpu.memory_space<vmem>>, vector<8x128xf32>
    tpu.vector_store %arg7[%swap3A_1895, %swap3A_1896], %slice3A_1894 {strides = array<i32>} : memref<200x2048xf32, #tpu.memory_space<vmem>>, vector<8x128xf32>,
    %slice3A_1898 = vector.extract_strided_slice %dot_general3A_1881 {offsets = [32, 0], sizes = [8, 128], strides = [1, 1]} : vector<128x128xf32> to vector<8x128xf32>
    %swap3A_1899 = arith.constant 184 : index
    %swap3A_1900 = arith.constant 512 : index
    %swap3A_1901 = vector.load %arg7[%swap3A_1899, %swap3A_1900] : memref<200x2048xf32, #tpu.memory_space<vmem>>, vector<8x128xf32>
    tpu.vector_store %arg7[%swap3A_1899, %swap3A_1900], %slice3A_1898 {strides = array<i32>} : memref<200x2048xf32, #tpu.memory_space<vmem>>, vector<8x128xf32>,
    %slice3A_1902 = vector.extract_strided_slice %dot_general3A_1881 {offsets = [40, 0], sizes = [8, 128], strides = [1, 1]} : vector<128x128xf32> to vector<8x128xf32>
    %swap3A_1903 = arith.constant 184 : index
    %swap3A_1904 = arith.constant 640 : index
    %swap3A_1905 = vector.load %arg7[%swap3A_1903, %swap3A_1904] : memref<200x2048xf32, #tpu.memory_space<vmem>>, vector<8x128xf32>
    tpu.vector_store %arg7[%swap3A_1903, %swap3A_1904], %slice3A_1902 {strides = array<i32>} : memref<200x2048xf32, #tpu.memory_space<vmem>>, vector<8x128xf32>,
    %slice3A_1906 = vector.extract_strided_slice %dot_general3A_1881 {offsets = [48, 0], sizes = [8, 128], strides = [1, 1]} : vector<128x128xf32> to vector<8x128xf32>
    %swap3A_1907 = arith.constant 184 : index
    %swap3A_1908 = arith.constant 768 : index
    %swap3A_1909 = vector.load %arg7[%swap3A_1907, %swap3A_1908] : memref<200x2048xf32, #tpu.memory_space<vmem>>, vector<8x128xf32>
    tpu.vector_store %arg7[%swap3A_1907, %swap3A_1908], %slice3A_1906 {strides = array<i32>} : memref<200x2048xf32, #tpu.memory_space<vmem>>, vector<8x128xf32>,
    %slice3A_1910 = vector.extract_strided_slice %dot_general3A_1881 {offsets = [56, 0], sizes = [8, 128], strides = [1, 1]} : vector<128x128xf32> to vector<8x128xf32>
    %swap3A_1911 = arith.constant 184 : index
    %swap3A_1912 = arith.constant 896 : index
    %swap3A_1913 = vector.load %arg7[%swap3A_1911, %swap3A_1912] : memref<200x2048xf32, #tpu.memory_space<vmem>>, vector<8x128xf32>
    tpu.vector_store %arg7[%swap3A_1911, %swap3A_1912], %slice3A_1910 {strides = array<i32>} : memref<200x2048xf32, #tpu.memory_space<vmem>>, vector<8x128xf32>,
    %slice3A_1914 = vector.extract_strided_slice %dot_general3A_1881 {offsets = [64, 0], sizes = [8, 128], strides = [1, 1]} : vector<128x128xf32> to vector<8x128xf32>
    %swap3A_1915 = arith.constant 184 : index
    %swap3A_1916 = arith.constant 1024 : index
    %swap3A_1917 = vector.load %arg7[%swap3A_1915, %swap3A_1916] : memref<200x2048xf32, #tpu.memory_space<vmem>>, vector<8x128xf32>
    tpu.vector_store %arg7[%swap3A_1915, %swap3A_1916], %slice3A_1914 {strides = array<i32>} : memref<200x2048xf32, #tpu.memory_space<vmem>>, vector<8x128xf32>,
    %slice3A_1918 = vector.extract_strided_slice %dot_general3A_1881 {offsets = [72, 0], sizes = [8, 128], strides = [1, 1]} : vector<128x128xf32> to vector<8x128xf32>
    %swap3A_1919 = arith.constant 184 : index
    %swap3A_1920 = arith.constant 1152 : index
    %swap3A_1921 = vector.load %arg7[%swap3A_1919, %swap3A_1920] : memref<200x2048xf32, #tpu.memory_space<vmem>>, vector<8x128xf32>
    tpu.vector_store %arg7[%swap3A_1919, %swap3A_1920], %slice3A_1918 {strides = array<i32>} : memref<200x2048xf32, #tpu.memory_space<vmem>>, vector<8x128xf32>,
    %slice3A_1922 = vector.extract_strided_slice %dot_general3A_1881 {offsets = [80, 0], sizes = [8, 128], strides = [1, 1]} : vector<128x128xf32> to vector<8x128xf32>
    %swap3A_1923 = arith.constant 184 : index
    %swap3A_1924 = arith.constant 1280 : index
    %swap3A_1925 = vector.load %arg7[%swap3A_1923, %swap3A_1924] : memref<200x2048xf32, #tpu.memory_space<vmem>>, vector<8x128xf32>
    tpu.vector_store %arg7[%swap3A_1923, %swap3A_1924], %slice3A_1922 {strides = array<i32>} : memref<200x2048xf32, #tpu.memory_space<vmem>>, vector<8x128xf32>,
    %slice3A_1926 = vector.extract_strided_slice %dot_general3A_1881 {offsets = [88, 0], sizes = [8, 128], strides = [1, 1]} : vector<128x128xf32> to vector<8x128xf32>
    %swap3A_1927 = arith.constant 184 : index
    %swap3A_1928 = arith.constant 1408 : index
    %swap3A_1929 = vector.load %arg7[%swap3A_1927, %swap3A_1928] : memref<200x2048xf32, #tpu.memory_space<vmem>>, vector<8x128xf32>
    tpu.vector_store %arg7[%swap3A_1927, %swap3A_1928], %slice3A_1926 {strides = array<i32>} : memref<200x2048xf32, #tpu.memory_space<vmem>>, vector<8x128xf32>,
    %slice3A_1930 = vector.extract_strided_slice %dot_general3A_1881 {offsets = [96, 0], sizes = [8, 128], strides = [1, 1]} : vector<128x128xf32> to vector<8x128xf32>
    %swap3A_1931 = arith.constant 184 : index
    %swap3A_1932 = arith.constant 1536 : index
    %swap3A_1933 = vector.load %arg7[%swap3A_1931, %swap3A_1932] : memref<200x2048xf32, #tpu.memory_space<vmem>>, vector<8x128xf32>
    tpu.vector_store %arg7[%swap3A_1931, %swap3A_1932], %slice3A_1930 {strides = array<i32>} : memref<200x2048xf32, #tpu.memory_space<vmem>>, vector<8x128xf32>,
    %slice3A_1934 = vector.extract_strided_slice %dot_general3A_1881 {offsets = [104, 0], sizes = [8, 128], strides = [1, 1]} : vector<128x128xf32> to vector<8x128xf32>
    %swap3A_1935 = arith.constant 184 : index
    %swap3A_1936 = arith.constant 1664 : index
    %swap3A_1937 = vector.load %arg7[%swap3A_1935, %swap3A_1936] : memref<200x2048xf32, #tpu.memory_space<vmem>>, vector<8x128xf32>
    tpu.vector_store %arg7[%swap3A_1935, %swap3A_1936], %slice3A_1934 {strides = array<i32>} : memref<200x2048xf32, #tpu.memory_space<vmem>>, vector<8x128xf32>,
    %slice3A_1938 = vector.extract_strided_slice %dot_general3A_1881 {offsets = [112, 0], sizes = [8, 128], strides = [1, 1]} : vector<128x128xf32> to vector<8x128xf32>
    %swap3A_1939 = arith.constant 184 : index
    %swap3A_1940 = arith.constant 1792 : index
    %swap3A_1941 = vector.load %arg7[%swap3A_1939, %swap3A_1940] : memref<200x2048xf32, #tpu.memory_space<vmem>>, vector<8x128xf32>
    tpu.vector_store %arg7[%swap3A_1939, %swap3A_1940], %slice3A_1938 {strides = array<i32>} : memref<200x2048xf32, #tpu.memory_space<vmem>>, vector<8x128xf32>,
    %slice3A_1942 = vector.extract_strided_slice %dot_general3A_1881 {offsets = [120, 0], sizes = [8, 128], strides = [1, 1]} : vector<128x128xf32> to vector<8x128xf32>
    %swap3A_1943 = arith.constant 184 : index
    %swap3A_1944 = arith.constant 1920 : index
    %swap3A_1945 = vector.load %arg7[%swap3A_1943, %swap3A_1944] : memref<200x2048xf32, #tpu.memory_space<vmem>>, vector<8x128xf32>
    tpu.vector_store %arg7[%swap3A_1943, %swap3A_1944], %slice3A_1942 {strides = array<i32>} : memref<200x2048xf32, #tpu.memory_space<vmem>>, vector<8x128xf32>,
    %slice3A_1946 = vector.extract_strided_slice %select_n3A_70 {offsets = [0, 6144], sizes = [16, 256], strides = [1, 1]} : vector<16x6400xf32> to vector<16x256xf32>
    %broadcast_in_dim3A_1947 = vector.shape_cast %slice3A_1946 : vector<16x256xf32> to vector<16x1x256xf32>
    %broadcast_in_dim3A_1948 = vector.shape_cast %broadcast_in_dim3A_1947 : vector<16x1x256xf32> to vector<16x1x256xf32>
    %broadcast_in_dim3A_1949 = vector.broadcast %broadcast_in_dim3A_1948 : vector<16x1x256xf32> to vector<16x8x256xf32>
    %reshape3A_1950 = vector.shape_cast %broadcast_in_dim3A_1949 : vector<16x8x256xf32> to vector<128x256xf32>
    %jit3A_1951 = arith.constant 0.000000e+00 : f32
    %broadcast_in_dim3A_1952 = vector.broadcast %jit3A_1951 : f32 to vector<128x256xf32>
    %select_n3A_1953 = arith.select %eq3A_123, %reshape3A_1950, %broadcast_in_dim3A_1952 : vector<128x256xi1>, vector<128x256xf32>
    %convert_element_type3A_1954 = arith.truncf %select_n3A_1953 : vector<128x256xf32> to vector<128x256xbf16>
    %slice3A_1955 = vector.extract_strided_slice %convert_element_type3A {offsets = [6144, 0], sizes = [256, 128], strides = [1, 1]} : vector<6400x128xbf16> to vector<256x128xbf16>
    %dot_general3A_1956 = arith.constant dense<0.000000e+00> : vector<128x128xf32>
    %dot_general3A_1957 = tpu.matmul %convert_element_type3A_1954, %slice3A_1955, %dot_general3A_1956 {dimension_numbers = #tpu.dot_dimension_numbers<[1], [0], [0], [1], [0, 0, 1, 1], [], []>, transpose_lhs_hint = false} : vector<128x256xbf16>, vector<256x128xbf16>, vector<128x128xf32> -> vector<128x128xf32>
    %slice3A_1958 = vector.extract_strided_slice %dot_general3A_1957 {offsets = [0, 0], sizes = [8, 128], strides = [1, 1]} : vector<128x128xf32> to vector<8x128xf32>
    %swap3A_1959 = arith.constant 192 : index
    %swap3A_1960 = arith.constant 0 : index
    %swap3A_1961 = vector.load %arg7[%swap3A_1959, %swap3A_1960] : memref<200x2048xf32, #tpu.memory_space<vmem>>, vector<8x128xf32>
    tpu.vector_store %arg7[%swap3A_1959, %swap3A_1960], %slice3A_1958 {strides = array<i32>} : memref<200x2048xf32, #tpu.memory_space<vmem>>, vector<8x128xf32>,
    %slice3A_1962 = vector.extract_strided_slice %dot_general3A_1957 {offsets = [8, 0], sizes = [8, 128], strides = [1, 1]} : vector<128x128xf32> to vector<8x128xf32>
    %swap3A_1963 = arith.constant 192 : index
    %swap3A_1964 = arith.constant 128 : index
    %swap3A_1965 = vector.load %arg7[%swap3A_1963, %swap3A_1964] : memref<200x2048xf32, #tpu.memory_space<vmem>>, vector<8x128xf32>
    tpu.vector_store %arg7[%swap3A_1963, %swap3A_1964], %slice3A_1962 {strides = array<i32>} : memref<200x2048xf32, #tpu.memory_space<vmem>>, vector<8x128xf32>,
    %slice3A_1966 = vector.extract_strided_slice %dot_general3A_1957 {offsets = [16, 0], sizes = [8, 128], strides = [1, 1]} : vector<128x128xf32> to vector<8x128xf32>
    %swap3A_1967 = arith.constant 192 : index
    %swap3A_1968 = arith.constant 256 : index
    %swap3A_1969 = vector.load %arg7[%swap3A_1967, %swap3A_1968] : memref<200x2048xf32, #tpu.memory_space<vmem>>, vector<8x128xf32>
    tpu.vector_store %arg7[%swap3A_1967, %swap3A_1968], %slice3A_1966 {strides = array<i32>} : memref<200x2048xf32, #tpu.memory_space<vmem>>, vector<8x128xf32>,
    %slice3A_1970 = vector.extract_strided_slice %dot_general3A_1957 {offsets = [24, 0], sizes = [8, 128], strides = [1, 1]} : vector<128x128xf32> to vector<8x128xf32>
    %swap3A_1971 = arith.constant 192 : index
    %swap3A_1972 = arith.constant 384 : index
    %swap3A_1973 = vector.load %arg7[%swap3A_1971, %swap3A_1972] : memref<200x2048xf32, #tpu.memory_space<vmem>>, vector<8x128xf32>
    tpu.vector_store %arg7[%swap3A_1971, %swap3A_1972], %slice3A_1970 {strides = array<i32>} : memref<200x2048xf32, #tpu.memory_space<vmem>>, vector<8x128xf32>,
    %slice3A_1974 = vector.extract_strided_slice %dot_general3A_1957 {offsets = [32, 0], sizes = [8, 128], strides = [1, 1]} : vector<128x128xf32> to vector<8x128xf32>
    %swap3A_1975 = arith.constant 192 : index
    %swap3A_1976 = arith.constant 512 : index
    %swap3A_1977 = vector.load %arg7[%swap3A_1975, %swap3A_1976] : memref<200x2048xf32, #tpu.memory_space<vmem>>, vector<8x128xf32>
    tpu.vector_store %arg7[%swap3A_1975, %swap3A_1976], %slice3A_1974 {strides = array<i32>} : memref<200x2048xf32, #tpu.memory_space<vmem>>, vector<8x128xf32>,
    %slice3A_1978 = vector.extract_strided_slice %dot_general3A_1957 {offsets = [40, 0], sizes = [8, 128], strides = [1, 1]} : vector<128x128xf32> to vector<8x128xf32>
    %swap3A_1979 = arith.constant 192 : index
    %swap3A_1980 = arith.constant 640 : index
    %swap3A_1981 = vector.load %arg7[%swap3A_1979, %swap3A_1980] : memref<200x2048xf32, #tpu.memory_space<vmem>>, vector<8x128xf32>
    tpu.vector_store %arg7[%swap3A_1979, %swap3A_1980], %slice3A_1978 {strides = array<i32>} : memref<200x2048xf32, #tpu.memory_space<vmem>>, vector<8x128xf32>,
    %slice3A_1982 = vector.extract_strided_slice %dot_general3A_1957 {offsets = [48, 0], sizes = [8, 128], strides = [1, 1]} : vector<128x128xf32> to vector<8x128xf32>
    %swap3A_1983 = arith.constant 192 : index
    %swap3A_1984 = arith.constant 768 : index
    %swap3A_1985 = vector.load %arg7[%swap3A_1983, %swap3A_1984] : memref<200x2048xf32, #tpu.memory_space<vmem>>, vector<8x128xf32>
    tpu.vector_store %arg7[%swap3A_1983, %swap3A_1984], %slice3A_1982 {strides = array<i32>} : memref<200x2048xf32, #tpu.memory_space<vmem>>, vector<8x128xf32>,
    %slice3A_1986 = vector.extract_strided_slice %dot_general3A_1957 {offsets = [56, 0], sizes = [8, 128], strides = [1, 1]} : vector<128x128xf32> to vector<8x128xf32>
    %swap3A_1987 = arith.constant 192 : index
    %swap3A_1988 = arith.constant 896 : index
    %swap3A_1989 = vector.load %arg7[%swap3A_1987, %swap3A_1988] : memref<200x2048xf32, #tpu.memory_space<vmem>>, vector<8x128xf32>
    tpu.vector_store %arg7[%swap3A_1987, %swap3A_1988], %slice3A_1986 {strides = array<i32>} : memref<200x2048xf32, #tpu.memory_space<vmem>>, vector<8x128xf32>,
    %slice3A_1990 = vector.extract_strided_slice %dot_general3A_1957 {offsets = [64, 0], sizes = [8, 128], strides = [1, 1]} : vector<128x128xf32> to vector<8x128xf32>
    %swap3A_1991 = arith.constant 192 : index
    %swap3A_1992 = arith.constant 1024 : index
    %swap3A_1993 = vector.load %arg7[%swap3A_1991, %swap3A_1992] : memref<200x2048xf32, #tpu.memory_space<vmem>>, vector<8x128xf32>
    tpu.vector_store %arg7[%swap3A_1991, %swap3A_1992], %slice3A_1990 {strides = array<i32>} : memref<200x2048xf32, #tpu.memory_space<vmem>>, vector<8x128xf32>,
    %slice3A_1994 = vector.extract_strided_slice %dot_general3A_1957 {offsets = [72, 0], sizes = [8, 128], strides = [1, 1]} : vector<128x128xf32> to vector<8x128xf32>
    %swap3A_1995 = arith.constant 192 : index
    %swap3A_1996 = arith.constant 1152 : index
    %swap3A_1997 = vector.load %arg7[%swap3A_1995, %swap3A_1996] : memref<200x2048xf32, #tpu.memory_space<vmem>>, vector<8x128xf32>
    tpu.vector_store %arg7[%swap3A_1995, %swap3A_1996], %slice3A_1994 {strides = array<i32>} : memref<200x2048xf32, #tpu.memory_space<vmem>>, vector<8x128xf32>,
    %slice3A_1998 = vector.extract_strided_slice %dot_general3A_1957 {offsets = [80, 0], sizes = [8, 128], strides = [1, 1]} : vector<128x128xf32> to vector<8x128xf32>
    %swap3A_1999 = arith.constant 192 : index
    %swap3A_2000 = arith.constant 1280 : index
    %swap3A_2001 = vector.load %arg7[%swap3A_1999, %swap3A_2000] : memref<200x2048xf32, #tpu.memory_space<vmem>>, vector<8x128xf32>
    tpu.vector_store %arg7[%swap3A_1999, %swap3A_2000], %slice3A_1998 {strides = array<i32>} : memref<200x2048xf32, #tpu.memory_space<vmem>>, vector<8x128xf32>,
    %slice3A_2002 = vector.extract_strided_slice %dot_general3A_1957 {offsets = [88, 0], sizes = [8, 128], strides = [1, 1]} : vector<128x128xf32> to vector<8x128xf32>
    %swap3A_2003 = arith.constant 192 : index
    %swap3A_2004 = arith.constant 1408 : index
    %swap3A_2005 = vector.load %arg7[%swap3A_2003, %swap3A_2004] : memref<200x2048xf32, #tpu.memory_space<vmem>>, vector<8x128xf32>
    tpu.vector_store %arg7[%swap3A_2003, %swap3A_2004], %slice3A_2002 {strides = array<i32>} : memref<200x2048xf32, #tpu.memory_space<vmem>>, vector<8x128xf32>,
    %slice3A_2006 = vector.extract_strided_slice %dot_general3A_1957 {offsets = [96, 0], sizes = [8, 128], strides = [1, 1]} : vector<128x128xf32> to vector<8x128xf32>
    %swap3A_2007 = arith.constant 192 : index
    %swap3A_2008 = arith.constant 1536 : index
    %swap3A_2009 = vector.load %arg7[%swap3A_2007, %swap3A_2008] : memref<200x2048xf32, #tpu.memory_space<vmem>>, vector<8x128xf32>
    tpu.vector_store %arg7[%swap3A_2007, %swap3A_2008], %slice3A_2006 {strides = array<i32>} : memref<200x2048xf32, #tpu.memory_space<vmem>>, vector<8x128xf32>,
    %slice3A_2010 = vector.extract_strided_slice %dot_general3A_1957 {offsets = [104, 0], sizes = [8, 128], strides = [1, 1]} : vector<128x128xf32> to vector<8x128xf32>
    %swap3A_2011 = arith.constant 192 : index
    %swap3A_2012 = arith.constant 1664 : index
    %swap3A_2013 = vector.load %arg7[%swap3A_2011, %swap3A_2012] : memref<200x2048xf32, #tpu.memory_space<vmem>>, vector<8x128xf32>
    tpu.vector_store %arg7[%swap3A_2011, %swap3A_2012], %slice3A_2010 {strides = array<i32>} : memref<200x2048xf32, #tpu.memory_space<vmem>>, vector<8x128xf32>,
    %slice3A_2014 = vector.extract_strided_slice %dot_general3A_1957 {offsets = [112, 0], sizes = [8, 128], strides = [1, 1]} : vector<128x128xf32> to vector<8x128xf32>
    %swap3A_2015 = arith.constant 192 : index
    %swap3A_2016 = arith.constant 1792 : index
    %swap3A_2017 = vector.load %arg7[%swap3A_2015, %swap3A_2016] : memref<200x2048xf32, #tpu.memory_space<vmem>>, vector<8x128xf32>
    tpu.vector_store %arg7[%swap3A_2015, %swap3A_2016], %slice3A_2014 {strides = array<i32>} : memref<200x2048xf32, #tpu.memory_space<vmem>>, vector<8x128xf32>,
    %slice3A_2018 = vector.extract_strided_slice %dot_general3A_1957 {offsets = [120, 0], sizes = [8, 128], strides = [1, 1]} : vector<128x128xf32> to vector<8x128xf32>
    %swap3A_2019 = arith.constant 192 : index
    %swap3A_2020 = arith.constant 1920 : index
    %swap3A_2021 = vector.load %arg7[%swap3A_2019, %swap3A_2020] : memref<200x2048xf32, #tpu.memory_space<vmem>>, vector<8x128xf32>
    tpu.vector_store %arg7[%swap3A_2019, %swap3A_2020], %slice3A_2018 {strides = array<i32>} : memref<200x2048xf32, #tpu.memory_space<vmem>>, vector<8x128xf32>,
    %get3A_2022 = arith.constant 0 : index
    %get3A_2023 = arith.constant 0 : index
    %get3A_2024 = vector.load %arg7[%get3A_2022, %get3A_2023] : memref<200x2048xf32, #tpu.memory_space<vmem>>, vector<200x2048xf32>
    %convert_element_type3A_2025 = arith.truncf %get3A_2024 : vector<200x2048xf32> to vector<200x2048xbf16>
    %get3A_2026 = arith.constant 0 : index
    %get3A_2027 = arith.constant 0 : index
    %get3A_2028 = vector.load %arg4[%get3A_2026, %get3A_2027] : memref<2048x128xbf16, #tpu.memory_space<vmem>>, vector<2048x128xbf16>
    %dot_general3A_2029 = arith.constant dense<0.000000e+00> : vector<200x128xf32>
    %dot_general3A_2030 = tpu.matmul %convert_element_type3A_2025, %get3A_2028, %dot_general3A_2029 {dimension_numbers = #tpu.dot_dimension_numbers<[1], [0], [0], [1], [0, 0, 1, 1], [], []>, transpose_lhs_hint = false} : vector<200x2048xbf16>, vector<2048x128xbf16>, vector<200x128xf32> -> vector<200x128xf32>
    %swap3A_2031 = arith.constant 0 : index
    %swap3A_2032 = arith.constant 0 : index
    %swap3A_2033 = vector.load %arg5[%swap3A_2031, %swap3A_2032] : memref<200x128xf32, #tpu.memory_space<vmem>>, vector<200x128xf32>
    tpu.vector_store %arg5[%swap3A_2031, %swap3A_2032], %dot_general3A_2030 {strides = array<i32>} : memref<200x128xf32, #tpu.memory_space<vmem>>, vector<200x128xf32>,
    %eq3A_2034 = arith.constant 0 : i32
    %eq3A_2035 = arith.cmpi eq, %arg0, %eq3A_2034 : i32
    %convert_element_type3A_2036 = arith.extui %eq3A_2035 : i1 to i32
    %cond3A = arith.constant 0 : i32
    %cond3A_2037 = arith.cmpi ne, %convert_element_type3A_2036, %cond3A : i32
    scf.if %cond3A_2037 {
      %broadcast_in_dim3A_2058 = arith.constant 0.000000e+00 : f32
      %broadcast_in_dim3A_2059 = vector.broadcast %broadcast_in_dim3A_2058 : f32 to vector<8x128xf32>
      %swap3A_2060 = arith.constant 0 : index
      %swap3A_2061 = arith.constant 0 : index
      %swap3A_2062 = vector.load %arg6[%swap3A_2060, %swap3A_2061] : memref<8x128xf32, #tpu.memory_space<vmem>>, vector<8x128xf32>
      tpu.vector_store %arg6[%swap3A_2060, %swap3A_2061], %broadcast_in_dim3A_2059 {strides = array<i32>} : memref<8x128xf32, #tpu.memory_space<vmem>>, vector<8x128xf32>,
    } else {
    }
    %get3A_2038 = arith.constant 0 : index
    %get3A_2039 = arith.constant 0 : index
    %get3A_2040 = vector.load %arg6[%get3A_2038, %get3A_2039] : memref<8x128xf32, #tpu.memory_space<vmem>>, vector<1x128xf32>
    %reduce_sum3A = arith.constant dense<0.000000e+00> : vector<128xf32>
    %reduce_sum3A_2041 = vector.multi_reduction <add>, %dot_general3A_2030, %reduce_sum3A [0] : vector<200x128xf32> to vector<128xf32>
    %broadcast_in_dim3A_2042 = vector.shape_cast %reduce_sum3A_2041 : vector<128xf32> to vector<1x128xf32>
    %add3A_2043 = arith.addf %get3A_2040, %broadcast_in_dim3A_2042 : vector<1x128xf32>
    %swap3A_2044 = arith.constant 0 : index
    %swap3A_2045 = arith.constant 0 : index
    %swap3A_2046 = vector.load %arg6[%swap3A_2044, %swap3A_2045] : memref<8x128xf32, #tpu.memory_space<vmem>>, vector<1x128xf32>
    tpu.vector_store %arg6[%swap3A_2044, %swap3A_2045], %add3A_2043 {strides = array<i32>} : memref<8x128xf32, #tpu.memory_space<vmem>>, vector<1x128xf32>,
    %get3A_2047 = arith.constant 1 : index
    %get3A_2048 = arith.constant 0 : index
    %get3A_2049 = vector.load %arg6[%get3A_2047, %get3A_2048] : memref<8x128xf32, #tpu.memory_space<vmem>>, vector<1x128xf32>
    %mul3A_2050 = arith.mulf %dot_general3A_2030, %dot_general3A_2030 : vector<200x128xf32>
    %reduce_sum3A_2051 = arith.constant dense<0.000000e+00> : vector<128xf32>
    %reduce_sum3A_2052 = vector.multi_reduction <add>, %mul3A_2050, %reduce_sum3A_2051 [0] : vector<200x128xf32> to vector<128xf32>
    %broadcast_in_dim3A_2053 = vector.shape_cast %reduce_sum3A_2052 : vector<128xf32> to vector<1x128xf32>
    %add3A_2054 = arith.addf %get3A_2049, %broadcast_in_dim3A_2053 : vector<1x128xf32>
    %swap3A_2055 = arith.constant 1 : index
    %swap3A_2056 = arith.constant 0 : index
    %swap3A_2057 = vector.load %arg6[%swap3A_2055, %swap3A_2056] : memref<8x128xf32, #tpu.memory_space<vmem>>, vector<1x128xf32>
    tpu.vector_store %arg6[%swap3A_2055, %swap3A_2056], %add3A_2054 {strides = array<i32>} : memref<8x128xf32, #tpu.memory_space<vmem>>, vector<1x128xf32>,
    return
  }
  func.func @transform_0(%arg0: i32) -> (i32, i32) {
    %c0_i32 = arith.constant 0 : i32
    %c0_i32_0 = arith.constant 0 : i32
    return %arg0, %c0_i32 : i32, i32
  }
  func.func @transform_1(%arg0: i32) -> (i32, i32) {
    %c0_i32 = arith.constant 0 : i32
    %c0_i32_0 = arith.constant 0 : i32
    return %c0_i32, %arg0 : i32, i32
  }
  func.func @transform_2(%arg0: i32) -> (i32, i32) {
    %c0_i32 = arith.constant 0 : i32
    %c0_i32_0 = arith.constant 0 : i32
    %c0_i32_1 = arith.constant 0 : i32
    return %c0_i32, %c0_i32_0 : i32, i32
  }
  func.func @transform_3(%arg0: i32) -> (i32, i32) {
    %c0_i32 = arith.constant 0 : i32
    %c0_i32_0 = arith.constant 0 : i32
    %c0_i32_1 = arith.constant 0 : i32
    return %c0_i32, %c0_i32_0 : i32, i32
  }
  func.func @transform_4(%arg0: i32) -> (i32, i32) {
    %c0_i32 = arith.constant 0 : i32
    %c0_i32_0 = arith.constant 0 : i32
    return %arg0, %c0_i32 : i32, i32
  }
  func.func @transform_5(%arg0: i32) -> (i32, i32) {
    %c0_i32 = arith.constant 0 : i32
    %c0_i32_0 = arith.constant 0 : i32
    %c0_i32_1 = arith.constant 0 : i32
    return %c0_i32, %c0_i32_0 : i32, i32
  }
}

module attributes {stable_mosaic.version = 14 : i64} {
  func.func @_bn_body(%arg0: memref<10000x128xf32, #tpu.memory_space<vmem>>, %arg1: memref<8x128xf32, #tpu.memory_space<vmem>>, %arg2: memref<1x128xf32, #tpu.memory_space<vmem>>, %arg3: memref<1x128xf32, #tpu.memory_space<vmem>>, %arg4: memref<10000x128xf32, #tpu.memory_space<vmem>>) attributes {dimension_semantics = [], scalar_prefetch = 0 : i64, scratch_operands = 0 : i64, tpu.core_type = #tpu.core_type<tc>} {
    %get3A = arith.constant 0 : index
    %get3A_0 = arith.constant 0 : index
    %get3A_1 = vector.load %arg0[%get3A, %get3A_0] : memref<10000x128xf32, #tpu.memory_space<vmem>>, vector<10000x128xf32>
    %get3A_2 = arith.constant 0 : index
    %get3A_3 = arith.constant 0 : index
    %get3A_4 = vector.load %arg1[%get3A_2, %get3A_3] : memref<8x128xf32, #tpu.memory_space<vmem>>, vector<8x128xf32>
    %reshape3A = vector.shape_cast %get3A_4 : vector<8x128xf32> to vector<1x8x128xf32>
    %reduce_sum3A = arith.constant dense<0.000000e+00> : vector<8x128xf32>
    %reduce_sum3A_5 = vector.multi_reduction <add>, %reshape3A, %reduce_sum3A [0] : vector<1x8x128xf32> to vector<8x128xf32>
    %slice3A = vector.extract_strided_slice %reduce_sum3A_5 {offsets = [0, 0], sizes = [1, 128], strides = [1, 1]} : vector<8x128xf32> to vector<1x128xf32>
    %mul3A = arith.constant 9.99999974E-5 : f32
    %mul3A_6 = vector.broadcast %mul3A : f32 to vector<1x128xf32>
    %mul3A_7 = arith.mulf %slice3A, %mul3A_6 : vector<1x128xf32>
    %slice3A_8 = vector.extract_strided_slice %reduce_sum3A_5 {offsets = [1, 0], sizes = [1, 128], strides = [1, 1]} : vector<8x128xf32> to vector<1x128xf32>
    %mul3A_9 = arith.constant 9.99999974E-5 : f32
    %mul3A_10 = vector.broadcast %mul3A_9 : f32 to vector<1x128xf32>
    %mul3A_11 = arith.mulf %slice3A_8, %mul3A_10 : vector<1x128xf32>
    %mul3A_12 = arith.mulf %mul3A_7, %mul3A_7 : vector<1x128xf32>
    %sub3A = arith.subf %mul3A_11, %mul3A_12 : vector<1x128xf32>
    %get3A_13 = arith.constant 0 : index
    %get3A_14 = arith.constant 0 : index
    %get3A_15 = vector.load %arg2[%get3A_13, %get3A_14] : memref<1x128xf32, #tpu.memory_space<vmem>>, vector<1x128xf32>
    %add3A = arith.constant 9.99999974E-6 : f32
    %add3A_16 = vector.broadcast %add3A : f32 to vector<1x128xf32>
    %add3A_17 = arith.addf %sub3A, %add3A_16 : vector<1x128xf32>
    %rsqrt3A = math.rsqrt %add3A_17 : vector<1x128xf32>
    %mul3A_18 = arith.mulf %get3A_15, %rsqrt3A : vector<1x128xf32>
    %get3A_19 = arith.constant 0 : index
    %get3A_20 = arith.constant 0 : index
    %get3A_21 = vector.load %arg3[%get3A_19, %get3A_20] : memref<1x128xf32, #tpu.memory_space<vmem>>, vector<1x128xf32>
    %mul3A_22 = arith.mulf %mul3A_7, %mul3A_18 : vector<1x128xf32>
    %sub3A_23 = arith.subf %get3A_21, %mul3A_22 : vector<1x128xf32>
    %mul3A_24 = vector.broadcast %mul3A_18 : vector<1x128xf32> to vector<10000x128xf32>
    %mul3A_25 = arith.mulf %get3A_1, %mul3A_24 : vector<10000x128xf32>
    %add3A_26 = vector.broadcast %sub3A_23 : vector<1x128xf32> to vector<10000x128xf32>
    %add3A_27 = arith.addf %mul3A_25, %add3A_26 : vector<10000x128xf32>
    %ge3A = arith.constant 0.000000e+00 : f32
    %ge3A_28 = vector.broadcast %ge3A : f32 to vector<10000x128xf32>
    %ge3A_29 = arith.cmpf oge, %add3A_27, %ge3A_28 : vector<10000x128xf32>
    %mul3A_30 = arith.constant 2.000000e-01 : f32
    %mul3A_31 = vector.broadcast %mul3A_30 : f32 to vector<10000x128xf32>
    %mul3A_32 = arith.mulf %mul3A_31, %add3A_27 : vector<10000x128xf32>
    %select_n3A = arith.select %ge3A_29, %add3A_27, %mul3A_32 : vector<10000x128xi1>, vector<10000x128xf32>
    %swap3A = arith.constant 0 : index
    %swap3A_33 = arith.constant 0 : index
    %swap3A_34 = vector.load %arg4[%swap3A, %swap3A_33] : memref<10000x128xf32, #tpu.memory_space<vmem>>, vector<10000x128xf32>
    tpu.vector_store %arg4[%swap3A, %swap3A_33], %select_n3A {strides = array<i32>} : memref<10000x128xf32, #tpu.memory_space<vmem>>, vector<10000x128xf32>,
    return
  }
}

</mosaic_0001>

<sc_bundles>
// kernel: kernel.5.cloned.1.call-start
scs
__scs_entry_jumppad:
0x0: {  	(pc) =	sbr.rel $0x88, $3  }
0x1: {  	(tag) =	ssettag $0x0;
	lr =	simm.s32 $0x1  }
0x2: {  	[smem:$0x3F9A] =	sst lr;
	_ =	strace $0xD0000000  }
0x3: {  	_ = 	snop  }
0x4: {  	_ = 	snop  }
0x5: {  	_ = 	snop  }
0x6: {  	_ = 	snop  }
0x7: {  	_ = 	snop  }
__scs_overlays_trampoline_lowered:
0x8: {  	[smem:$0x3FA9] =	sst s0  }
0x9: {  	[smem:$0x3FAA] =	sst s1  }
0xa: {  	[smem:$0x3FAB] =	sst s2  }
0xb: {  	[smem:$0x3FAC] =	sst s3  }
0xc: {  	[smem:$0x3FAD] =	sst s4  }
0xd: {  	[smem:$0x3FAE] =	sst s5  }
0xe: {  	[smem:$0x3FAF] =	sst s6  }
0xf: {  	[smem:$0x3FB0] =	sst s7  }
0x10: {  	[smem:$0x3FB1] =	sst s8  }
0x11: {  	[smem:$0x3FB2] =	sst s9;
	s0 =	simm.s32 @!p0 $0x0  }
0x12: {  	s1 =	sld [smem:$0x3F98];
	s0 =	simm.s32 @p0 $0x1  }
0x13: {  	[smem:$0x3FB3] =	sst s0;
	s0 =	simm.s32 @!p1 $0x0  }
0x14: {  	s2 =	sld [smem:$0x3F97];
	s0 =	simm.s32 @p1 $0x1  }
0x15: {  	[smem:$0x3FB4] =	sst s0;
	s0 =	simm.s32 @!p2 $0x0  }
0x16: {  	s3 =	sld [smem:$0x3FDB];
	s0 =	simm.s32 @p2 $0x1  }
0x17: {  	s4 =	simm.s32 $0x1BF5;
	[smem:$0x3FB6] =	sst s0  }
0x18: {  	s0 =	sld [smem:$0x3F99];
	_ =	swait.ge [sflag:s4], $0x0  }
0x19: {  	s7 =	sld [smem:$0x3F9A]  }
0x1a: {  	s8 =	sadd.s32 $0xFFFFE003, lr  }
0x1b: {  	s9 =	sadd.s32 $0xFFFFFEF7, lr;
	s5 =	simm.s32 $0xFFFFFFFF;
	p2 =	slt.u32 s8, $0xFFFFF086  }
0x1c: {  	p1 =	slt.u32 s9, $0xF7A;
	s5 =	simm.s32 @!p2 $0x0  }
0x1d: {  	s5 =	simm.s32 @p1 $0x1;
	p0 =	seq.s32 s7, s2  }
0x1e: {  	s7 =	smul.u32 @!p0 $0xF7A, s2;
	p2 =	seq.s32 @!p0 s5, $0x0  }
0x1f: {  	s9 =	smul.u32 $0xF7A, s1;
	s8 =	simm.s32 @!p0 $0x1BF5;
	p2 =	por !p2, p0  }
0x20: {  	[sflag:s8] =	ssyncset.s32 @!p0 $0xFFFFF086;
	s6 =	sadd.s32 @!p0 s3, s7;
	s7 =	simm.s32 @!p0 $0x108  }
0x21: {  	s3 =	sadd.s32 s3, s9;
	s6 =	sadd.s32 @!p0 $0x88, s6;
	s7 =	simm.s32 @p2 $0x1082  }
0x22: {  	[simem:s7], [sflag:s8] =	dma.local @!p0 [hbm:s6], $0xF7A  }
0x23: {  	s9 =	sor.u32 $0xD0000000, s2;
	s6 =	simm.s32 $0x108;
	_ =	swait.ge @!p0 [sflag:s8], $0x0  }
0x24: {  	s3 =	sadd.s32 $0x88, s3;
	s6 =	simm.s32 @!p1 $0x1082;
	[sflag:s4] =	ssyncset.s32 $0xFFFFF086  }
0x25: {  	[simem:s6], [sflag:s4] =	dma.local [hbm:s3], $0xF7A  }
0x26: {  	[smem:$0x3F9A] =	sst s1;
	(tag) =	ssettag s2;
	_ =	strace s9  }
0x27: {  	s1 =	sld [smem:$0x3FAA]  }
0x28: {  	s2 =	sld [smem:$0x3FAB]  }
0x29: {  	s4 =	sld [smem:$0x3FAD]  }
0x2a: {  	p0 =	seq.s32 s5, $0x0;
	s5 =	sld [smem:$0x3FAE]  }
0x2b: {  	s6 =	sld [smem:$0x3FAF]  }
0x2c: {  	s7 =	sld [smem:$0x3FB0]  }
0x2d: {  	s3 =	simm.s32 $0x108;
	s8 =	sld [smem:$0x3FB1]  }
0x2e: {  	s3 =	simm.s32 @!p0 $0x1082;
	s9 =	sld [smem:$0x3FB2]  }
0x2f: {  	lr =	sadd.s32 s0, s3;
	s0 =	sld [smem:$0x3FA9]  }
0x30: {  	s3 =	sld [smem:$0x3FAC]  }
0x31: {  	[smem:$0x3FB5] =	sst s10  }
0x32: {  	s10 =	sld [smem:$0x3FB3];
	_ =	sdelay $0x3  }
0x33: {  	p0 =	seq.s32 s10, $0x1;
	s10 =	sld [smem:$0x3FB5];
	_ =	sdelay $0x3  }
0x34: {  	[smem:$0x3FB5] =	sst s10  }
0x35: {  	s10 =	sld [smem:$0x3FB4];
	_ =	sdelay $0x3  }
0x36: {  	p1 =	seq.s32 s10, $0x1;
	s10 =	sld [smem:$0x3FB5];
	_ =	sdelay $0x3  }
0x37: {  	[smem:$0x3FB5] =	sst s10  }
0x38: {  	s10 =	sld [smem:$0x3FB6]  }
0x39: {  	_ = 	snop;
	(pc) =	sbr.ind lr, $3  }
0x3a: {  	_ = 	snop  }
0x3b: {  	_ = 	snop  }
0x3c: {  	p2 =	seq.s32 s10, $0x1;
	s10 =	sld [smem:$0x3FB5]  }
0x3d: {  	_ =	shalt  }
0x3e: {  	_ =	shalt  }
0x3f: {  	_ =	shalt  }
0x40: {  	_ =	shalt  }
0x41: {  	_ =	shalt  }
0x42: {  	_ =	shalt  }
0x43: {  	_ =	shalt  }
0x44: {  	_ =	shalt  }
0x45: {  	_ =	shalt  }
0x46: {  	_ =	shalt  }
0x47: {  	_ =	shalt  }
0x48: {  	_ =	shalt  }
0x49: {  	_ =	shalt  }
0x4a: {  	_ =	shalt  }
0x4b: {  	_ =	shalt  }
0x4c: {  	_ =	shalt  }
0x4d: {  	_ =	shalt  }
0x4e: {  	_ =	shalt  }
0x4f: {  	_ =	shalt  }
0x50: {  	_ =	shalt  }
0x51: {  	_ =	shalt  }
0x52: {  	_ =	shalt  }
0x53: {  	_ =	shalt  }
0x54: {  	_ =	shalt  }
0x55: {  	_ =	shalt  }
0x56: {  	_ =	shalt  }
0x57: {  	_ =	shalt  }
0x58: {  	_ =	shalt  }
0x59: {  	_ =	shalt  }
0x5a: {  	_ =	shalt  }
0x5b: {  	_ =	shalt  }
0x5c: {  	_ =	shalt  }
0x5d: {  	_ =	shalt  }
0x5e: {  	_ =	shalt  }
0x5f: {  	_ =	shalt  }
0x60: {  	_ =	shalt  }
0x61: {  	_ =	shalt  }
0x62: {  	_ =	shalt  }
0x63: {  	_ =	shalt  }
0x64: {  	_ =	shalt  }
0x65: {  	_ =	shalt  }
0x66: {  	_ =	shalt  }
0x67: {  	_ =	shalt  }
0x68: {  	_ =	shalt  }
0x69: {  	_ =	shalt  }
0x6a: {  	_ =	shalt  }
0x6b: {  	_ =	shalt  }
0x6c: {  	_ =	shalt  }
0x6d: {  	_ =	shalt  }
0x6e: {  	_ =	shalt  }
0x6f: {  	_ =	shalt  }
0x70: {  	_ =	shalt  }
0x71: {  	_ =	shalt  }
0x72: {  	_ =	shalt  }
0x73: {  	_ =	shalt  }
0x74: {  	_ =	shalt  }
0x75: {  	_ =	shalt  }
0x76: {  	_ =	shalt  }
0x77: {  	_ =	shalt  }
0x78: {  	_ =	shalt  }
0x79: {  	_ =	shalt  }
0x7a: {  	_ =	shalt  }
0x7b: {  	_ =	shalt  }
0x7c: {  	_ =	shalt  }
0x7d: {  	_ =	shalt  }
0x7e: {  	_ =	shalt  }
0x7f: {  	_ =	shalt  }
0x80: {  	_ =	shalt  }
0x81: {  	_ =	shalt  }
0x82: {  	_ =	shalt  }
0x83: {  	_ =	shalt  }
0x84: {  	_ =	shalt  }
0x85: {  	_ =	shalt  }
0x86: {  	_ =	shalt  }
0x87: {  	_ =	shalt  }
.Lfunc_end0:
.L_simem_size_0:
called_computation_lowered:
.L_overlay_start_0:
0x88: {  	s2 =	sld [smem:$0x3FD9]  }
0x89: {  	s3 =	sld [smem:$0x3FFE];
	_ =	sdelay $0x1  }
0x8a: {  	s1 =	srdreg.scid  }
0x8b: {  	s0 =	sand.u32 $0x1, s1  }
0x8c: {  	s16 =	sshll.u32 s0, $0xA;
	s2 =	sadd.s32 s3, s2  }
0x8d: {  	s2 =	sadd.s32 s2, s16  }
0x8e: {  	[smem:$0x3FC1] =	sst s2  }
0x8f: {  	_ = 	snop  }
0x90: {  	(tm) =	ssettm $0x1  }
0x91: {  	s17 =	sld [smem:$0x3FFB];
	_ =	sdelay $0x3  }
0x92: {  	_ =	strace s17  }
0x93: {  	s2 =	sld [smem:$0x3FFC];
	_ =	sdelay $0x3  }
0x94: {  	_ =	strace s2  }
0x95: {  	s2 =	sld [smem:$0x3FFD];
	_ =	sdelay $0x3  }
0x96: {  	_ =	strace s2  }
0x97: {  	_ =	strace $0x8FFFFFFF  }
0x98: {  	s18 =	sld [smem:$0x3FDB];
	_ =	sdelay $0x1  }
0x99: {  	s19 =	simm.s32 $_scs_section_size  }
0x9a: {  	s4 =	simm.s32 $_size__tile_overlayer_lowered;
	s5 =	simm.s32 $_tile_overlayer_lowered  }
0x9b: {  	s22 =	simm.s32 $0x1BFF;
	s21 =	sshll.u32 s5, $0x1;
	s2 =	sadd.s32 s19, s18  }
0x9c: {  	s6 =	simm.s32 $0x0;
	s20 =	sshll.u32 s4, $0x1;
	s4 =	sadd.s32 s21, s2  }
0x9d: {  	[timem:s6], [sflag:s22] =	dma.local [hbm:s4], s20  }
0x9e: {  	_ =	swait.ge [sflag:s22], s20  }
0x9f: {  	s3 =	ssub.s32 $0x0, s20;
	[sflag:s22] =	ssyncset.done $0x0  }
0xa0: {  	[sflag:s22] =	ssyncadd.s32 s3;
	_ =	sdelay $0x1  }
0xa1: {  	s23 =	simm.s32 $0x1B8B  }
0xa2: {  	_ =	swait.ge [sflag:s23], $0x1  }
0xa3: {  	[sflag:s23] =	ssyncset.done $0x0  }
0xa4: {  	s25 =	simm.s32 $0x1B8E;
	s24 =	sld [smem:$0x3FFE];
	[sflag:s23] =	ssyncadd.s32 $0xFFFFFFFF  }
0xa5: {  	s26 =	simm.s32 $execute0_lowered;
	[smem:$0x3FD2] =	sst s25  }
0xa6: {  	s4 =	sshll.u32 s26, $0x1;
	_ =	strace $0x80000046;
	[dreg:$0x1] =	wrdreg $0xFFFFFFFF  }
0xa7: {  	s28 =	simm.s32 $_size_execute0_lowered;
	s2 =	sadd.s32 s2, s4;
	[dreg:$0x0] =	wrdreg $0x0  }
0xa8: {  	s4 =	sshll.u32 s28, $0x1;
	[dreg:$0x2] =	wrdreg s2  }
0xa9: {  	[dreg:$0x3] =	wrdreg s4  }
0xaa: {  	[dreg:$0x4] =	wrdreg $0xC0  }
0xab: {  	_ =	task [dreg:s6], $0x5FFFF  }
0xac: {  	[dreg:$0x1] =	wrdreg $0xFFFFFFFF  }
0xad: {  	[dreg:$0x0] =	wrdreg $0x60  }
0xae: {  	[dreg:$0x2] =	wrdreg s24  }
0xaf: {  	[dreg:$0x3] =	wrdreg $0x9  }
0xb0: {  	_ =	task.clear_ibuf [dreg:s6], $0x4FFFF;
	_ =	strace $0x90000046  }
0xb1: {  	s29 =	simm.s32 $0x9;
	_ =	strace $0x80000048  }
0xb2: {  	_ =	swait.ge [sflag:s29], $0x1  }
0xb3: {  	[sflag:s29] =	ssyncadd.s32 $0xFFFFFFFF  }
0xb4: {  	_ =	strace $0x90000048  }
0xb5: {  	_ =	sfence  }
0xb6: {  	s30 =	sld [smem:$0x0];
	_ =	sdelay $0x2  }
0xb7: {  	s31 =	sshll.u32 s1, $0xD;
	s1 =	sshrl.u32 s1, $0x2  }
0xb8: {  	s3 =	sand.u32 $0x4000, s31;
	s1 =	sadd.s32 s1, s30  }
0xb9: {  	s0 =	sor.u32 s3, s0;
	s1 =	sshll.u32 s1, $0x11  }
0xba: {  	s0 =	sor.u32 s1, s0  }
0xbb: {  	s0 =	sadd.s32 $0x8F2B, s0  }
0xbc: {  	[sflag:s0] =	ssyncadd.remote.s32 $0x1  }
0xbd: {  	_ =	sfence.sel $0xFFFF  }
0xbe: {  	[dreg:$0x0] =	wrdreg $0xFFFFFFFF;
	(pc) =	sbr.abs _section_cstart, $3  }
0xbf: {  	[dreg:$0x1] =	wrdreg $0xFFFFFFFF  }
0xc0: {  	_ =	task.clear_ibuf [dreg:s6], $0x2FFFF;
	_ =	strace $0x9FFFFFFF  }
0xc1: {  	(tm) =	ssettm $0x7FFFFFFF  }
tec
execute0_lowered:
.L_overlay_start_1:
0x0: {  	(tag) =	ssettag $0x1  }
0x1: {  	s4 =	rddreg [dreg:$0x0]  }
0x2: {  	s0 =	rddreg [dreg:$0x1]  }
0x3: {  	s3 =	srdreg.scid;
	s1 =	stileid.u32;
	s2 =	simm.s32 $0x0  }
0x4: {  	s10 =	simm.s32 $0x1;
	s11 =	simm.s32 $0x0;
	s6 =	smul.u32 $0x4E20, s1  }
0x5: {  	s5 =	sand.u32 $0x1, s3;
	[smem:$0x7FF] =	sst s2;
	s8 =	smul.u32 $0x4E200, s1  }
0x6: {  	s3 =	sadd.s32 $0xB200, s4;
	s7 =	smul.u32 $0x2710, s5;
	s9 =	ssub.s32 $0x2, s5  }
0x7: {  	_ =	strace $0x80000047;
	s5 =	smul.u32 $0x27100, s5;
	s31 =	sshrl.u32 s9, $0x1  }
0x8: {  	s30 =	sadd.s32 s8, s4;
	s6 =	sadd.s32 s7, s6;
	s8 =	ssub.s32 s9, s31  }
0x9: {  	s5 =	sadd.s32 s5, s30;
	s7 =	simm.s32 $0x2;
	s6 =	sshrl.u32 s6, $0x3  }
0xa: {  	s9 =	simm.s32 $0x200;
	s5 =	sadd.s32 $0x32400, s5;
	s6 =	sadd.s32 s6, s4  }
0xb: {  	s4 =	smax.u32 s8, $0x1;
	s8 =	simm.s32 $0x190;
	s6 =	sadd.s32 $0x1400, s6  }
.LBB2_1:
0xc: {  	s12 =	sadd.s32 $0x0, s6  }
0xd: {  	[tilespmem:s2], [sflag:$0x2] =	stream.linear.gather [hbm4b:s12+s2], $0x190, $0x38;
	[tilespmem:$0xCA00] =	vst v63  }
0xe: {  	_ =	swait.ge [sflag:s7], $0x190  }
0xf: {  	[sflag:s7] =	ssyncset.done $0x0  }
0x10: {  	[sflag:s7] =	ssyncadd.s32 $0xFFFFFE70  }
0x11: {  	[tilespmem:s9], [sflag:$0x1] =	stream.indirect.gather [hbm4b:s3+s8], $0x80, s2, s8, $0xb8;
	[tilespmem:$0xCA00] =	vst v63  }
0x12: {  	_ =	swait.ge [sflag:s10], $0xC800  }
0x13: {  	[sflag:s10] =	ssyncset.done $0x0  }
0x14: {  	[sflag:s10] =	ssyncadd.s32 $0xFFFF3800  }
0x15: {  	[hbm4b:s5+s2] =	stream.linear.scatter [tilespmem:s9], [sflag:$0x2], $0xC800, $0x38;
	[tilespmem:$0xCA00] =	vst v63  }
0x16: {  	s13 =	simm.s32 $0x32;
	_ =	swait.ge [sflag:s7], $0xC800  }
0x17: {  	s14 =	simm.s32 $0x64;
	s12 =	sadd.s32 $0x1900, s5;
	[sflag:s7] =	ssyncset.done $0x0  }
.LBB2_2:
0x18: {  	s15 =	sadd.s32 s13, s6  }
0x19: {  	[sflag:s7] =	ssyncadd.s32 $0xFFFF3800;
	s13 =	smov.u32 s14;
	s16 =	sadd.s32 $0x32, s14  }
0x1a: {  	[tilespmem:s2], [sflag:$0x2] =	stream.linear.gather [hbm4b:s15+s2], $0x190, $0x38;
	[tilespmem:$0xCA00] =	vst v63  }
0x1b: {  	p0 =	sne.s32 s14, $0x4B0;
	_ =	swait.ge [sflag:s7], $0x190  }
0x1c: {  	[sflag:s7] =	ssyncset.done $0x0  }
0x1d: {  	[sflag:s7] =	ssyncadd.s32 $0xFFFFFE70  }
0x1e: {  	[tilespmem:s9], [sflag:$0x1] =	stream.indirect.gather [hbm4b:s3+s8], $0x80, s2, s8, $0xb8;
	[tilespmem:$0xCA00] =	vst v63  }
0x1f: {  	_ =	swait.ge [sflag:s10], $0xC800  }
.Ltmp0:
0x20: {  	[sflag:s10] =	ssyncset.done $0x0;
	(pc) =	sbr.rel @p0 .LBB2_2-.Ltmp0, $4  }
0x21: {  	[sflag:s10] =	ssyncadd.s32 $0xFFFF3800  }
0x22: {  	[hbm4b:s12+s2] =	stream.linear.scatter [tilespmem:s9], [sflag:$0x2], $0xC800, $0x38;
	[tilespmem:$0xCA00] =	vst v63  }
0x23: {  	_ =	swait.ge [sflag:s7], $0xC800  }
0x24: {  	s14 =	smov.u32 s16;
	s12 =	sadd.s32 $0x1900, s12;
	[sflag:s7] =	ssyncset.done $0x0  }
0x25: {  	s13 =	sadd.s32 s13, s6;
	[sflag:s7] =	ssyncadd.s32 $0xFFFF3800  }
0x26: {  	[tilespmem:s2], [sflag:$0x2] =	stream.linear.gather [hbm4b:s13+s2], $0x190, $0x38;
	[tilespmem:$0xCA00] =	vst v63  }
0x27: {  	_ =	swait.ge [sflag:s7], $0x190  }
0x28: {  	[sflag:s7] =	ssyncset.done $0x0  }
0x29: {  	[sflag:s7] =	ssyncadd.s32 $0xFFFFFE70  }
0x2a: {  	[tilespmem:s9], [sflag:$0x1] =	stream.indirect.gather [hbm4b:s3+s8], $0x80, s2, s8, $0xb8;
	[tilespmem:$0xCA00] =	vst v63  }
0x2b: {  	s11 =	sadd.s32 $0x1, s11;
	_ =	swait.ge [sflag:s10], $0xC800  }
0x2c: {  	p0 =	sne.s32 s11, s4;
	[sflag:s10] =	ssyncset.done $0x0  }
.Ltmp1:
0x2d: {  	[sflag:s10] =	ssyncadd.s32 $0xFFFF3800;
	(pc) =	sbr.rel @p0 .LBB2_1-.Ltmp1, $4  }
0x2e: {  	[hbm4b:s12+s2] =	stream.linear.scatter [tilespmem:s9], [sflag:$0x2], $0xC800, $0x38;
	[tilespmem:$0xCA00] =	vst v63  }
0x2f: {  	_ =	swait.ge [sflag:s7], $0xC800  }
0x30: {  	[sflag:s7] =	ssyncset.done $0x0  }
0x31: {  	[sflag:s7] =	ssyncadd.s32 $0xFFFF3800  }
0x32: {  	_ =	sfence.sel $0x180000  }
0x33: {  	[bflag:$0x0] =	sbarrier.arrive $0xFFFF  }
0x34: {  	p0 =	sne.s32 s1, $0x0;
	_ =	strace $0x90000047  }
0x35: {  	s0 =	sadd.s32 @!p0 $0x100000, s0;
	[bflag:$0x2] =	sbarrier.arrive $0xFFFF  }
0x36: {  	[sflag:s0] =	ssyncadd.tile.s32 @!p0 $0x1;
	_ =	shalt  }
.Lfunc_end2:
_tile_overlayer_lowered:
.L_overlay_start_2:
0x37: {  	(tag) =	ssettag $0x2  }
0x38: {  	s0 =	rddreg [dreg:$0x0];
	s2 =	stileid.u32  }
0x39: {  	s1 =	rddreg [dreg:$0x1];
	p0 =	sne.s32 s2, $0x0  }
0x3a: {  	s3 =	rddreg [dreg:$0x2];
	[bflag:$0x3] =	sbarrier.arrive $0xFFFF;
	s2 =	simm.s32 @!p0 $0x1C02  }
0x3b: {  	[timem:s3], [sflag:s2] =	dma.local @!p0 [hbm:s0], s1  }
0x3c: {  	s0 =	simm.s32 @!p0 $0x2  }
0x3d: {  	_ =	swait.ge @!p0 [sflag:s0], s1  }
0x3e: {  	s1 =	ssub.s32 @!p0 $0x0, s1;
	[sflag:s0] =	ssyncset.done @!p0 $0x0  }
0x3f: {  	[sflag:s0] =	ssyncadd.s32 @!p0 s1  }
0x40: {  	[bflag:$0x3] =	sbarrier.arrive $0xFFFF  }
0x41: {  	_ =	shalt  }

</sc_bundles>
